<compile_context>
chip_gen: v7x
topology: tpu7x:2x2x1
jax: 0.10.2.dev20260603
libtpu: 0.0.44.dev20260713+nightly
codegen_flags: <defaults>
</compile_context>

<pallas_src>
import functools

import jax
import jax.numpy as jnp
import numpy as np
from jax import lax
from jax.experimental import pallas as pl
from jax.experimental.pallas import tpu as pltpu
from jax.experimental.pallas import tpu_sc as plsc

L = 16
NC = 1
NS = 16
OPENTH = np.float32(1e36)
CLOSEDV = np.float32(1e37)
INF = np.float32(np.inf)
HALF = np.float32(0.5)


def _astar_sc_kernel(B, N, W, T):
    NCH = N // L
    mesh = plsc.VectorSubcoreMesh(
        core_axis_name="c", subcore_axis_name="s", num_cores=NC, num_subcores=NS
    )

    @functools.partial(
        pl.kernel,
        mesh=mesh,
        compiler_params=pltpu.CompilerParams(needs_layout_passes=False),
        out_type=[
            jax.ShapeDtypeStruct((B, N), jnp.float32),
            jax.ShapeDtypeStruct((B, N), jnp.float32),
        ],
        scratch_types=[
            pltpu.VMEM((N,), jnp.float32),
            pltpu.VMEM((N,), jnp.float32),
            pltpu.VMEM((N,), jnp.float32),
            pltpu.VMEM((N,), jnp.float32),
            pltpu.VMEM((N,), jnp.int32),
            pltpu.VMEM((N,), jnp.float32),
            pltpu.VMEM((L,), jnp.float32),
            pltpu.SemaphoreType.DMA,
        ],
    )
    def k(h_hbm, fkey0_hbm, parents0_hbm, path0_hbm, zeros_hbm, goal_hbm,
          hist_out, path_out,
          fkey_v, g_v, h_v, hist_v, parents_v, path_v, goal_v, sem):
        wid = lax.axis_index("s") * NC + lax.axis_index("c")

        @pl.when(wid < B)
        def _():
            cps = [
                pltpu.async_copy(h_hbm.at[wid], h_v, sem),
                pltpu.async_copy(fkey0_hbm.at[wid], fkey_v, sem),
                pltpu.async_copy(parents0_hbm.at[wid], parents_v, sem),
                pltpu.async_copy(path0_hbm.at[wid], path_v, sem),
                pltpu.async_copy(zeros_hbm, g_v, sem),
                pltpu.async_copy(goal_hbm.at[wid], goal_v, sem),
            ]
            for cp in cps:
                cp.wait()

            lane = lax.iota(jnp.int32, L)
            lane_f = lane.astype(jnp.float32)
            goal_f = goal_v[...]
            goal_i = goal_f.astype(jnp.int32)
            t = lane + (lane >= 4).astype(jnp.int32)
            is_nb = lane < 8
            off_y = jnp.where(is_nb, t // 3 - 1, 0)
            off_x = jnp.where(is_nb, t % 3 - 1, 0)
            ones_f = jnp.full((L,), 1.0, jnp.float32)
            inf_v = jnp.full((L,), INF, jnp.float32)
            lane8 = lane == 8
            lane0 = lane == 0
            eights = jnp.full((L,), 8, jnp.int32)

            def splat_min(x):
                for kk in (1, 2, 4, 8):
                    x = jnp.minimum(
                        x, x.at[lane ^ kk].get(mode="promise_in_bounds"))
                return x

            def step_cond(carry):
                t, solved = carry
                return (t < T) & jnp.logical_not(jnp.any(solved))

            def step(carry):
                t, solved = carry
                NS_ = 8
                bv = [inf_v] * NS_
                bc = [lane_f * 0.0] * NS_
                for c in range(NCH):
                    v = fkey_v[pl.ds(c * L, L)]
                    a = c & (NS_ - 1)
                    lt = v < bv[a]
                    bv[a] = jnp.where(lt, v, bv[a])
                    bc[a] = jnp.where(lt, np.float32(c), bc[a])

                def mrg(p, q):
                    v0, c0 = p
                    v1, c1 = q
                    take1 = (v1 < v0) | ((v1 == v0) & (c1 < c0))
                    return (jnp.where(take1, v1, v0),
                            jnp.where(take1, c1, c0))

                ps = [(bv[a], bc[a]) for a in range(NS_)]
                while len(ps) > 1:
                    ps = [mrg(ps[i], ps[i + 1])
                          for i in range(0, len(ps), 2)]
                v, cid = ps[0]
                m = splat_min(v)
                gi = jnp.where(v == m, cid * np.float32(L) + lane_f,
                               np.float32(2 * N))
                n_f = splat_min(gi)
                n_f = jnp.where(m > OPENTH, np.float32(0.0), n_f)
                n_i = n_f.astype(jnp.int32)

                wsh = W.bit_length() - 1
                ny = n_i >> wsh
                nx = n_i & (W - 1)
                my = ny + off_y
                mx = nx + off_x
                inb = is_nb & (my >= 0) & (my < W) & (mx >= 0) & (mx < W)
                mi = jnp.where(inb, (my << wsh) + mx, n_i)

                gm = plsc.load_gather(g_v, [mi])
                hm = plsc.load_gather(h_v, [mi])
                fm = plsc.load_gather(fkey_v, [mi])

                hn8 = hm.at[eights].get(mode="promise_in_bounds")
                gval = (gm.at[eights].get(mode="promise_in_bounds")
                        + jnp.where(hn8 > 0.0, np.float32(1.0),
                                    np.float32(0.0)))

                openm = fm < OPENTH
                never = fm == INF
                cond = inb & (hm > 0.0) & (
                    (openm & (gm > gval))
                    | (jnp.logical_not(openm) & never))

                newf = HALF * gval + HALF * jnp.abs(hm)
                close8 = lane8 & (n_f != goal_f)

                plsc.store_scatter(g_v, [mi], gval, mask=cond)
                plsc.store_scatter(parents_v, [mi], n_i, mask=cond)
                plsc.store_scatter(
                    fkey_v, [mi],
                    jnp.where(close8, CLOSEDV, newf),
                    mask=cond | close8)
                return t + 1, solved | (n_f == goal_f)

            _, solved_b = lax.while_loop(
                step_cond, step, (jnp.int32(0), jnp.zeros((L,), jnp.bool_)))
            solved = jnp.where(solved_b, 1.0, 0.0)

            for c in range(NCH):
                sl = pl.ds(c * L, L)
                hist_v[sl] = jnp.where(fkey_v[sl] == CLOSEDV, 1.0, 0.0)
            plsc.store_scatter(hist_v, [goal_i], solved, mask=lane0)

            loc0 = plsc.load_gather(parents_v, [goal_i])

            def bt_cond(carry):
                t, loc = carry
                return (t < T) & jnp.logical_not(jnp.any(loc == goal_i))

            def bt(carry):
                t, loc = carry
                plsc.store_scatter(path_v, [loc], ones_f, mask=lane0)
                return t + 1, plsc.load_gather(parents_v, [loc])

            lax.while_loop(bt_cond, bt, (jnp.int32(0), loc0))

            pltpu.sync_copy(hist_v, hist_out.at[wid])
            pltpu.sync_copy(path_v, path_out.at[wid])

    return k


def kernel(map_designs, start_maps, goal_maps):
    B, H, W = map_designs.shape
    N = H * W
    T = N // 2
    f32 = jnp.float32

    goal_idx = jnp.argmax(goal_maps.reshape(B, N), axis=1).astype(jnp.int32)
    start_idx = jnp.argmax(start_maps.reshape(B, N), axis=1).astype(jnp.int32)

    gy = (goal_idx // W).astype(f32)
    gx = (goal_idx % W).astype(f32)
    dy = jnp.abs(jnp.arange(H, dtype=f32)[None, :, None] - gy[:, None, None])
    dx = jnp.abs(jnp.arange(W, dtype=f32)[None, None, :] - gx[:, None, None])
    dy = jnp.broadcast_to(dy, (B, H, W))
    dx = jnp.broadcast_to(dx, (B, H, W))
    h_cheb = (dy + dx) - jnp.minimum(dy, dx)
    euc = jnp.sqrt(dy ** 2 + dx ** 2)
    h = (h_cheb + 0.001 * euc + map_designs).reshape(B, N).astype(f32)
    h_pack = jnp.where(map_designs.reshape(B, N) == 1.0, h, -h)

    b_ar = jnp.arange(B)
    fkey0 = jnp.full((B, N), jnp.inf, f32)
    fkey0 = fkey0.at[b_ar, start_idx].set(0.5 * h[b_ar, start_idx])
    parents0 = jnp.broadcast_to(goal_idx[:, None], (B, N))
    path0 = goal_maps.reshape(B, N).astype(f32)
    zeros_n = jnp.zeros((N,), f32)
    goal_splat = jnp.broadcast_to(goal_idx[:, None].astype(f32), (B, L))

    hist, path = _astar_sc_kernel(B, N, W, T)(
        h_pack, fkey0, parents0, path0, zeros_n, goal_splat)
    return hist.reshape(B, H, W), path.reshape(B, H, W)

# --- scband reference (transcript-rebuilt; emitter-appended) ---
"""Pipeline reference for scband-vanilla-astar-9740985827596 (READ-ONLY COPY).

The authoritative reference and input builder live on the scoring server;
editing this copy changes nothing except your own understanding.
"""

import jax, jax.numpy as jnp
import numpy as np

G_RATIO = 0.5
SEARCH_STEP_RATIO = 0.5
B, H, W = 16, 32, 32
T = int(H * W * SEARCH_STEP_RATIO)


def setup_inputs(seed: int = 0):
    key = jax.random.key(seed)
    k1, k2, k3, k4, k5 = jax.random.split(key, 5)
    map_designs = (jax.random.uniform(k1, (B, H, W)) > 0.25).astype(jnp.float32)
    sy = jax.random.randint(k2, (B,), 0, H // 4)
    sx = jax.random.randint(k3, (B,), 0, W // 4)
    gy = jax.random.randint(k4, (B,), 3 * H // 4, H)
    gx = jax.random.randint(k5, (B,), 3 * W // 4, W)
    start_maps = jnp.zeros((B, H, W), jnp.float32).at[jnp.arange(B), sy, sx].set(1.0)
    goal_maps = jnp.zeros((B, H, W), jnp.float32).at[jnp.arange(B), gy, gx].set(1.0)
    map_designs = jnp.maximum(jnp.maximum(map_designs, start_maps), goal_maps)
    return {"map_designs": map_designs, "start_maps": start_maps, "goal_maps": goal_maps}


def _expand(x):
    kern = jnp.ones((3, 3), jnp.float32).at[1, 1].set(0.0)
    return jax.lax.conv_general_dilated(x[None, None], kern[None, None], (1, 1), 'SAME')[0, 0]


def _st_softmax_noexp(val):
    shp = val.shape
    v = val.reshape(-1)
    s = v.sum()
    y = v / jnp.where(s == 0.0, 1.0, s)
    y_hard = jax.nn.one_hot(jnp.argmax(v), v.shape[0], dtype=v.dtype)
    out = jax.lax.stop_gradient(y_hard - y) + y
    return out.reshape(shp)


def _astar_single(cost_map, start_map, goal_map, obstacle_map):
    Hh, Ww = cost_map.shape
    N = Hh * Ww
    goal_idx = jnp.argmax(goal_map.reshape(-1))
    gy = (goal_idx // Ww).astype(jnp.float32)
    gx = (goal_idx % Ww).astype(jnp.float32)
    dy = jnp.broadcast_to(jnp.abs(jnp.arange(Hh, dtype=jnp.float32)[:, None] - gy), (Hh, Ww))
    dx = jnp.broadcast_to(jnp.abs(jnp.arange(Ww, dtype=jnp.float32)[None, :] - gx), (Hh, Ww))
    h_cheb = (dy + dx) - jnp.minimum(dy, dx)
    euc = jnp.sqrt(dy ** 2 + dx ** 2)
    h = h_cheb + 0.001 * euc + cost_map

    g0 = jnp.zeros_like(cost_map)
    open0 = start_map
    hist0 = jnp.zeros_like(cost_map)
    parents0 = jnp.full((N,), goal_idx, dtype=jnp.int32)

    def body(carry, _):
        g, open_m, hist, parents = carry
        f = G_RATIO * g + (1.0 - G_RATIO) * h
        f_exp = jnp.exp(-f / jnp.sqrt(float(Ww))) * open_m
        sel = _st_softmax_noexp(f_exp)
        dist_to_goal = (sel * goal_map).sum()
        is_unsolved = (dist_to_goal < 1e-8).astype(cost_map.dtype)
        hist = jnp.clip(hist + sel, 0.0, 1.0)
        open_m = jnp.clip(open_m - is_unsolved * sel, 0.0, 1.0)
        neighbor = _expand(sel) * obstacle_map
        g2 = _expand((g + cost_map) * sel)
        idx = ((1.0 - open_m) * (1.0 - hist) + open_m * (g > g2).astype(cost_map.dtype)) * neighbor
        idx = jax.lax.stop_gradient(idx)
        g = jax.lax.stop_gradient(g2 * idx + g * (1.0 - idx))
        open_m = jax.lax.stop_gradient(jnp.clip(open_m + idx, 0.0, 1.0))
        idx_f = idx.reshape(-1)
        new_parent = jnp.argmax(sel.reshape(-1)).astype(cost_map.dtype)
        parents = (new_parent * idx_f + parents.astype(cost_map.dtype) * (1.0 - idx_f)).astype(jnp.int32)
        return (g, open_m, hist, parents), None

    (g, open_m, hist, parents), _ = jax.lax.scan(body, (g0, open0, hist0, parents0), None, length=T)
    return hist, parents, goal_idx


def _backtrack(goal_map, parents, goal_idx):
    path = goal_map.reshape(-1)
    loc = parents[goal_idx]

    def bt(i, c):
        p, l = c
        p = p.at[l].set(1.0)
        l = parents[l]
        return (p, l)

    path, _ = jax.lax.fori_loop(0, T, bt, (path, loc))
    return path.reshape(goal_map.shape)


def reference(map_designs, start_maps, goal_maps):
    # encode() in VanillaAstar is identity: cost_maps = map_designs
    cost_maps = map_designs
    hist, parents, goal_idx = jax.vmap(_astar_single)(cost_maps, start_maps, goal_maps, map_designs)
    paths = jax.vmap(_backtrack)(goal_maps, parents, goal_idx)
    return hist, paths

if __name__ == "__main__":
    import jax
    _d = setup_inputs()
    print(jax.jit(kernel)(*tuple(_d.values())))

</pallas_src>

<mosaic_0001>
#map = affine_map<(d0, d1) -> (0, 0)>
#map1 = affine_map<(d0, d1) -> (0)>
module attributes {stable_mosaic.version = 14 : i64} {
  func.func @k(%arg0: i32, %arg1: i32, %arg2: memref<16x1024xf32, #tpu.memory_space<hbm>>, %arg3: memref<16x1024xf32, #tpu.memory_space<hbm>>, %arg4: memref<16x1024xi32, #tpu.memory_space<hbm>>, %arg5: memref<16x1024xf32, #tpu.memory_space<hbm>>, %arg6: memref<1024xf32, #tpu.memory_space<hbm>>, %arg7: memref<16x16xf32, #tpu.memory_space<hbm>>, %arg8: memref<16x1024xf32, #tpu.memory_space<hbm>>, %arg9: memref<16x1024xf32, #tpu.memory_space<hbm>>, %arg10: memref<1024xf32, #tpu.memory_space<vmem>>, %arg11: memref<1024xf32, #tpu.memory_space<vmem>>, %arg12: memref<1024xf32, #tpu.memory_space<vmem>>, %arg13: memref<1024xf32, #tpu.memory_space<vmem>>, %arg14: memref<1024xi32, #tpu.memory_space<vmem>>, %arg15: memref<1024xf32, #tpu.memory_space<vmem>>, %arg16: memref<16xf32, #tpu.memory_space<vmem>>, %arg17: memref<!tpu.dma_semaphore, #tpu.memory_space<semaphore_mem>>) attributes {dimension_semantics = [#tpu.dimension_semantics<core_parallel>, #tpu.dimension_semantics<subcore_parallel>], iteration_bounds = array<i64: 1, 16>, scalar_prefetch = 0 : i64, scratch_operands = 8 : i64, tpu.core_type = #tpu.core_type<sc_vector_subcore>, window_params = [{transform_indices = #map}, {transform_indices = #map}, {transform_indices = #map}, {transform_indices = #map}, {transform_indices = #map1}, {transform_indices = #map}, {transform_indices = #map}, {transform_indices = #map}]} {
    %mul3A = arith.constant 1 : i32
    %mul3A_0 = arith.muli %arg1, %mul3A : i32
    %add3A = arith.addi %mul3A_0, %arg0 : i32
    %lt3A = arith.constant 16 : i32
    %lt3A_1 = arith.cmpi slt, %add3A, %lt3A : i32
    %convert_element_type3A = arith.extui %lt3A_1 : i1 to i32
    %cond3A = arith.constant 0 : i32
    %cond3A_2 = arith.cmpi ne, %convert_element_type3A, %cond3A : i32
    scf.if %cond3A_2 {
      %dma_start3A = arith.constant 0 : i32
      %dma_start3A_3 = tpu.memref_slice %arg2[%add3A, %dma_start3A] : memref<16x1024xf32, #tpu.memory_space<hbm>> -> memref<1x1024xf32, #tpu.memory_space<hbm>>
      %dma_start3A_4 = tpu.memref_squeeze %dma_start3A_3 : memref<1x1024xf32, #tpu.memory_space<hbm>> -> memref<1024xf32, #tpu.memory_space<hbm>>
      %dma_start3A_5 = arith.constant 0 : i32
      %dma_start3A_6 = tpu.memref_slice %arg2[%add3A, %dma_start3A_5] : memref<16x1024xf32, #tpu.memory_space<hbm>> -> memref<1x1024xf32, #tpu.memory_space<hbm>>
      %dma_start3A_7 = tpu.memref_squeeze %dma_start3A_6 : memref<1x1024xf32, #tpu.memory_space<hbm>> -> memref<1024xf32, #tpu.memory_space<hbm>>
      tpu.enqueue_dma source(%dma_start3A_7 : memref<1024xf32, #tpu.memory_space<hbm>>) target(%arg12 : memref<1024xf32, #tpu.memory_space<vmem>>) target_semaphore(%arg17 : memref<!tpu.dma_semaphore, #tpu.memory_space<semaphore_mem>>)
      %dma_start3A_8 = arith.constant 0 : i32
      %dma_start3A_9 = tpu.memref_slice %arg3[%add3A, %dma_start3A_8] : memref<16x1024xf32, #tpu.memory_space<hbm>> -> memref<1x1024xf32, #tpu.memory_space<hbm>>
      %dma_start3A_10 = tpu.memref_squeeze %dma_start3A_9 : memref<1x1024xf32, #tpu.memory_space<hbm>> -> memref<1024xf32, #tpu.memory_space<hbm>>
      %dma_start3A_11 = arith.constant 0 : i32
      %dma_start3A_12 = tpu.memref_slice %arg3[%add3A, %dma_start3A_11] : memref<16x1024xf32, #tpu.memory_space<hbm>> -> memref<1x1024xf32, #tpu.memory_space<hbm>>
      %dma_start3A_13 = tpu.memref_squeeze %dma_start3A_12 : memref<1x1024xf32, #tpu.memory_space<hbm>> -> memref<1024xf32, #tpu.memory_space<hbm>>
      tpu.enqueue_dma source(%dma_start3A_13 : memref<1024xf32, #tpu.memory_space<hbm>>) target(%arg10 : memref<1024xf32, #tpu.memory_space<vmem>>) target_semaphore(%arg17 : memref<!tpu.dma_semaphore, #tpu.memory_space<semaphore_mem>>)
      %dma_start3A_14 = arith.constant 0 : i32
      %dma_start3A_15 = tpu.memref_slice %arg4[%add3A, %dma_start3A_14] : memref<16x1024xi32, #tpu.memory_space<hbm>> -> memref<1x1024xi32, #tpu.memory_space<hbm>>
      %dma_start3A_16 = tpu.memref_squeeze %dma_start3A_15 : memref<1x1024xi32, #tpu.memory_space<hbm>> -> memref<1024xi32, #tpu.memory_space<hbm>>
      %dma_start3A_17 = arith.constant 0 : i32
      %dma_start3A_18 = tpu.memref_slice %arg4[%add3A, %dma_start3A_17] : memref<16x1024xi32, #tpu.memory_space<hbm>> -> memref<1x1024xi32, #tpu.memory_space<hbm>>
      %dma_start3A_19 = tpu.memref_squeeze %dma_start3A_18 : memref<1x1024xi32, #tpu.memory_space<hbm>> -> memref<1024xi32, #tpu.memory_space<hbm>>
      tpu.enqueue_dma source(%dma_start3A_19 : memref<1024xi32, #tpu.memory_space<hbm>>) target(%arg14 : memref<1024xi32, #tpu.memory_space<vmem>>) target_semaphore(%arg17 : memref<!tpu.dma_semaphore, #tpu.memory_space<semaphore_mem>>)
      %dma_start3A_20 = arith.constant 0 : i32
      %dma_start3A_21 = tpu.memref_slice %arg5[%add3A, %dma_start3A_20] : memref<16x1024xf32, #tpu.memory_space<hbm>> -> memref<1x1024xf32, #tpu.memory_space<hbm>>
      %dma_start3A_22 = tpu.memref_squeeze %dma_start3A_21 : memref<1x1024xf32, #tpu.memory_space<hbm>> -> memref<1024xf32, #tpu.memory_space<hbm>>
      %dma_start3A_23 = arith.constant 0 : i32
      %dma_start3A_24 = tpu.memref_slice %arg5[%add3A, %dma_start3A_23] : memref<16x1024xf32, #tpu.memory_space<hbm>> -> memref<1x1024xf32, #tpu.memory_space<hbm>>
      %dma_start3A_25 = tpu.memref_squeeze %dma_start3A_24 : memref<1x1024xf32, #tpu.memory_space<hbm>> -> memref<1024xf32, #tpu.memory_space<hbm>>
      tpu.enqueue_dma source(%dma_start3A_25 : memref<1024xf32, #tpu.memory_space<hbm>>) target(%arg15 : memref<1024xf32, #tpu.memory_space<vmem>>) target_semaphore(%arg17 : memref<!tpu.dma_semaphore, #tpu.memory_space<semaphore_mem>>)
      tpu.enqueue_dma source(%arg6 : memref<1024xf32, #tpu.memory_space<hbm>>) target(%arg11 : memref<1024xf32, #tpu.memory_space<vmem>>) target_semaphore(%arg17 : memref<!tpu.dma_semaphore, #tpu.memory_space<semaphore_mem>>)
      %dma_start3A_26 = arith.constant 0 : i32
      %dma_start3A_27 = tpu.memref_slice %arg7[%add3A, %dma_start3A_26] : memref<16x16xf32, #tpu.memory_space<hbm>> -> memref<1x16xf32, #tpu.memory_space<hbm>>
      %dma_start3A_28 = tpu.memref_squeeze %dma_start3A_27 : memref<1x16xf32, #tpu.memory_space<hbm>> -> memref<16xf32, #tpu.memory_space<hbm>>
      %dma_start3A_29 = arith.constant 0 : i32
      %dma_start3A_30 = tpu.memref_slice %arg7[%add3A, %dma_start3A_29] : memref<16x16xf32, #tpu.memory_space<hbm>> -> memref<1x16xf32, #tpu.memory_space<hbm>>
      %dma_start3A_31 = tpu.memref_squeeze %dma_start3A_30 : memref<1x16xf32, #tpu.memory_space<hbm>> -> memref<16xf32, #tpu.memory_space<hbm>>
      tpu.enqueue_dma source(%dma_start3A_31 : memref<16xf32, #tpu.memory_space<hbm>>) target(%arg16 : memref<16xf32, #tpu.memory_space<vmem>>) target_semaphore(%arg17 : memref<!tpu.dma_semaphore, #tpu.memory_space<semaphore_mem>>)
      %dma_wait3A = arith.constant 0 : i32
      %dma_wait3A_32 = tpu.memref_slice %arg2[%add3A, %dma_wait3A] : memref<16x1024xf32, #tpu.memory_space<hbm>> -> memref<1x1024xf32, #tpu.memory_space<hbm>>
      %dma_wait3A_33 = tpu.memref_squeeze %dma_wait3A_32 : memref<1x1024xf32, #tpu.memory_space<hbm>> -> memref<1024xf32, #tpu.memory_space<hbm>>
      %dma_wait3A_34 = arith.constant 0 : i32
      %dma_wait3A_35 = tpu.memref_slice %arg2[%add3A, %dma_wait3A_34] : memref<16x1024xf32, #tpu.memory_space<hbm>> -> memref<1x1024xf32, #tpu.memory_space<hbm>>
      %dma_wait3A_36 = tpu.memref_squeeze %dma_wait3A_35 : memref<1x1024xf32, #tpu.memory_space<hbm>> -> memref<1024xf32, #tpu.memory_space<hbm>>
      tpu.wait_dma2 semaphore(%arg17 : memref<!tpu.dma_semaphore, #tpu.memory_space<semaphore_mem>>) src(%dma_wait3A_36 : memref<1024xf32, #tpu.memory_space<hbm>>) dst(%arg12 : memref<1024xf32, #tpu.memory_space<vmem>>)
      %dma_wait3A_37 = arith.constant 0 : i32
      %dma_wait3A_38 = tpu.memref_slice %arg3[%add3A, %dma_wait3A_37] : memref<16x1024xf32, #tpu.memory_space<hbm>> -> memref<1x1024xf32, #tpu.memory_space<hbm>>
      %dma_wait3A_39 = tpu.memref_squeeze %dma_wait3A_38 : memref<1x1024xf32, #tpu.memory_space<hbm>> -> memref<1024xf32, #tpu.memory_space<hbm>>
      %dma_wait3A_40 = arith.constant 0 : i32
      %dma_wait3A_41 = tpu.memref_slice %arg3[%add3A, %dma_wait3A_40] : memref<16x1024xf32, #tpu.memory_space<hbm>> -> memref<1x1024xf32, #tpu.memory_space<hbm>>
      %dma_wait3A_42 = tpu.memref_squeeze %dma_wait3A_41 : memref<1x1024xf32, #tpu.memory_space<hbm>> -> memref<1024xf32, #tpu.memory_space<hbm>>
      tpu.wait_dma2 semaphore(%arg17 : memref<!tpu.dma_semaphore, #tpu.memory_space<semaphore_mem>>) src(%dma_wait3A_42 : memref<1024xf32, #tpu.memory_space<hbm>>) dst(%arg10 : memref<1024xf32, #tpu.memory_space<vmem>>)
      %dma_wait3A_43 = arith.constant 0 : i32
      %dma_wait3A_44 = tpu.memref_slice %arg4[%add3A, %dma_wait3A_43] : memref<16x1024xi32, #tpu.memory_space<hbm>> -> memref<1x1024xi32, #tpu.memory_space<hbm>>
      %dma_wait3A_45 = tpu.memref_squeeze %dma_wait3A_44 : memref<1x1024xi32, #tpu.memory_space<hbm>> -> memref<1024xi32, #tpu.memory_space<hbm>>
      %dma_wait3A_46 = arith.constant 0 : i32
      %dma_wait3A_47 = tpu.memref_slice %arg4[%add3A, %dma_wait3A_46] : memref<16x1024xi32, #tpu.memory_space<hbm>> -> memref<1x1024xi32, #tpu.memory_space<hbm>>
      %dma_wait3A_48 = tpu.memref_squeeze %dma_wait3A_47 : memref<1x1024xi32, #tpu.memory_space<hbm>> -> memref<1024xi32, #tpu.memory_space<hbm>>
      tpu.wait_dma2 semaphore(%arg17 : memref<!tpu.dma_semaphore, #tpu.memory_space<semaphore_mem>>) src(%dma_wait3A_48 : memref<1024xi32, #tpu.memory_space<hbm>>) dst(%arg14 : memref<1024xi32, #tpu.memory_space<vmem>>)
      %dma_wait3A_49 = arith.constant 0 : i32
      %dma_wait3A_50 = tpu.memref_slice %arg5[%add3A, %dma_wait3A_49] : memref<16x1024xf32, #tpu.memory_space<hbm>> -> memref<1x1024xf32, #tpu.memory_space<hbm>>
      %dma_wait3A_51 = tpu.memref_squeeze %dma_wait3A_50 : memref<1x1024xf32, #tpu.memory_space<hbm>> -> memref<1024xf32, #tpu.memory_space<hbm>>
      %dma_wait3A_52 = arith.constant 0 : i32
      %dma_wait3A_53 = tpu.memref_slice %arg5[%add3A, %dma_wait3A_52] : memref<16x1024xf32, #tpu.memory_space<hbm>> -> memref<1x1024xf32, #tpu.memory_space<hbm>>
      %dma_wait3A_54 = tpu.memref_squeeze %dma_wait3A_53 : memref<1x1024xf32, #tpu.memory_space<hbm>> -> memref<1024xf32, #tpu.memory_space<hbm>>
      tpu.wait_dma2 semaphore(%arg17 : memref<!tpu.dma_semaphore, #tpu.memory_space<semaphore_mem>>) src(%dma_wait3A_54 : memref<1024xf32, #tpu.memory_space<hbm>>) dst(%arg15 : memref<1024xf32, #tpu.memory_space<vmem>>)
      tpu.wait_dma2 semaphore(%arg17 : memref<!tpu.dma_semaphore, #tpu.memory_space<semaphore_mem>>) src(%arg6 : memref<1024xf32, #tpu.memory_space<hbm>>) dst(%arg11 : memref<1024xf32, #tpu.memory_space<vmem>>)
      %dma_wait3A_55 = arith.constant 0 : i32
      %dma_wait3A_56 = tpu.memref_slice %arg7[%add3A, %dma_wait3A_55] : memref<16x16xf32, #tpu.memory_space<hbm>> -> memref<1x16xf32, #tpu.memory_space<hbm>>
      %dma_wait3A_57 = tpu.memref_squeeze %dma_wait3A_56 : memref<1x16xf32, #tpu.memory_space<hbm>> -> memref<16xf32, #tpu.memory_space<hbm>>
      %dma_wait3A_58 = arith.constant 0 : i32
      %dma_wait3A_59 = tpu.memref_slice %arg7[%add3A, %dma_wait3A_58] : memref<16x16xf32, #tpu.memory_space<hbm>> -> memref<1x16xf32, #tpu.memory_space<hbm>>
      %dma_wait3A_60 = tpu.memref_squeeze %dma_wait3A_59 : memref<1x16xf32, #tpu.memory_space<hbm>> -> memref<16xf32, #tpu.memory_space<hbm>>
      tpu.wait_dma2 semaphore(%arg17 : memref<!tpu.dma_semaphore, #tpu.memory_space<semaphore_mem>>) src(%dma_wait3A_60 : memref<16xf32, #tpu.memory_space<hbm>>) dst(%arg16 : memref<16xf32, #tpu.memory_space<vmem>>)
      %iota3A = tpu.iota {dimensions = array<i32: 0>} : vector<16xi32>
      %convert_element_type3A_61 = arith.sitofp %iota3A : vector<16xi32> to vector<16xf32>
      %get3A = arith.constant 0 : index
      %get3A_62 = tpu.vector_load %arg16[%get3A] {strides = array<i32>} : memref<16xf32, #tpu.memory_space<vmem>>, vector<16xf32>,
      %convert_element_type3A_63 = arith.fptosi %get3A_62 : vector<16xf32> to vector<16xi32>
      %ge3A = arith.constant 4 : i32
      %ge3A_64 = vector.broadcast %ge3A : i32 to vector<16xi32>
      %ge3A_65 = arith.cmpi sge, %iota3A, %ge3A_64 : vector<16xi32>
      %convert_element_type3A_66 = arith.extui %ge3A_65 : vector<16xi1> to vector<16xi32>
      %add3A_67 = arith.addi %iota3A, %convert_element_type3A_66 : vector<16xi32>
      %lt3A_68 = arith.constant 8 : i32
      %lt3A_69 = vector.broadcast %lt3A_68 : i32 to vector<16xi32>
      %lt3A_70 = arith.cmpi slt, %iota3A, %lt3A_69 : vector<16xi32>
      %jit3A = arith.constant 3 : i32
      %div3A = vector.broadcast %jit3A : i32 to vector<16xi32>
      %div3A_71 = arith.divsi %add3A_67, %div3A : vector<16xi32>
      %sign3A = arith.constant 0 : i32
      %sign3A_72 = vector.broadcast %sign3A : i32 to vector<16xi32>
      %sign3A_73 = arith.cmpi sgt, %add3A_67, %sign3A_72 : vector<16xi32>
      %sign3A_74 = arith.extui %sign3A_73 : vector<16xi1> to vector<16xi32>
      %sign3A_75 = arith.constant 0 : i32
      %sign3A_76 = vector.broadcast %sign3A_75 : i32 to vector<16xi32>
      %sign3A_77 = arith.cmpi slt, %add3A_67, %sign3A_76 : vector<16xi32>
      %sign3A_78 = arith.extui %sign3A_77 : vector<16xi1> to vector<16xi32>
      %sign3A_79 = arith.subi %sign3A_74, %sign3A_78 : vector<16xi32>
      %sign3A_80 = arith.constant 0 : i32
      %sign3A_81 = arith.cmpi sgt, %jit3A, %sign3A_80 : i32
      %sign3A_82 = arith.extui %sign3A_81 : i1 to i32
      %sign3A_83 = arith.constant 0 : i32
      %sign3A_84 = arith.cmpi slt, %jit3A, %sign3A_83 : i32
      %sign3A_85 = arith.extui %sign3A_84 : i1 to i32
      %sign3A_86 = arith.subi %sign3A_82, %sign3A_85 : i32
      %ne3A = vector.broadcast %sign3A_86 : i32 to vector<16xi32>
      %ne3A_87 = arith.cmpi ne, %sign3A_79, %ne3A : vector<16xi32>
      %rem3A = vector.broadcast %jit3A : i32 to vector<16xi32>
      %rem3A_88 = arith.remsi %add3A_67, %rem3A : vector<16xi32>
      %ne3A_89 = arith.constant 0 : i32
      %ne3A_90 = vector.broadcast %ne3A_89 : i32 to vector<16xi32>
      %ne3A_91 = arith.cmpi ne, %rem3A_88, %ne3A_90 : vector<16xi32>
      %and3A = arith.andi %ne3A_87, %ne3A_91 : vector<16xi1>
      %sub3A = arith.constant 1 : i32
      %sub3A_92 = vector.broadcast %sub3A : i32 to vector<16xi32>
      %sub3A_93 = arith.subi %div3A_71, %sub3A_92 : vector<16xi32>
      %select_n3A = arith.select %and3A, %sub3A_93, %div3A_71 : vector<16xi1>, vector<16xi32>
      %sub3A_94 = arith.constant 1 : i32
      %sub3A_95 = vector.broadcast %sub3A_94 : i32 to vector<16xi32>
      %sub3A_96 = arith.subi %select_n3A, %sub3A_95 : vector<16xi32>
      %jit3A_97 = arith.constant 0 : i32
      %broadcast_in_dim3A = vector.broadcast %jit3A_97 : i32 to vector<16xi32>
      %select_n3A_98 = arith.select %lt3A_70, %sub3A_96, %broadcast_in_dim3A : vector<16xi1>, vector<16xi32>
      %jit3A_99 = arith.constant 3 : i32
      %eq3A = arith.constant 0 : i32
      %eq3A_100 = arith.cmpi eq, %jit3A_99, %eq3A : i32
      %jit3A_101 = arith.constant 1 : i32
      %select_n3A_102 = arith.select %eq3A_100, %jit3A_101, %jit3A_99 : i32
      %rem3A_103 = vector.broadcast %select_n3A_102 : i32 to vector<16xi32>
      %rem3A_104 = arith.remsi %add3A_67, %rem3A_103 : vector<16xi32>
      %ne3A_105 = arith.constant 0 : i32
      %ne3A_106 = vector.broadcast %ne3A_105 : i32 to vector<16xi32>
      %ne3A_107 = arith.cmpi ne, %rem3A_104, %ne3A_106 : vector<16xi32>
      %lt3A_108 = arith.constant 0 : i32
      %lt3A_109 = vector.broadcast %lt3A_108 : i32 to vector<16xi32>
      %lt3A_110 = arith.cmpi slt, %rem3A_104, %lt3A_109 : vector<16xi32>
      %lt3A_111 = arith.constant 0 : i32
      %lt3A_112 = arith.cmpi slt, %select_n3A_102, %lt3A_111 : i32
      %ne3A_113 = vector.broadcast %lt3A_112 : i1 to vector<16xi1>
      %ne3A_114 = vector.broadcast %ne3A_113 : vector<16xi1> to vector<16xi1>
      %ne3A_115 = arith.xori %lt3A_110, %ne3A_114 : vector<16xi1>
      %and3A_116 = arith.andi %ne3A_115, %ne3A_107 : vector<16xi1>
      %add3A_117 = vector.broadcast %select_n3A_102 : i32 to vector<16xi32>
      %add3A_118 = arith.addi %rem3A_104, %add3A_117 : vector<16xi32>
      %select_n3A_119 = arith.select %and3A_116, %add3A_118, %rem3A_104 : vector<16xi1>, vector<16xi32>
      %sub3A_120 = arith.constant 1 : i32
      %sub3A_121 = vector.broadcast %sub3A_120 : i32 to vector<16xi32>
      %sub3A_122 = arith.subi %select_n3A_119, %sub3A_121 : vector<16xi32>
      %jit3A_123 = arith.constant 0 : i32
      %broadcast_in_dim3A_124 = vector.broadcast %jit3A_123 : i32 to vector<16xi32>
      %select_n3A_125 = arith.select %lt3A_70, %sub3A_122, %broadcast_in_dim3A_124 : vector<16xi1>, vector<16xi32>
      %broadcast_in_dim3A_126 = arith.constant 1.000000e+00 : f32
      %broadcast_in_dim3A_127 = vector.broadcast %broadcast_in_dim3A_126 : f32 to vector<16xf32>
      %broadcast_in_dim3A_128 = arith.constant 0x7F800000 : f32
      %broadcast_in_dim3A_129 = vector.broadcast %broadcast_in_dim3A_128 : f32 to vector<16xf32>
      %eq3A_130 = arith.constant 8 : i32
      %eq3A_131 = vector.broadcast %eq3A_130 : i32 to vector<16xi32>
      %eq3A_132 = arith.cmpi eq, %iota3A, %eq3A_131 : vector<16xi32>
      %eq3A_133 = arith.constant 0 : i32
      %eq3A_134 = vector.broadcast %eq3A_133 : i32 to vector<16xi32>
      %eq3A_135 = arith.cmpi eq, %iota3A, %eq3A_134 : vector<16xi32>
      %broadcast_in_dim3A_136 = arith.constant 8 : i32
      %broadcast_in_dim3A_137 = vector.broadcast %broadcast_in_dim3A_136 : i32 to vector<16xi32>
      %broadcast_in_dim3A_138 = arith.constant false
      %broadcast_in_dim3A_139 = vector.broadcast %broadcast_in_dim3A_138 : i1 to vector<16xi1>
      %while3A = arith.constant 0 : i32
      %while3A_140:2 = scf.while (%while3A_915 = %while3A, %while3A_916 = %broadcast_in_dim3A_139) : (i32, vector<16xi1>) -> (i32, vector<16xi1>) {
        %lt3A_917 = arith.constant 512 : i32
        %lt3A_918 = arith.cmpi slt, %while3A_915, %lt3A_917 : i32
        %reduce_or3A = arith.constant 1.000000e+00 : f32
        %reduce_or3A_919 = arith.constant 0.000000e+00 : f32
        %reduce_or3A_920 = vector.broadcast %reduce_or3A : f32 to vector<16xf32>
        %reduce_or3A_921 = vector.broadcast %reduce_or3A_919 : f32 to vector<16xf32>
        %reduce_or3A_922 = arith.select %while3A_916, %reduce_or3A_920, %reduce_or3A_921 : vector<16xi1>, vector<16xf32>
        %reduce_or3A_923 = arith.constant true
        %reduce_or3A_924 = vector.broadcast %reduce_or3A_923 : i1 to vector<16xi1>
        %reduce_or3A_925 = tpu.scan <max>, %reduce_or3A_922 masked %reduce_or3A_924 : vector<16xf32>, vector<16xi1> -> vector<16xf32>
        %reduce_or3A_926 = vector.extract %reduce_or3A_925[15] : f32 from vector<16xf32>
        %reduce_or3A_927 = arith.constant 0.000000e+00 : f32
        %reduce_or3A_928 = arith.cmpf ogt, %reduce_or3A_926, %reduce_or3A_927 : f32
        %not3A = arith.constant true
        %not3A_929 = arith.xori %reduce_or3A_928, %not3A : i1
        %and3A_930 = arith.andi %lt3A_918, %not3A_929 : i1
        scf.condition(%and3A_930) %while3A_915, %while3A_916 : i32, vector<16xi1>
      } do {
      ^bb0(%while3A_915: i32, %while3A_916: vector<16xi1>):
        %mul3A_917 = arith.constant 0.000000e+00 : f32
        %mul3A_918 = vector.broadcast %mul3A_917 : f32 to vector<16xf32>
        %mul3A_919 = arith.mulf %convert_element_type3A_61, %mul3A_918 : vector<16xf32>
        %get3A_920 = arith.constant 0 : index
        %get3A_921 = tpu.vector_load %arg10[%get3A_920] {strides = array<i32>} : memref<1024xf32, #tpu.memory_space<vmem>>, vector<16xf32>,
        %lt3A_922 = arith.cmpf olt, %get3A_921, %broadcast_in_dim3A_129 : vector<16xf32>
        %select_n3A_923 = arith.select %lt3A_922, %get3A_921, %broadcast_in_dim3A_129 : vector<16xi1>, vector<16xf32>
        %jit3A_924 = arith.constant 0.000000e+00 : f32
        %broadcast_in_dim3A_925 = vector.broadcast %jit3A_924 : f32 to vector<16xf32>
        %select_n3A_926 = arith.select %lt3A_922, %broadcast_in_dim3A_925, %mul3A_919 : vector<16xi1>, vector<16xf32>
        %get3A_927 = arith.constant 16 : index
        %get3A_928 = tpu.vector_load %arg10[%get3A_927] {strides = array<i32>} : memref<1024xf32, #tpu.memory_space<vmem>>, vector<16xf32>,
        %lt3A_929 = arith.cmpf olt, %get3A_928, %broadcast_in_dim3A_129 : vector<16xf32>
        %select_n3A_930 = arith.select %lt3A_929, %get3A_928, %broadcast_in_dim3A_129 : vector<16xi1>, vector<16xf32>
        %jit3A_931 = arith.constant 1.000000e+00 : f32
        %broadcast_in_dim3A_932 = vector.broadcast %jit3A_931 : f32 to vector<16xf32>
        %select_n3A_933 = arith.select %lt3A_929, %broadcast_in_dim3A_932, %mul3A_919 : vector<16xi1>, vector<16xf32>
        %get3A_934 = arith.constant 32 : index
        %get3A_935 = tpu.vector_load %arg10[%get3A_934] {strides = array<i32>} : memref<1024xf32, #tpu.memory_space<vmem>>, vector<16xf32>,
        %lt3A_936 = arith.cmpf olt, %get3A_935, %broadcast_in_dim3A_129 : vector<16xf32>
        %select_n3A_937 = arith.select %lt3A_936, %get3A_935, %broadcast_in_dim3A_129 : vector<16xi1>, vector<16xf32>
        %jit3A_938 = arith.constant 2.000000e+00 : f32
        %broadcast_in_dim3A_939 = vector.broadcast %jit3A_938 : f32 to vector<16xf32>
        %select_n3A_940 = arith.select %lt3A_936, %broadcast_in_dim3A_939, %mul3A_919 : vector<16xi1>, vector<16xf32>
        %get3A_941 = arith.constant 48 : index
        %get3A_942 = tpu.vector_load %arg10[%get3A_941] {strides = array<i32>} : memref<1024xf32, #tpu.memory_space<vmem>>, vector<16xf32>,
        %lt3A_943 = arith.cmpf olt, %get3A_942, %broadcast_in_dim3A_129 : vector<16xf32>
        %select_n3A_944 = arith.select %lt3A_943, %get3A_942, %broadcast_in_dim3A_129 : vector<16xi1>, vector<16xf32>
        %jit3A_945 = arith.constant 3.000000e+00 : f32
        %broadcast_in_dim3A_946 = vector.broadcast %jit3A_945 : f32 to vector<16xf32>
        %select_n3A_947 = arith.select %lt3A_943, %broadcast_in_dim3A_946, %mul3A_919 : vector<16xi1>, vector<16xf32>
        %get3A_948 = arith.constant 64 : index
        %get3A_949 = tpu.vector_load %arg10[%get3A_948] {strides = array<i32>} : memref<1024xf32, #tpu.memory_space<vmem>>, vector<16xf32>,
        %lt3A_950 = arith.cmpf olt, %get3A_949, %broadcast_in_dim3A_129 : vector<16xf32>
        %select_n3A_951 = arith.select %lt3A_950, %get3A_949, %broadcast_in_dim3A_129 : vector<16xi1>, vector<16xf32>
        %jit3A_952 = arith.constant 4.000000e+00 : f32
        %broadcast_in_dim3A_953 = vector.broadcast %jit3A_952 : f32 to vector<16xf32>
        %select_n3A_954 = arith.select %lt3A_950, %broadcast_in_dim3A_953, %mul3A_919 : vector<16xi1>, vector<16xf32>
        %get3A_955 = arith.constant 80 : index
        %get3A_956 = tpu.vector_load %arg10[%get3A_955] {strides = array<i32>} : memref<1024xf32, #tpu.memory_space<vmem>>, vector<16xf32>,
        %lt3A_957 = arith.cmpf olt, %get3A_956, %broadcast_in_dim3A_129 : vector<16xf32>
        %select_n3A_958 = arith.select %lt3A_957, %get3A_956, %broadcast_in_dim3A_129 : vector<16xi1>, vector<16xf32>
        %jit3A_959 = arith.constant 5.000000e+00 : f32
        %broadcast_in_dim3A_960 = vector.broadcast %jit3A_959 : f32 to vector<16xf32>
        %select_n3A_961 = arith.select %lt3A_957, %broadcast_in_dim3A_960, %mul3A_919 : vector<16xi1>, vector<16xf32>
        %get3A_962 = arith.constant 96 : index
        %get3A_963 = tpu.vector_load %arg10[%get3A_962] {strides = array<i32>} : memref<1024xf32, #tpu.memory_space<vmem>>, vector<16xf32>,
        %lt3A_964 = arith.cmpf olt, %get3A_963, %broadcast_in_dim3A_129 : vector<16xf32>
        %select_n3A_965 = arith.select %lt3A_964, %get3A_963, %broadcast_in_dim3A_129 : vector<16xi1>, vector<16xf32>
        %jit3A_966 = arith.constant 6.000000e+00 : f32
        %broadcast_in_dim3A_967 = vector.broadcast %jit3A_966 : f32 to vector<16xf32>
        %select_n3A_968 = arith.select %lt3A_964, %broadcast_in_dim3A_967, %mul3A_919 : vector<16xi1>, vector<16xf32>
        %get3A_969 = arith.constant 112 : index
        %get3A_970 = tpu.vector_load %arg10[%get3A_969] {strides = array<i32>} : memref<1024xf32, #tpu.memory_space<vmem>>, vector<16xf32>,
        %lt3A_971 = arith.cmpf olt, %get3A_970, %broadcast_in_dim3A_129 : vector<16xf32>
        %select_n3A_972 = arith.select %lt3A_971, %get3A_970, %broadcast_in_dim3A_129 : vector<16xi1>, vector<16xf32>
        %jit3A_973 = arith.constant 7.000000e+00 : f32
        %broadcast_in_dim3A_974 = vector.broadcast %jit3A_973 : f32 to vector<16xf32>
        %select_n3A_975 = arith.select %lt3A_971, %broadcast_in_dim3A_974, %mul3A_919 : vector<16xi1>, vector<16xf32>
        %get3A_976 = arith.constant 128 : index
        %get3A_977 = tpu.vector_load %arg10[%get3A_976] {strides = array<i32>} : memref<1024xf32, #tpu.memory_space<vmem>>, vector<16xf32>,
        %lt3A_978 = arith.cmpf olt, %get3A_977, %select_n3A_923 : vector<16xf32>
        %select_n3A_979 = arith.select %lt3A_978, %get3A_977, %select_n3A_923 : vector<16xi1>, vector<16xf32>
        %jit3A_980 = arith.constant 8.000000e+00 : f32
        %broadcast_in_dim3A_981 = vector.broadcast %jit3A_980 : f32 to vector<16xf32>
        %select_n3A_982 = arith.select %lt3A_978, %broadcast_in_dim3A_981, %select_n3A_926 : vector<16xi1>, vector<16xf32>
        %get3A_983 = arith.constant 144 : index
        %get3A_984 = tpu.vector_load %arg10[%get3A_983] {strides = array<i32>} : memref<1024xf32, #tpu.memory_space<vmem>>, vector<16xf32>,
        %lt3A_985 = arith.cmpf olt, %get3A_984, %select_n3A_930 : vector<16xf32>
        %select_n3A_986 = arith.select %lt3A_985, %get3A_984, %select_n3A_930 : vector<16xi1>, vector<16xf32>
        %jit3A_987 = arith.constant 9.000000e+00 : f32
        %broadcast_in_dim3A_988 = vector.broadcast %jit3A_987 : f32 to vector<16xf32>
        %select_n3A_989 = arith.select %lt3A_985, %broadcast_in_dim3A_988, %select_n3A_933 : vector<16xi1>, vector<16xf32>
        %get3A_990 = arith.constant 160 : index
        %get3A_991 = tpu.vector_load %arg10[%get3A_990] {strides = array<i32>} : memref<1024xf32, #tpu.memory_space<vmem>>, vector<16xf32>,
        %lt3A_992 = arith.cmpf olt, %get3A_991, %select_n3A_937 : vector<16xf32>
        %select_n3A_993 = arith.select %lt3A_992, %get3A_991, %select_n3A_937 : vector<16xi1>, vector<16xf32>
        %jit3A_994 = arith.constant 1.000000e+01 : f32
        %broadcast_in_dim3A_995 = vector.broadcast %jit3A_994 : f32 to vector<16xf32>
        %select_n3A_996 = arith.select %lt3A_992, %broadcast_in_dim3A_995, %select_n3A_940 : vector<16xi1>, vector<16xf32>
        %get3A_997 = arith.constant 176 : index
        %get3A_998 = tpu.vector_load %arg10[%get3A_997] {strides = array<i32>} : memref<1024xf32, #tpu.memory_space<vmem>>, vector<16xf32>,
        %lt3A_999 = arith.cmpf olt, %get3A_998, %select_n3A_944 : vector<16xf32>
        %select_n3A_1000 = arith.select %lt3A_999, %get3A_998, %select_n3A_944 : vector<16xi1>, vector<16xf32>
        %jit3A_1001 = arith.constant 1.100000e+01 : f32
        %broadcast_in_dim3A_1002 = vector.broadcast %jit3A_1001 : f32 to vector<16xf32>
        %select_n3A_1003 = arith.select %lt3A_999, %broadcast_in_dim3A_1002, %select_n3A_947 : vector<16xi1>, vector<16xf32>
        %get3A_1004 = arith.constant 192 : index
        %get3A_1005 = tpu.vector_load %arg10[%get3A_1004] {strides = array<i32>} : memref<1024xf32, #tpu.memory_space<vmem>>, vector<16xf32>,
        %lt3A_1006 = arith.cmpf olt, %get3A_1005, %select_n3A_951 : vector<16xf32>
        %select_n3A_1007 = arith.select %lt3A_1006, %get3A_1005, %select_n3A_951 : vector<16xi1>, vector<16xf32>
        %jit3A_1008 = arith.constant 1.200000e+01 : f32
        %broadcast_in_dim3A_1009 = vector.broadcast %jit3A_1008 : f32 to vector<16xf32>
        %select_n3A_1010 = arith.select %lt3A_1006, %broadcast_in_dim3A_1009, %select_n3A_954 : vector<16xi1>, vector<16xf32>
        %get3A_1011 = arith.constant 208 : index
        %get3A_1012 = tpu.vector_load %arg10[%get3A_1011] {strides = array<i32>} : memref<1024xf32, #tpu.memory_space<vmem>>, vector<16xf32>,
        %lt3A_1013 = arith.cmpf olt, %get3A_1012, %select_n3A_958 : vector<16xf32>
        %select_n3A_1014 = arith.select %lt3A_1013, %get3A_1012, %select_n3A_958 : vector<16xi1>, vector<16xf32>
        %jit3A_1015 = arith.constant 1.300000e+01 : f32
        %broadcast_in_dim3A_1016 = vector.broadcast %jit3A_1015 : f32 to vector<16xf32>
        %select_n3A_1017 = arith.select %lt3A_1013, %broadcast_in_dim3A_1016, %select_n3A_961 : vector<16xi1>, vector<16xf32>
        %get3A_1018 = arith.constant 224 : index
        %get3A_1019 = tpu.vector_load %arg10[%get3A_1018] {strides = array<i32>} : memref<1024xf32, #tpu.memory_space<vmem>>, vector<16xf32>,
        %lt3A_1020 = arith.cmpf olt, %get3A_1019, %select_n3A_965 : vector<16xf32>
        %select_n3A_1021 = arith.select %lt3A_1020, %get3A_1019, %select_n3A_965 : vector<16xi1>, vector<16xf32>
        %jit3A_1022 = arith.constant 1.400000e+01 : f32
        %broadcast_in_dim3A_1023 = vector.broadcast %jit3A_1022 : f32 to vector<16xf32>
        %select_n3A_1024 = arith.select %lt3A_1020, %broadcast_in_dim3A_1023, %select_n3A_968 : vector<16xi1>, vector<16xf32>
        %get3A_1025 = arith.constant 240 : index
        %get3A_1026 = tpu.vector_load %arg10[%get3A_1025] {strides = array<i32>} : memref<1024xf32, #tpu.memory_space<vmem>>, vector<16xf32>,
        %lt3A_1027 = arith.cmpf olt, %get3A_1026, %select_n3A_972 : vector<16xf32>
        %select_n3A_1028 = arith.select %lt3A_1027, %get3A_1026, %select_n3A_972 : vector<16xi1>, vector<16xf32>
        %jit3A_1029 = arith.constant 1.500000e+01 : f32
        %broadcast_in_dim3A_1030 = vector.broadcast %jit3A_1029 : f32 to vector<16xf32>
        %select_n3A_1031 = arith.select %lt3A_1027, %broadcast_in_dim3A_1030, %select_n3A_975 : vector<16xi1>, vector<16xf32>
        %get3A_1032 = arith.constant 256 : index
        %get3A_1033 = tpu.vector_load %arg10[%get3A_1032] {strides = array<i32>} : memref<1024xf32, #tpu.memory_space<vmem>>, vector<16xf32>,
        %lt3A_1034 = arith.cmpf olt, %get3A_1033, %select_n3A_979 : vector<16xf32>
        %select_n3A_1035 = arith.select %lt3A_1034, %get3A_1033, %select_n3A_979 : vector<16xi1>, vector<16xf32>
        %jit3A_1036 = arith.constant 1.600000e+01 : f32
        %broadcast_in_dim3A_1037 = vector.broadcast %jit3A_1036 : f32 to vector<16xf32>
        %select_n3A_1038 = arith.select %lt3A_1034, %broadcast_in_dim3A_1037, %select_n3A_982 : vector<16xi1>, vector<16xf32>
        %get3A_1039 = arith.constant 272 : index
        %get3A_1040 = tpu.vector_load %arg10[%get3A_1039] {strides = array<i32>} : memref<1024xf32, #tpu.memory_space<vmem>>, vector<16xf32>,
        %lt3A_1041 = arith.cmpf olt, %get3A_1040, %select_n3A_986 : vector<16xf32>
        %select_n3A_1042 = arith.select %lt3A_1041, %get3A_1040, %select_n3A_986 : vector<16xi1>, vector<16xf32>
        %jit3A_1043 = arith.constant 1.700000e+01 : f32
        %broadcast_in_dim3A_1044 = vector.broadcast %jit3A_1043 : f32 to vector<16xf32>
        %select_n3A_1045 = arith.select %lt3A_1041, %broadcast_in_dim3A_1044, %select_n3A_989 : vector<16xi1>, vector<16xf32>
        %get3A_1046 = arith.constant 288 : index
        %get3A_1047 = tpu.vector_load %arg10[%get3A_1046] {strides = array<i32>} : memref<1024xf32, #tpu.memory_space<vmem>>, vector<16xf32>,
        %lt3A_1048 = arith.cmpf olt, %get3A_1047, %select_n3A_993 : vector<16xf32>
        %select_n3A_1049 = arith.select %lt3A_1048, %get3A_1047, %select_n3A_993 : vector<16xi1>, vector<16xf32>
        %jit3A_1050 = arith.constant 1.800000e+01 : f32
        %broadcast_in_dim3A_1051 = vector.broadcast %jit3A_1050 : f32 to vector<16xf32>
        %select_n3A_1052 = arith.select %lt3A_1048, %broadcast_in_dim3A_1051, %select_n3A_996 : vector<16xi1>, vector<16xf32>
        %get3A_1053 = arith.constant 304 : index
        %get3A_1054 = tpu.vector_load %arg10[%get3A_1053] {strides = array<i32>} : memref<1024xf32, #tpu.memory_space<vmem>>, vector<16xf32>,
        %lt3A_1055 = arith.cmpf olt, %get3A_1054, %select_n3A_1000 : vector<16xf32>
        %select_n3A_1056 = arith.select %lt3A_1055, %get3A_1054, %select_n3A_1000 : vector<16xi1>, vector<16xf32>
        %jit3A_1057 = arith.constant 1.900000e+01 : f32
        %broadcast_in_dim3A_1058 = vector.broadcast %jit3A_1057 : f32 to vector<16xf32>
        %select_n3A_1059 = arith.select %lt3A_1055, %broadcast_in_dim3A_1058, %select_n3A_1003 : vector<16xi1>, vector<16xf32>
        %get3A_1060 = arith.constant 320 : index
        %get3A_1061 = tpu.vector_load %arg10[%get3A_1060] {strides = array<i32>} : memref<1024xf32, #tpu.memory_space<vmem>>, vector<16xf32>,
        %lt3A_1062 = arith.cmpf olt, %get3A_1061, %select_n3A_1007 : vector<16xf32>
        %select_n3A_1063 = arith.select %lt3A_1062, %get3A_1061, %select_n3A_1007 : vector<16xi1>, vector<16xf32>
        %jit3A_1064 = arith.constant 2.000000e+01 : f32
        %broadcast_in_dim3A_1065 = vector.broadcast %jit3A_1064 : f32 to vector<16xf32>
        %select_n3A_1066 = arith.select %lt3A_1062, %broadcast_in_dim3A_1065, %select_n3A_1010 : vector<16xi1>, vector<16xf32>
        %get3A_1067 = arith.constant 336 : index
        %get3A_1068 = tpu.vector_load %arg10[%get3A_1067] {strides = array<i32>} : memref<1024xf32, #tpu.memory_space<vmem>>, vector<16xf32>,
        %lt3A_1069 = arith.cmpf olt, %get3A_1068, %select_n3A_1014 : vector<16xf32>
        %select_n3A_1070 = arith.select %lt3A_1069, %get3A_1068, %select_n3A_1014 : vector<16xi1>, vector<16xf32>
        %jit3A_1071 = arith.constant 2.100000e+01 : f32
        %broadcast_in_dim3A_1072 = vector.broadcast %jit3A_1071 : f32 to vector<16xf32>
        %select_n3A_1073 = arith.select %lt3A_1069, %broadcast_in_dim3A_1072, %select_n3A_1017 : vector<16xi1>, vector<16xf32>
        %get3A_1074 = arith.constant 352 : index
        %get3A_1075 = tpu.vector_load %arg10[%get3A_1074] {strides = array<i32>} : memref<1024xf32, #tpu.memory_space<vmem>>, vector<16xf32>,
        %lt3A_1076 = arith.cmpf olt, %get3A_1075, %select_n3A_1021 : vector<16xf32>
        %select_n3A_1077 = arith.select %lt3A_1076, %get3A_1075, %select_n3A_1021 : vector<16xi1>, vector<16xf32>
        %jit3A_1078 = arith.constant 2.200000e+01 : f32
        %broadcast_in_dim3A_1079 = vector.broadcast %jit3A_1078 : f32 to vector<16xf32>
        %select_n3A_1080 = arith.select %lt3A_1076, %broadcast_in_dim3A_1079, %select_n3A_1024 : vector<16xi1>, vector<16xf32>
        %get3A_1081 = arith.constant 368 : index
        %get3A_1082 = tpu.vector_load %arg10[%get3A_1081] {strides = array<i32>} : memref<1024xf32, #tpu.memory_space<vmem>>, vector<16xf32>,
        %lt3A_1083 = arith.cmpf olt, %get3A_1082, %select_n3A_1028 : vector<16xf32>
        %select_n3A_1084 = arith.select %lt3A_1083, %get3A_1082, %select_n3A_1028 : vector<16xi1>, vector<16xf32>
        %jit3A_1085 = arith.constant 2.300000e+01 : f32
        %broadcast_in_dim3A_1086 = vector.broadcast %jit3A_1085 : f32 to vector<16xf32>
        %select_n3A_1087 = arith.select %lt3A_1083, %broadcast_in_dim3A_1086, %select_n3A_1031 : vector<16xi1>, vector<16xf32>
        %get3A_1088 = arith.constant 384 : index
        %get3A_1089 = tpu.vector_load %arg10[%get3A_1088] {strides = array<i32>} : memref<1024xf32, #tpu.memory_space<vmem>>, vector<16xf32>,
        %lt3A_1090 = arith.cmpf olt, %get3A_1089, %select_n3A_1035 : vector<16xf32>
        %select_n3A_1091 = arith.select %lt3A_1090, %get3A_1089, %select_n3A_1035 : vector<16xi1>, vector<16xf32>
        %jit3A_1092 = arith.constant 2.400000e+01 : f32
        %broadcast_in_dim3A_1093 = vector.broadcast %jit3A_1092 : f32 to vector<16xf32>
        %select_n3A_1094 = arith.select %lt3A_1090, %broadcast_in_dim3A_1093, %select_n3A_1038 : vector<16xi1>, vector<16xf32>
        %get3A_1095 = arith.constant 400 : index
        %get3A_1096 = tpu.vector_load %arg10[%get3A_1095] {strides = array<i32>} : memref<1024xf32, #tpu.memory_space<vmem>>, vector<16xf32>,
        %lt3A_1097 = arith.cmpf olt, %get3A_1096, %select_n3A_1042 : vector<16xf32>
        %select_n3A_1098 = arith.select %lt3A_1097, %get3A_1096, %select_n3A_1042 : vector<16xi1>, vector<16xf32>
        %jit3A_1099 = arith.constant 2.500000e+01 : f32
        %broadcast_in_dim3A_1100 = vector.broadcast %jit3A_1099 : f32 to vector<16xf32>
        %select_n3A_1101 = arith.select %lt3A_1097, %broadcast_in_dim3A_1100, %select_n3A_1045 : vector<16xi1>, vector<16xf32>
        %get3A_1102 = arith.constant 416 : index
        %get3A_1103 = tpu.vector_load %arg10[%get3A_1102] {strides = array<i32>} : memref<1024xf32, #tpu.memory_space<vmem>>, vector<16xf32>,
        %lt3A_1104 = arith.cmpf olt, %get3A_1103, %select_n3A_1049 : vector<16xf32>
        %select_n3A_1105 = arith.select %lt3A_1104, %get3A_1103, %select_n3A_1049 : vector<16xi1>, vector<16xf32>
        %jit3A_1106 = arith.constant 2.600000e+01 : f32
        %broadcast_in_dim3A_1107 = vector.broadcast %jit3A_1106 : f32 to vector<16xf32>
        %select_n3A_1108 = arith.select %lt3A_1104, %broadcast_in_dim3A_1107, %select_n3A_1052 : vector<16xi1>, vector<16xf32>
        %get3A_1109 = arith.constant 432 : index
        %get3A_1110 = tpu.vector_load %arg10[%get3A_1109] {strides = array<i32>} : memref<1024xf32, #tpu.memory_space<vmem>>, vector<16xf32>,
        %lt3A_1111 = arith.cmpf olt, %get3A_1110, %select_n3A_1056 : vector<16xf32>
        %select_n3A_1112 = arith.select %lt3A_1111, %get3A_1110, %select_n3A_1056 : vector<16xi1>, vector<16xf32>
        %jit3A_1113 = arith.constant 2.700000e+01 : f32
        %broadcast_in_dim3A_1114 = vector.broadcast %jit3A_1113 : f32 to vector<16xf32>
        %select_n3A_1115 = arith.select %lt3A_1111, %broadcast_in_dim3A_1114, %select_n3A_1059 : vector<16xi1>, vector<16xf32>
        %get3A_1116 = arith.constant 448 : index
        %get3A_1117 = tpu.vector_load %arg10[%get3A_1116] {strides = array<i32>} : memref<1024xf32, #tpu.memory_space<vmem>>, vector<16xf32>,
        %lt3A_1118 = arith.cmpf olt, %get3A_1117, %select_n3A_1063 : vector<16xf32>
        %select_n3A_1119 = arith.select %lt3A_1118, %get3A_1117, %select_n3A_1063 : vector<16xi1>, vector<16xf32>
        %jit3A_1120 = arith.constant 2.800000e+01 : f32
        %broadcast_in_dim3A_1121 = vector.broadcast %jit3A_1120 : f32 to vector<16xf32>
        %select_n3A_1122 = arith.select %lt3A_1118, %broadcast_in_dim3A_1121, %select_n3A_1066 : vector<16xi1>, vector<16xf32>
        %get3A_1123 = arith.constant 464 : index
        %get3A_1124 = tpu.vector_load %arg10[%get3A_1123] {strides = array<i32>} : memref<1024xf32, #tpu.memory_space<vmem>>, vector<16xf32>,
        %lt3A_1125 = arith.cmpf olt, %get3A_1124, %select_n3A_1070 : vector<16xf32>
        %select_n3A_1126 = arith.select %lt3A_1125, %get3A_1124, %select_n3A_1070 : vector<16xi1>, vector<16xf32>
        %jit3A_1127 = arith.constant 2.900000e+01 : f32
        %broadcast_in_dim3A_1128 = vector.broadcast %jit3A_1127 : f32 to vector<16xf32>
        %select_n3A_1129 = arith.select %lt3A_1125, %broadcast_in_dim3A_1128, %select_n3A_1073 : vector<16xi1>, vector<16xf32>
        %get3A_1130 = arith.constant 480 : index
        %get3A_1131 = tpu.vector_load %arg10[%get3A_1130] {strides = array<i32>} : memref<1024xf32, #tpu.memory_space<vmem>>, vector<16xf32>,
        %lt3A_1132 = arith.cmpf olt, %get3A_1131, %select_n3A_1077 : vector<16xf32>
        %select_n3A_1133 = arith.select %lt3A_1132, %get3A_1131, %select_n3A_1077 : vector<16xi1>, vector<16xf32>
        %jit3A_1134 = arith.constant 3.000000e+01 : f32
        %broadcast_in_dim3A_1135 = vector.broadcast %jit3A_1134 : f32 to vector<16xf32>
        %select_n3A_1136 = arith.select %lt3A_1132, %broadcast_in_dim3A_1135, %select_n3A_1080 : vector<16xi1>, vector<16xf32>
        %get3A_1137 = arith.constant 496 : index
        %get3A_1138 = tpu.vector_load %arg10[%get3A_1137] {strides = array<i32>} : memref<1024xf32, #tpu.memory_space<vmem>>, vector<16xf32>,
        %lt3A_1139 = arith.cmpf olt, %get3A_1138, %select_n3A_1084 : vector<16xf32>
        %select_n3A_1140 = arith.select %lt3A_1139, %get3A_1138, %select_n3A_1084 : vector<16xi1>, vector<16xf32>
        %jit3A_1141 = arith.constant 3.100000e+01 : f32
        %broadcast_in_dim3A_1142 = vector.broadcast %jit3A_1141 : f32 to vector<16xf32>
        %select_n3A_1143 = arith.select %lt3A_1139, %broadcast_in_dim3A_1142, %select_n3A_1087 : vector<16xi1>, vector<16xf32>
        %get3A_1144 = arith.constant 512 : index
        %get3A_1145 = tpu.vector_load %arg10[%get3A_1144] {strides = array<i32>} : memref<1024xf32, #tpu.memory_space<vmem>>, vector<16xf32>,
        %lt3A_1146 = arith.cmpf olt, %get3A_1145, %select_n3A_1091 : vector<16xf32>
        %select_n3A_1147 = arith.select %lt3A_1146, %get3A_1145, %select_n3A_1091 : vector<16xi1>, vector<16xf32>
        %jit3A_1148 = arith.constant 3.200000e+01 : f32
        %broadcast_in_dim3A_1149 = vector.broadcast %jit3A_1148 : f32 to vector<16xf32>
        %select_n3A_1150 = arith.select %lt3A_1146, %broadcast_in_dim3A_1149, %select_n3A_1094 : vector<16xi1>, vector<16xf32>
        %get3A_1151 = arith.constant 528 : index
        %get3A_1152 = tpu.vector_load %arg10[%get3A_1151] {strides = array<i32>} : memref<1024xf32, #tpu.memory_space<vmem>>, vector<16xf32>,
        %lt3A_1153 = arith.cmpf olt, %get3A_1152, %select_n3A_1098 : vector<16xf32>
        %select_n3A_1154 = arith.select %lt3A_1153, %get3A_1152, %select_n3A_1098 : vector<16xi1>, vector<16xf32>
        %jit3A_1155 = arith.constant 3.300000e+01 : f32
        %broadcast_in_dim3A_1156 = vector.broadcast %jit3A_1155 : f32 to vector<16xf32>
        %select_n3A_1157 = arith.select %lt3A_1153, %broadcast_in_dim3A_1156, %select_n3A_1101 : vector<16xi1>, vector<16xf32>
        %get3A_1158 = arith.constant 544 : index
        %get3A_1159 = tpu.vector_load %arg10[%get3A_1158] {strides = array<i32>} : memref<1024xf32, #tpu.memory_space<vmem>>, vector<16xf32>,
        %lt3A_1160 = arith.cmpf olt, %get3A_1159, %select_n3A_1105 : vector<16xf32>
        %select_n3A_1161 = arith.select %lt3A_1160, %get3A_1159, %select_n3A_1105 : vector<16xi1>, vector<16xf32>
        %jit3A_1162 = arith.constant 3.400000e+01 : f32
        %broadcast_in_dim3A_1163 = vector.broadcast %jit3A_1162 : f32 to vector<16xf32>
        %select_n3A_1164 = arith.select %lt3A_1160, %broadcast_in_dim3A_1163, %select_n3A_1108 : vector<16xi1>, vector<16xf32>
        %get3A_1165 = arith.constant 560 : index
        %get3A_1166 = tpu.vector_load %arg10[%get3A_1165] {strides = array<i32>} : memref<1024xf32, #tpu.memory_space<vmem>>, vector<16xf32>,
        %lt3A_1167 = arith.cmpf olt, %get3A_1166, %select_n3A_1112 : vector<16xf32>
        %select_n3A_1168 = arith.select %lt3A_1167, %get3A_1166, %select_n3A_1112 : vector<16xi1>, vector<16xf32>
        %jit3A_1169 = arith.constant 3.500000e+01 : f32
        %broadcast_in_dim3A_1170 = vector.broadcast %jit3A_1169 : f32 to vector<16xf32>
        %select_n3A_1171 = arith.select %lt3A_1167, %broadcast_in_dim3A_1170, %select_n3A_1115 : vector<16xi1>, vector<16xf32>
        %get3A_1172 = arith.constant 576 : index
        %get3A_1173 = tpu.vector_load %arg10[%get3A_1172] {strides = array<i32>} : memref<1024xf32, #tpu.memory_space<vmem>>, vector<16xf32>,
        %lt3A_1174 = arith.cmpf olt, %get3A_1173, %select_n3A_1119 : vector<16xf32>
        %select_n3A_1175 = arith.select %lt3A_1174, %get3A_1173, %select_n3A_1119 : vector<16xi1>, vector<16xf32>
        %jit3A_1176 = arith.constant 3.600000e+01 : f32
        %broadcast_in_dim3A_1177 = vector.broadcast %jit3A_1176 : f32 to vector<16xf32>
        %select_n3A_1178 = arith.select %lt3A_1174, %broadcast_in_dim3A_1177, %select_n3A_1122 : vector<16xi1>, vector<16xf32>
        %get3A_1179 = arith.constant 592 : index
        %get3A_1180 = tpu.vector_load %arg10[%get3A_1179] {strides = array<i32>} : memref<1024xf32, #tpu.memory_space<vmem>>, vector<16xf32>,
        %lt3A_1181 = arith.cmpf olt, %get3A_1180, %select_n3A_1126 : vector<16xf32>
        %select_n3A_1182 = arith.select %lt3A_1181, %get3A_1180, %select_n3A_1126 : vector<16xi1>, vector<16xf32>
        %jit3A_1183 = arith.constant 3.700000e+01 : f32
        %broadcast_in_dim3A_1184 = vector.broadcast %jit3A_1183 : f32 to vector<16xf32>
        %select_n3A_1185 = arith.select %lt3A_1181, %broadcast_in_dim3A_1184, %select_n3A_1129 : vector<16xi1>, vector<16xf32>
        %get3A_1186 = arith.constant 608 : index
        %get3A_1187 = tpu.vector_load %arg10[%get3A_1186] {strides = array<i32>} : memref<1024xf32, #tpu.memory_space<vmem>>, vector<16xf32>,
        %lt3A_1188 = arith.cmpf olt, %get3A_1187, %select_n3A_1133 : vector<16xf32>
        %select_n3A_1189 = arith.select %lt3A_1188, %get3A_1187, %select_n3A_1133 : vector<16xi1>, vector<16xf32>
        %jit3A_1190 = arith.constant 3.800000e+01 : f32
        %broadcast_in_dim3A_1191 = vector.broadcast %jit3A_1190 : f32 to vector<16xf32>
        %select_n3A_1192 = arith.select %lt3A_1188, %broadcast_in_dim3A_1191, %select_n3A_1136 : vector<16xi1>, vector<16xf32>
        %get3A_1193 = arith.constant 624 : index
        %get3A_1194 = tpu.vector_load %arg10[%get3A_1193] {strides = array<i32>} : memref<1024xf32, #tpu.memory_space<vmem>>, vector<16xf32>,
        %lt3A_1195 = arith.cmpf olt, %get3A_1194, %select_n3A_1140 : vector<16xf32>
        %select_n3A_1196 = arith.select %lt3A_1195, %get3A_1194, %select_n3A_1140 : vector<16xi1>, vector<16xf32>
        %jit3A_1197 = arith.constant 3.900000e+01 : f32
        %broadcast_in_dim3A_1198 = vector.broadcast %jit3A_1197 : f32 to vector<16xf32>
        %select_n3A_1199 = arith.select %lt3A_1195, %broadcast_in_dim3A_1198, %select_n3A_1143 : vector<16xi1>, vector<16xf32>
        %get3A_1200 = arith.constant 640 : index
        %get3A_1201 = tpu.vector_load %arg10[%get3A_1200] {strides = array<i32>} : memref<1024xf32, #tpu.memory_space<vmem>>, vector<16xf32>,
        %lt3A_1202 = arith.cmpf olt, %get3A_1201, %select_n3A_1147 : vector<16xf32>
        %select_n3A_1203 = arith.select %lt3A_1202, %get3A_1201, %select_n3A_1147 : vector<16xi1>, vector<16xf32>
        %jit3A_1204 = arith.constant 4.000000e+01 : f32
        %broadcast_in_dim3A_1205 = vector.broadcast %jit3A_1204 : f32 to vector<16xf32>
        %select_n3A_1206 = arith.select %lt3A_1202, %broadcast_in_dim3A_1205, %select_n3A_1150 : vector<16xi1>, vector<16xf32>
        %get3A_1207 = arith.constant 656 : index
        %get3A_1208 = tpu.vector_load %arg10[%get3A_1207] {strides = array<i32>} : memref<1024xf32, #tpu.memory_space<vmem>>, vector<16xf32>,
        %lt3A_1209 = arith.cmpf olt, %get3A_1208, %select_n3A_1154 : vector<16xf32>
        %select_n3A_1210 = arith.select %lt3A_1209, %get3A_1208, %select_n3A_1154 : vector<16xi1>, vector<16xf32>
        %jit3A_1211 = arith.constant 4.100000e+01 : f32
        %broadcast_in_dim3A_1212 = vector.broadcast %jit3A_1211 : f32 to vector<16xf32>
        %select_n3A_1213 = arith.select %lt3A_1209, %broadcast_in_dim3A_1212, %select_n3A_1157 : vector<16xi1>, vector<16xf32>
        %get3A_1214 = arith.constant 672 : index
        %get3A_1215 = tpu.vector_load %arg10[%get3A_1214] {strides = array<i32>} : memref<1024xf32, #tpu.memory_space<vmem>>, vector<16xf32>,
        %lt3A_1216 = arith.cmpf olt, %get3A_1215, %select_n3A_1161 : vector<16xf32>
        %select_n3A_1217 = arith.select %lt3A_1216, %get3A_1215, %select_n3A_1161 : vector<16xi1>, vector<16xf32>
        %jit3A_1218 = arith.constant 4.200000e+01 : f32
        %broadcast_in_dim3A_1219 = vector.broadcast %jit3A_1218 : f32 to vector<16xf32>
        %select_n3A_1220 = arith.select %lt3A_1216, %broadcast_in_dim3A_1219, %select_n3A_1164 : vector<16xi1>, vector<16xf32>
        %get3A_1221 = arith.constant 688 : index
        %get3A_1222 = tpu.vector_load %arg10[%get3A_1221] {strides = array<i32>} : memref<1024xf32, #tpu.memory_space<vmem>>, vector<16xf32>,
        %lt3A_1223 = arith.cmpf olt, %get3A_1222, %select_n3A_1168 : vector<16xf32>
        %select_n3A_1224 = arith.select %lt3A_1223, %get3A_1222, %select_n3A_1168 : vector<16xi1>, vector<16xf32>
        %jit3A_1225 = arith.constant 4.300000e+01 : f32
        %broadcast_in_dim3A_1226 = vector.broadcast %jit3A_1225 : f32 to vector<16xf32>
        %select_n3A_1227 = arith.select %lt3A_1223, %broadcast_in_dim3A_1226, %select_n3A_1171 : vector<16xi1>, vector<16xf32>
        %get3A_1228 = arith.constant 704 : index
        %get3A_1229 = tpu.vector_load %arg10[%get3A_1228] {strides = array<i32>} : memref<1024xf32, #tpu.memory_space<vmem>>, vector<16xf32>,
        %lt3A_1230 = arith.cmpf olt, %get3A_1229, %select_n3A_1175 : vector<16xf32>
        %select_n3A_1231 = arith.select %lt3A_1230, %get3A_1229, %select_n3A_1175 : vector<16xi1>, vector<16xf32>
        %jit3A_1232 = arith.constant 4.400000e+01 : f32
        %broadcast_in_dim3A_1233 = vector.broadcast %jit3A_1232 : f32 to vector<16xf32>
        %select_n3A_1234 = arith.select %lt3A_1230, %broadcast_in_dim3A_1233, %select_n3A_1178 : vector<16xi1>, vector<16xf32>
        %get3A_1235 = arith.constant 720 : index
        %get3A_1236 = tpu.vector_load %arg10[%get3A_1235] {strides = array<i32>} : memref<1024xf32, #tpu.memory_space<vmem>>, vector<16xf32>,
        %lt3A_1237 = arith.cmpf olt, %get3A_1236, %select_n3A_1182 : vector<16xf32>
        %select_n3A_1238 = arith.select %lt3A_1237, %get3A_1236, %select_n3A_1182 : vector<16xi1>, vector<16xf32>
        %jit3A_1239 = arith.constant 4.500000e+01 : f32
        %broadcast_in_dim3A_1240 = vector.broadcast %jit3A_1239 : f32 to vector<16xf32>
        %select_n3A_1241 = arith.select %lt3A_1237, %broadcast_in_dim3A_1240, %select_n3A_1185 : vector<16xi1>, vector<16xf32>
        %get3A_1242 = arith.constant 736 : index
        %get3A_1243 = tpu.vector_load %arg10[%get3A_1242] {strides = array<i32>} : memref<1024xf32, #tpu.memory_space<vmem>>, vector<16xf32>,
        %lt3A_1244 = arith.cmpf olt, %get3A_1243, %select_n3A_1189 : vector<16xf32>
        %select_n3A_1245 = arith.select %lt3A_1244, %get3A_1243, %select_n3A_1189 : vector<16xi1>, vector<16xf32>
        %jit3A_1246 = arith.constant 4.600000e+01 : f32
        %broadcast_in_dim3A_1247 = vector.broadcast %jit3A_1246 : f32 to vector<16xf32>
        %select_n3A_1248 = arith.select %lt3A_1244, %broadcast_in_dim3A_1247, %select_n3A_1192 : vector<16xi1>, vector<16xf32>
        %get3A_1249 = arith.constant 752 : index
        %get3A_1250 = tpu.vector_load %arg10[%get3A_1249] {strides = array<i32>} : memref<1024xf32, #tpu.memory_space<vmem>>, vector<16xf32>,
        %lt3A_1251 = arith.cmpf olt, %get3A_1250, %select_n3A_1196 : vector<16xf32>
        %select_n3A_1252 = arith.select %lt3A_1251, %get3A_1250, %select_n3A_1196 : vector<16xi1>, vector<16xf32>
        %jit3A_1253 = arith.constant 4.700000e+01 : f32
        %broadcast_in_dim3A_1254 = vector.broadcast %jit3A_1253 : f32 to vector<16xf32>
        %select_n3A_1255 = arith.select %lt3A_1251, %broadcast_in_dim3A_1254, %select_n3A_1199 : vector<16xi1>, vector<16xf32>
        %get3A_1256 = arith.constant 768 : index
        %get3A_1257 = tpu.vector_load %arg10[%get3A_1256] {strides = array<i32>} : memref<1024xf32, #tpu.memory_space<vmem>>, vector<16xf32>,
        %lt3A_1258 = arith.cmpf olt, %get3A_1257, %select_n3A_1203 : vector<16xf32>
        %select_n3A_1259 = arith.select %lt3A_1258, %get3A_1257, %select_n3A_1203 : vector<16xi1>, vector<16xf32>
        %jit3A_1260 = arith.constant 4.800000e+01 : f32
        %broadcast_in_dim3A_1261 = vector.broadcast %jit3A_1260 : f32 to vector<16xf32>
        %select_n3A_1262 = arith.select %lt3A_1258, %broadcast_in_dim3A_1261, %select_n3A_1206 : vector<16xi1>, vector<16xf32>
        %get3A_1263 = arith.constant 784 : index
        %get3A_1264 = tpu.vector_load %arg10[%get3A_1263] {strides = array<i32>} : memref<1024xf32, #tpu.memory_space<vmem>>, vector<16xf32>,
        %lt3A_1265 = arith.cmpf olt, %get3A_1264, %select_n3A_1210 : vector<16xf32>
        %select_n3A_1266 = arith.select %lt3A_1265, %get3A_1264, %select_n3A_1210 : vector<16xi1>, vector<16xf32>
        %jit3A_1267 = arith.constant 4.900000e+01 : f32
        %broadcast_in_dim3A_1268 = vector.broadcast %jit3A_1267 : f32 to vector<16xf32>
        %select_n3A_1269 = arith.select %lt3A_1265, %broadcast_in_dim3A_1268, %select_n3A_1213 : vector<16xi1>, vector<16xf32>
        %get3A_1270 = arith.constant 800 : index
        %get3A_1271 = tpu.vector_load %arg10[%get3A_1270] {strides = array<i32>} : memref<1024xf32, #tpu.memory_space<vmem>>, vector<16xf32>,
        %lt3A_1272 = arith.cmpf olt, %get3A_1271, %select_n3A_1217 : vector<16xf32>
        %select_n3A_1273 = arith.select %lt3A_1272, %get3A_1271, %select_n3A_1217 : vector<16xi1>, vector<16xf32>
        %jit3A_1274 = arith.constant 5.000000e+01 : f32
        %broadcast_in_dim3A_1275 = vector.broadcast %jit3A_1274 : f32 to vector<16xf32>
        %select_n3A_1276 = arith.select %lt3A_1272, %broadcast_in_dim3A_1275, %select_n3A_1220 : vector<16xi1>, vector<16xf32>
        %get3A_1277 = arith.constant 816 : index
        %get3A_1278 = tpu.vector_load %arg10[%get3A_1277] {strides = array<i32>} : memref<1024xf32, #tpu.memory_space<vmem>>, vector<16xf32>,
        %lt3A_1279 = arith.cmpf olt, %get3A_1278, %select_n3A_1224 : vector<16xf32>
        %select_n3A_1280 = arith.select %lt3A_1279, %get3A_1278, %select_n3A_1224 : vector<16xi1>, vector<16xf32>
        %jit3A_1281 = arith.constant 5.100000e+01 : f32
        %broadcast_in_dim3A_1282 = vector.broadcast %jit3A_1281 : f32 to vector<16xf32>
        %select_n3A_1283 = arith.select %lt3A_1279, %broadcast_in_dim3A_1282, %select_n3A_1227 : vector<16xi1>, vector<16xf32>
        %get3A_1284 = arith.constant 832 : index
        %get3A_1285 = tpu.vector_load %arg10[%get3A_1284] {strides = array<i32>} : memref<1024xf32, #tpu.memory_space<vmem>>, vector<16xf32>,
        %lt3A_1286 = arith.cmpf olt, %get3A_1285, %select_n3A_1231 : vector<16xf32>
        %select_n3A_1287 = arith.select %lt3A_1286, %get3A_1285, %select_n3A_1231 : vector<16xi1>, vector<16xf32>
        %jit3A_1288 = arith.constant 5.200000e+01 : f32
        %broadcast_in_dim3A_1289 = vector.broadcast %jit3A_1288 : f32 to vector<16xf32>
        %select_n3A_1290 = arith.select %lt3A_1286, %broadcast_in_dim3A_1289, %select_n3A_1234 : vector<16xi1>, vector<16xf32>
        %get3A_1291 = arith.constant 848 : index
        %get3A_1292 = tpu.vector_load %arg10[%get3A_1291] {strides = array<i32>} : memref<1024xf32, #tpu.memory_space<vmem>>, vector<16xf32>,
        %lt3A_1293 = arith.cmpf olt, %get3A_1292, %select_n3A_1238 : vector<16xf32>
        %select_n3A_1294 = arith.select %lt3A_1293, %get3A_1292, %select_n3A_1238 : vector<16xi1>, vector<16xf32>
        %jit3A_1295 = arith.constant 5.300000e+01 : f32
        %broadcast_in_dim3A_1296 = vector.broadcast %jit3A_1295 : f32 to vector<16xf32>
        %select_n3A_1297 = arith.select %lt3A_1293, %broadcast_in_dim3A_1296, %select_n3A_1241 : vector<16xi1>, vector<16xf32>
        %get3A_1298 = arith.constant 864 : index
        %get3A_1299 = tpu.vector_load %arg10[%get3A_1298] {strides = array<i32>} : memref<1024xf32, #tpu.memory_space<vmem>>, vector<16xf32>,
        %lt3A_1300 = arith.cmpf olt, %get3A_1299, %select_n3A_1245 : vector<16xf32>
        %select_n3A_1301 = arith.select %lt3A_1300, %get3A_1299, %select_n3A_1245 : vector<16xi1>, vector<16xf32>
        %jit3A_1302 = arith.constant 5.400000e+01 : f32
        %broadcast_in_dim3A_1303 = vector.broadcast %jit3A_1302 : f32 to vector<16xf32>
        %select_n3A_1304 = arith.select %lt3A_1300, %broadcast_in_dim3A_1303, %select_n3A_1248 : vector<16xi1>, vector<16xf32>
        %get3A_1305 = arith.constant 880 : index
        %get3A_1306 = tpu.vector_load %arg10[%get3A_1305] {strides = array<i32>} : memref<1024xf32, #tpu.memory_space<vmem>>, vector<16xf32>,
        %lt3A_1307 = arith.cmpf olt, %get3A_1306, %select_n3A_1252 : vector<16xf32>
        %select_n3A_1308 = arith.select %lt3A_1307, %get3A_1306, %select_n3A_1252 : vector<16xi1>, vector<16xf32>
        %jit3A_1309 = arith.constant 5.500000e+01 : f32
        %broadcast_in_dim3A_1310 = vector.broadcast %jit3A_1309 : f32 to vector<16xf32>
        %select_n3A_1311 = arith.select %lt3A_1307, %broadcast_in_dim3A_1310, %select_n3A_1255 : vector<16xi1>, vector<16xf32>
        %get3A_1312 = arith.constant 896 : index
        %get3A_1313 = tpu.vector_load %arg10[%get3A_1312] {strides = array<i32>} : memref<1024xf32, #tpu.memory_space<vmem>>, vector<16xf32>,
        %lt3A_1314 = arith.cmpf olt, %get3A_1313, %select_n3A_1259 : vector<16xf32>
        %select_n3A_1315 = arith.select %lt3A_1314, %get3A_1313, %select_n3A_1259 : vector<16xi1>, vector<16xf32>
        %jit3A_1316 = arith.constant 5.600000e+01 : f32
        %broadcast_in_dim3A_1317 = vector.broadcast %jit3A_1316 : f32 to vector<16xf32>
        %select_n3A_1318 = arith.select %lt3A_1314, %broadcast_in_dim3A_1317, %select_n3A_1262 : vector<16xi1>, vector<16xf32>
        %get3A_1319 = arith.constant 912 : index
        %get3A_1320 = tpu.vector_load %arg10[%get3A_1319] {strides = array<i32>} : memref<1024xf32, #tpu.memory_space<vmem>>, vector<16xf32>,
        %lt3A_1321 = arith.cmpf olt, %get3A_1320, %select_n3A_1266 : vector<16xf32>
        %select_n3A_1322 = arith.select %lt3A_1321, %get3A_1320, %select_n3A_1266 : vector<16xi1>, vector<16xf32>
        %jit3A_1323 = arith.constant 5.700000e+01 : f32
        %broadcast_in_dim3A_1324 = vector.broadcast %jit3A_1323 : f32 to vector<16xf32>
        %select_n3A_1325 = arith.select %lt3A_1321, %broadcast_in_dim3A_1324, %select_n3A_1269 : vector<16xi1>, vector<16xf32>
        %get3A_1326 = arith.constant 928 : index
        %get3A_1327 = tpu.vector_load %arg10[%get3A_1326] {strides = array<i32>} : memref<1024xf32, #tpu.memory_space<vmem>>, vector<16xf32>,
        %lt3A_1328 = arith.cmpf olt, %get3A_1327, %select_n3A_1273 : vector<16xf32>
        %select_n3A_1329 = arith.select %lt3A_1328, %get3A_1327, %select_n3A_1273 : vector<16xi1>, vector<16xf32>
        %jit3A_1330 = arith.constant 5.800000e+01 : f32
        %broadcast_in_dim3A_1331 = vector.broadcast %jit3A_1330 : f32 to vector<16xf32>
        %select_n3A_1332 = arith.select %lt3A_1328, %broadcast_in_dim3A_1331, %select_n3A_1276 : vector<16xi1>, vector<16xf32>
        %get3A_1333 = arith.constant 944 : index
        %get3A_1334 = tpu.vector_load %arg10[%get3A_1333] {strides = array<i32>} : memref<1024xf32, #tpu.memory_space<vmem>>, vector<16xf32>,
        %lt3A_1335 = arith.cmpf olt, %get3A_1334, %select_n3A_1280 : vector<16xf32>
        %select_n3A_1336 = arith.select %lt3A_1335, %get3A_1334, %select_n3A_1280 : vector<16xi1>, vector<16xf32>
        %jit3A_1337 = arith.constant 5.900000e+01 : f32
        %broadcast_in_dim3A_1338 = vector.broadcast %jit3A_1337 : f32 to vector<16xf32>
        %select_n3A_1339 = arith.select %lt3A_1335, %broadcast_in_dim3A_1338, %select_n3A_1283 : vector<16xi1>, vector<16xf32>
        %get3A_1340 = arith.constant 960 : index
        %get3A_1341 = tpu.vector_load %arg10[%get3A_1340] {strides = array<i32>} : memref<1024xf32, #tpu.memory_space<vmem>>, vector<16xf32>,
        %lt3A_1342 = arith.cmpf olt, %get3A_1341, %select_n3A_1287 : vector<16xf32>
        %select_n3A_1343 = arith.select %lt3A_1342, %get3A_1341, %select_n3A_1287 : vector<16xi1>, vector<16xf32>
        %jit3A_1344 = arith.constant 6.000000e+01 : f32
        %broadcast_in_dim3A_1345 = vector.broadcast %jit3A_1344 : f32 to vector<16xf32>
        %select_n3A_1346 = arith.select %lt3A_1342, %broadcast_in_dim3A_1345, %select_n3A_1290 : vector<16xi1>, vector<16xf32>
        %get3A_1347 = arith.constant 976 : index
        %get3A_1348 = tpu.vector_load %arg10[%get3A_1347] {strides = array<i32>} : memref<1024xf32, #tpu.memory_space<vmem>>, vector<16xf32>,
        %lt3A_1349 = arith.cmpf olt, %get3A_1348, %select_n3A_1294 : vector<16xf32>
        %select_n3A_1350 = arith.select %lt3A_1349, %get3A_1348, %select_n3A_1294 : vector<16xi1>, vector<16xf32>
        %jit3A_1351 = arith.constant 6.100000e+01 : f32
        %broadcast_in_dim3A_1352 = vector.broadcast %jit3A_1351 : f32 to vector<16xf32>
        %select_n3A_1353 = arith.select %lt3A_1349, %broadcast_in_dim3A_1352, %select_n3A_1297 : vector<16xi1>, vector<16xf32>
        %get3A_1354 = arith.constant 992 : index
        %get3A_1355 = tpu.vector_load %arg10[%get3A_1354] {strides = array<i32>} : memref<1024xf32, #tpu.memory_space<vmem>>, vector<16xf32>,
        %lt3A_1356 = arith.cmpf olt, %get3A_1355, %select_n3A_1301 : vector<16xf32>
        %select_n3A_1357 = arith.select %lt3A_1356, %get3A_1355, %select_n3A_1301 : vector<16xi1>, vector<16xf32>
        %jit3A_1358 = arith.constant 6.200000e+01 : f32
        %broadcast_in_dim3A_1359 = vector.broadcast %jit3A_1358 : f32 to vector<16xf32>
        %select_n3A_1360 = arith.select %lt3A_1356, %broadcast_in_dim3A_1359, %select_n3A_1304 : vector<16xi1>, vector<16xf32>
        %get3A_1361 = arith.constant 1008 : index
        %get3A_1362 = tpu.vector_load %arg10[%get3A_1361] {strides = array<i32>} : memref<1024xf32, #tpu.memory_space<vmem>>, vector<16xf32>,
        %lt3A_1363 = arith.cmpf olt, %get3A_1362, %select_n3A_1308 : vector<16xf32>
        %select_n3A_1364 = arith.select %lt3A_1363, %get3A_1362, %select_n3A_1308 : vector<16xi1>, vector<16xf32>
        %jit3A_1365 = arith.constant 6.300000e+01 : f32
        %broadcast_in_dim3A_1366 = vector.broadcast %jit3A_1365 : f32 to vector<16xf32>
        %select_n3A_1367 = arith.select %lt3A_1363, %broadcast_in_dim3A_1366, %select_n3A_1311 : vector<16xi1>, vector<16xf32>
        %lt3A_1368 = arith.cmpf olt, %select_n3A_1322, %select_n3A_1315 : vector<16xf32>
        %eq3A_1369 = arith.cmpf oeq, %select_n3A_1322, %select_n3A_1315 : vector<16xf32>
        %lt3A_1370 = arith.cmpf olt, %select_n3A_1325, %select_n3A_1318 : vector<16xf32>
        %and3A_1371 = arith.andi %eq3A_1369, %lt3A_1370 : vector<16xi1>
        %or3A = arith.ori %lt3A_1368, %and3A_1371 : vector<16xi1>
        %select_n3A_1372 = arith.select %or3A, %select_n3A_1322, %select_n3A_1315 : vector<16xi1>, vector<16xf32>
        %select_n3A_1373 = arith.select %or3A, %select_n3A_1325, %select_n3A_1318 : vector<16xi1>, vector<16xf32>
        %lt3A_1374 = arith.cmpf olt, %select_n3A_1336, %select_n3A_1329 : vector<16xf32>
        %eq3A_1375 = arith.cmpf oeq, %select_n3A_1336, %select_n3A_1329 : vector<16xf32>
        %lt3A_1376 = arith.cmpf olt, %select_n3A_1339, %select_n3A_1332 : vector<16xf32>
        %and3A_1377 = arith.andi %eq3A_1375, %lt3A_1376 : vector<16xi1>
        %or3A_1378 = arith.ori %lt3A_1374, %and3A_1377 : vector<16xi1>
        %select_n3A_1379 = arith.select %or3A_1378, %select_n3A_1336, %select_n3A_1329 : vector<16xi1>, vector<16xf32>
        %select_n3A_1380 = arith.select %or3A_1378, %select_n3A_1339, %select_n3A_1332 : vector<16xi1>, vector<16xf32>
        %lt3A_1381 = arith.cmpf olt, %select_n3A_1350, %select_n3A_1343 : vector<16xf32>
        %eq3A_1382 = arith.cmpf oeq, %select_n3A_1350, %select_n3A_1343 : vector<16xf32>
        %lt3A_1383 = arith.cmpf olt, %select_n3A_1353, %select_n3A_1346 : vector<16xf32>
        %and3A_1384 = arith.andi %eq3A_1382, %lt3A_1383 : vector<16xi1>
        %or3A_1385 = arith.ori %lt3A_1381, %and3A_1384 : vector<16xi1>
        %select_n3A_1386 = arith.select %or3A_1385, %select_n3A_1350, %select_n3A_1343 : vector<16xi1>, vector<16xf32>
        %select_n3A_1387 = arith.select %or3A_1385, %select_n3A_1353, %select_n3A_1346 : vector<16xi1>, vector<16xf32>
        %lt3A_1388 = arith.cmpf olt, %select_n3A_1364, %select_n3A_1357 : vector<16xf32>
        %eq3A_1389 = arith.cmpf oeq, %select_n3A_1364, %select_n3A_1357 : vector<16xf32>
        %lt3A_1390 = arith.cmpf olt, %select_n3A_1367, %select_n3A_1360 : vector<16xf32>
        %and3A_1391 = arith.andi %eq3A_1389, %lt3A_1390 : vector<16xi1>
        %or3A_1392 = arith.ori %lt3A_1388, %and3A_1391 : vector<16xi1>
        %select_n3A_1393 = arith.select %or3A_1392, %select_n3A_1364, %select_n3A_1357 : vector<16xi1>, vector<16xf32>
        %select_n3A_1394 = arith.select %or3A_1392, %select_n3A_1367, %select_n3A_1360 : vector<16xi1>, vector<16xf32>
        %lt3A_1395 = arith.cmpf olt, %select_n3A_1379, %select_n3A_1372 : vector<16xf32>
        %eq3A_1396 = arith.cmpf oeq, %select_n3A_1379, %select_n3A_1372 : vector<16xf32>
        %lt3A_1397 = arith.cmpf olt, %select_n3A_1380, %select_n3A_1373 : vector<16xf32>
        %and3A_1398 = arith.andi %eq3A_1396, %lt3A_1397 : vector<16xi1>
        %or3A_1399 = arith.ori %lt3A_1395, %and3A_1398 : vector<16xi1>
        %select_n3A_1400 = arith.select %or3A_1399, %select_n3A_1379, %select_n3A_1372 : vector<16xi1>, vector<16xf32>
        %select_n3A_1401 = arith.select %or3A_1399, %select_n3A_1380, %select_n3A_1373 : vector<16xi1>, vector<16xf32>
        %lt3A_1402 = arith.cmpf olt, %select_n3A_1393, %select_n3A_1386 : vector<16xf32>
        %eq3A_1403 = arith.cmpf oeq, %select_n3A_1393, %select_n3A_1386 : vector<16xf32>
        %lt3A_1404 = arith.cmpf olt, %select_n3A_1394, %select_n3A_1387 : vector<16xf32>
        %and3A_1405 = arith.andi %eq3A_1403, %lt3A_1404 : vector<16xi1>
        %or3A_1406 = arith.ori %lt3A_1402, %and3A_1405 : vector<16xi1>
        %select_n3A_1407 = arith.select %or3A_1406, %select_n3A_1393, %select_n3A_1386 : vector<16xi1>, vector<16xf32>
        %select_n3A_1408 = arith.select %or3A_1406, %select_n3A_1394, %select_n3A_1387 : vector<16xi1>, vector<16xf32>
        %lt3A_1409 = arith.cmpf olt, %select_n3A_1407, %select_n3A_1400 : vector<16xf32>
        %eq3A_1410 = arith.cmpf oeq, %select_n3A_1407, %select_n3A_1400 : vector<16xf32>
        %lt3A_1411 = arith.cmpf olt, %select_n3A_1408, %select_n3A_1401 : vector<16xf32>
        %and3A_1412 = arith.andi %eq3A_1410, %lt3A_1411 : vector<16xi1>
        %or3A_1413 = arith.ori %lt3A_1409, %and3A_1412 : vector<16xi1>
        %select_n3A_1414 = arith.select %or3A_1413, %select_n3A_1407, %select_n3A_1400 : vector<16xi1>, vector<16xf32>
        %select_n3A_1415 = arith.select %or3A_1413, %select_n3A_1408, %select_n3A_1401 : vector<16xi1>, vector<16xf32>
        %xor3A = arith.constant 1 : i32
        %xor3A_1416 = vector.broadcast %xor3A : i32 to vector<16xi32>
        %xor3A_1417 = arith.xori %iota3A, %xor3A_1416 : vector<16xi32>
        %lt3A_1418 = arith.constant 0 : i32
        %lt3A_1419 = vector.broadcast %lt3A_1418 : i32 to vector<16xi32>
        %lt3A_1420 = arith.cmpi slt, %xor3A_1417, %lt3A_1419 : vector<16xi32>
        %add3A_1421 = arith.constant 16 : i32
        %add3A_1422 = vector.broadcast %add3A_1421 : i32 to vector<16xi32>
        %add3A_1423 = arith.addi %xor3A_1417, %add3A_1422 : vector<16xi32>
        %select_n3A_1424 = arith.select %lt3A_1420, %add3A_1423, %xor3A_1417 : vector<16xi1>, vector<16xi32>
        %broadcast_in_dim3A_1425 = vector.shape_cast %select_n3A_1424 : vector<16xi32> to vector<16x1xi32>
        %gather3A_1426 = vector.shape_cast %broadcast_in_dim3A_1425 : vector<16x1xi32> to vector<16xi32>
        %gather3A_1427 = tpu.dynamic_gather %select_n3A_1414[%gather3A_1426] in [0] : vector<16xf32>, vector<16xi32> -> vector<16xf32>
        %min3A = arith.minimumf %select_n3A_1414, %gather3A_1427 : vector<16xf32>
        %xor3A_1428 = arith.constant 2 : i32
        %xor3A_1429 = vector.broadcast %xor3A_1428 : i32 to vector<16xi32>
        %xor3A_1430 = arith.xori %iota3A, %xor3A_1429 : vector<16xi32>
        %lt3A_1431 = arith.constant 0 : i32
        %lt3A_1432 = vector.broadcast %lt3A_1431 : i32 to vector<16xi32>
        %lt3A_1433 = arith.cmpi slt, %xor3A_1430, %lt3A_1432 : vector<16xi32>
        %add3A_1434 = arith.constant 16 : i32
        %add3A_1435 = vector.broadcast %add3A_1434 : i32 to vector<16xi32>
        %add3A_1436 = arith.addi %xor3A_1430, %add3A_1435 : vector<16xi32>
        %select_n3A_1437 = arith.select %lt3A_1433, %add3A_1436, %xor3A_1430 : vector<16xi1>, vector<16xi32>
        %broadcast_in_dim3A_1438 = vector.shape_cast %select_n3A_1437 : vector<16xi32> to vector<16x1xi32>
        %gather3A_1439 = vector.shape_cast %broadcast_in_dim3A_1438 : vector<16x1xi32> to vector<16xi32>
        %gather3A_1440 = tpu.dynamic_gather %min3A[%gather3A_1439] in [0] : vector<16xf32>, vector<16xi32> -> vector<16xf32>
        %min3A_1441 = arith.minimumf %min3A, %gather3A_1440 : vector<16xf32>
        %xor3A_1442 = arith.constant 4 : i32
        %xor3A_1443 = vector.broadcast %xor3A_1442 : i32 to vector<16xi32>
        %xor3A_1444 = arith.xori %iota3A, %xor3A_1443 : vector<16xi32>
        %lt3A_1445 = arith.constant 0 : i32
        %lt3A_1446 = vector.broadcast %lt3A_1445 : i32 to vector<16xi32>
        %lt3A_1447 = arith.cmpi slt, %xor3A_1444, %lt3A_1446 : vector<16xi32>
        %add3A_1448 = arith.constant 16 : i32
        %add3A_1449 = vector.broadcast %add3A_1448 : i32 to vector<16xi32>
        %add3A_1450 = arith.addi %xor3A_1444, %add3A_1449 : vector<16xi32>
        %select_n3A_1451 = arith.select %lt3A_1447, %add3A_1450, %xor3A_1444 : vector<16xi1>, vector<16xi32>
        %broadcast_in_dim3A_1452 = vector.shape_cast %select_n3A_1451 : vector<16xi32> to vector<16x1xi32>
        %gather3A_1453 = vector.shape_cast %broadcast_in_dim3A_1452 : vector<16x1xi32> to vector<16xi32>
        %gather3A_1454 = tpu.dynamic_gather %min3A_1441[%gather3A_1453] in [0] : vector<16xf32>, vector<16xi32> -> vector<16xf32>
        %min3A_1455 = arith.minimumf %min3A_1441, %gather3A_1454 : vector<16xf32>
        %xor3A_1456 = arith.constant 8 : i32
        %xor3A_1457 = vector.broadcast %xor3A_1456 : i32 to vector<16xi32>
        %xor3A_1458 = arith.xori %iota3A, %xor3A_1457 : vector<16xi32>
        %lt3A_1459 = arith.constant 0 : i32
        %lt3A_1460 = vector.broadcast %lt3A_1459 : i32 to vector<16xi32>
        %lt3A_1461 = arith.cmpi slt, %xor3A_1458, %lt3A_1460 : vector<16xi32>
        %add3A_1462 = arith.constant 16 : i32
        %add3A_1463 = vector.broadcast %add3A_1462 : i32 to vector<16xi32>
        %add3A_1464 = arith.addi %xor3A_1458, %add3A_1463 : vector<16xi32>
        %select_n3A_1465 = arith.select %lt3A_1461, %add3A_1464, %xor3A_1458 : vector<16xi1>, vector<16xi32>
        %broadcast_in_dim3A_1466 = vector.shape_cast %select_n3A_1465 : vector<16xi32> to vector<16x1xi32>
        %gather3A_1467 = vector.shape_cast %broadcast_in_dim3A_1466 : vector<16x1xi32> to vector<16xi32>
        %gather3A_1468 = tpu.dynamic_gather %min3A_1455[%gather3A_1467] in [0] : vector<16xf32>, vector<16xi32> -> vector<16xf32>
        %min3A_1469 = arith.minimumf %min3A_1455, %gather3A_1468 : vector<16xf32>
        %eq3A_1470 = arith.cmpf oeq, %select_n3A_1414, %min3A_1469 : vector<16xf32>
        %mul3A_1471 = arith.constant 1.600000e+01 : f32
        %mul3A_1472 = vector.broadcast %mul3A_1471 : f32 to vector<16xf32>
        %mul3A_1473 = arith.mulf %select_n3A_1415, %mul3A_1472 : vector<16xf32>
        %add3A_1474 = arith.addf %mul3A_1473, %convert_element_type3A_61 : vector<16xf32>
        %jit3A_1475 = arith.constant 2.048000e+03 : f32
        %broadcast_in_dim3A_1476 = vector.broadcast %jit3A_1475 : f32 to vector<16xf32>
        %select_n3A_1477 = arith.select %eq3A_1470, %add3A_1474, %broadcast_in_dim3A_1476 : vector<16xi1>, vector<16xf32>
        %xor3A_1478 = arith.constant 1 : i32
        %xor3A_1479 = vector.broadcast %xor3A_1478 : i32 to vector<16xi32>
        %xor3A_1480 = arith.xori %iota3A, %xor3A_1479 : vector<16xi32>
        %lt3A_1481 = arith.constant 0 : i32
        %lt3A_1482 = vector.broadcast %lt3A_1481 : i32 to vector<16xi32>
        %lt3A_1483 = arith.cmpi slt, %xor3A_1480, %lt3A_1482 : vector<16xi32>
        %add3A_1484 = arith.constant 16 : i32
        %add3A_1485 = vector.broadcast %add3A_1484 : i32 to vector<16xi32>
        %add3A_1486 = arith.addi %xor3A_1480, %add3A_1485 : vector<16xi32>
        %select_n3A_1487 = arith.select %lt3A_1483, %add3A_1486, %xor3A_1480 : vector<16xi1>, vector<16xi32>
        %broadcast_in_dim3A_1488 = vector.shape_cast %select_n3A_1487 : vector<16xi32> to vector<16x1xi32>
        %gather3A_1489 = vector.shape_cast %broadcast_in_dim3A_1488 : vector<16x1xi32> to vector<16xi32>
        %gather3A_1490 = tpu.dynamic_gather %select_n3A_1477[%gather3A_1489] in [0] : vector<16xf32>, vector<16xi32> -> vector<16xf32>
        %min3A_1491 = arith.minimumf %select_n3A_1477, %gather3A_1490 : vector<16xf32>
        %xor3A_1492 = arith.constant 2 : i32
        %xor3A_1493 = vector.broadcast %xor3A_1492 : i32 to vector<16xi32>
        %xor3A_1494 = arith.xori %iota3A, %xor3A_1493 : vector<16xi32>
        %lt3A_1495 = arith.constant 0 : i32
        %lt3A_1496 = vector.broadcast %lt3A_1495 : i32 to vector<16xi32>
        %lt3A_1497 = arith.cmpi slt, %xor3A_1494, %lt3A_1496 : vector<16xi32>
        %add3A_1498 = arith.constant 16 : i32
        %add3A_1499 = vector.broadcast %add3A_1498 : i32 to vector<16xi32>
        %add3A_1500 = arith.addi %xor3A_1494, %add3A_1499 : vector<16xi32>
        %select_n3A_1501 = arith.select %lt3A_1497, %add3A_1500, %xor3A_1494 : vector<16xi1>, vector<16xi32>
        %broadcast_in_dim3A_1502 = vector.shape_cast %select_n3A_1501 : vector<16xi32> to vector<16x1xi32>
        %gather3A_1503 = vector.shape_cast %broadcast_in_dim3A_1502 : vector<16x1xi32> to vector<16xi32>
        %gather3A_1504 = tpu.dynamic_gather %min3A_1491[%gather3A_1503] in [0] : vector<16xf32>, vector<16xi32> -> vector<16xf32>
        %min3A_1505 = arith.minimumf %min3A_1491, %gather3A_1504 : vector<16xf32>
        %xor3A_1506 = arith.constant 4 : i32
        %xor3A_1507 = vector.broadcast %xor3A_1506 : i32 to vector<16xi32>
        %xor3A_1508 = arith.xori %iota3A, %xor3A_1507 : vector<16xi32>
        %lt3A_1509 = arith.constant 0 : i32
        %lt3A_1510 = vector.broadcast %lt3A_1509 : i32 to vector<16xi32>
        %lt3A_1511 = arith.cmpi slt, %xor3A_1508, %lt3A_1510 : vector<16xi32>
        %add3A_1512 = arith.constant 16 : i32
        %add3A_1513 = vector.broadcast %add3A_1512 : i32 to vector<16xi32>
        %add3A_1514 = arith.addi %xor3A_1508, %add3A_1513 : vector<16xi32>
        %select_n3A_1515 = arith.select %lt3A_1511, %add3A_1514, %xor3A_1508 : vector<16xi1>, vector<16xi32>
        %broadcast_in_dim3A_1516 = vector.shape_cast %select_n3A_1515 : vector<16xi32> to vector<16x1xi32>
        %gather3A_1517 = vector.shape_cast %broadcast_in_dim3A_1516 : vector<16x1xi32> to vector<16xi32>
        %gather3A_1518 = tpu.dynamic_gather %min3A_1505[%gather3A_1517] in [0] : vector<16xf32>, vector<16xi32> -> vector<16xf32>
        %min3A_1519 = arith.minimumf %min3A_1505, %gather3A_1518 : vector<16xf32>
        %xor3A_1520 = arith.constant 8 : i32
        %xor3A_1521 = vector.broadcast %xor3A_1520 : i32 to vector<16xi32>
        %xor3A_1522 = arith.xori %iota3A, %xor3A_1521 : vector<16xi32>
        %lt3A_1523 = arith.constant 0 : i32
        %lt3A_1524 = vector.broadcast %lt3A_1523 : i32 to vector<16xi32>
        %lt3A_1525 = arith.cmpi slt, %xor3A_1522, %lt3A_1524 : vector<16xi32>
        %add3A_1526 = arith.constant 16 : i32
        %add3A_1527 = vector.broadcast %add3A_1526 : i32 to vector<16xi32>
        %add3A_1528 = arith.addi %xor3A_1522, %add3A_1527 : vector<16xi32>
        %select_n3A_1529 = arith.select %lt3A_1525, %add3A_1528, %xor3A_1522 : vector<16xi1>, vector<16xi32>
        %broadcast_in_dim3A_1530 = vector.shape_cast %select_n3A_1529 : vector<16xi32> to vector<16x1xi32>
        %gather3A_1531 = vector.shape_cast %broadcast_in_dim3A_1530 : vector<16x1xi32> to vector<16xi32>
        %gather3A_1532 = tpu.dynamic_gather %min3A_1519[%gather3A_1531] in [0] : vector<16xf32>, vector<16xi32> -> vector<16xf32>
        %min3A_1533 = arith.minimumf %min3A_1519, %gather3A_1532 : vector<16xf32>
        %gt3A = arith.constant 9.99999961E+35 : f32
        %gt3A_1534 = vector.broadcast %gt3A : f32 to vector<16xf32>
        %gt3A_1535 = arith.cmpf ogt, %min3A_1469, %gt3A_1534 : vector<16xf32>
        %jit3A_1536 = arith.constant 0.000000e+00 : f32
        %broadcast_in_dim3A_1537 = vector.broadcast %jit3A_1536 : f32 to vector<16xf32>
        %select_n3A_1538 = arith.select %gt3A_1535, %broadcast_in_dim3A_1537, %min3A_1533 : vector<16xi1>, vector<16xf32>
        %convert_element_type3A_1539 = arith.fptosi %select_n3A_1538 : vector<16xf32> to vector<16xi32>
        %shift_right_arithmetic3A = arith.constant 5 : i32
        %shift_right_arithmetic3A_1540 = vector.broadcast %shift_right_arithmetic3A : i32 to vector<16xi32>
        %shift_right_arithmetic3A_1541 = arith.shrsi %convert_element_type3A_1539, %shift_right_arithmetic3A_1540 : vector<16xi32>
        %and3A_1542 = arith.constant 31 : i32
        %and3A_1543 = vector.broadcast %and3A_1542 : i32 to vector<16xi32>
        %and3A_1544 = arith.andi %convert_element_type3A_1539, %and3A_1543 : vector<16xi32>
        %add3A_1545 = arith.addi %shift_right_arithmetic3A_1541, %select_n3A_98 : vector<16xi32>
        %add3A_1546 = arith.addi %and3A_1544, %select_n3A_125 : vector<16xi32>
        %ge3A_1547 = arith.constant 0 : i32
        %ge3A_1548 = vector.broadcast %ge3A_1547 : i32 to vector<16xi32>
        %ge3A_1549 = arith.cmpi sge, %add3A_1545, %ge3A_1548 : vector<16xi32>
        %and3A_1550 = arith.andi %lt3A_70, %ge3A_1549 : vector<16xi1>
        %lt3A_1551 = arith.constant 32 : i32
        %lt3A_1552 = vector.broadcast %lt3A_1551 : i32 to vector<16xi32>
        %lt3A_1553 = arith.cmpi slt, %add3A_1545, %lt3A_1552 : vector<16xi32>
        %and3A_1554 = arith.andi %and3A_1550, %lt3A_1553 : vector<16xi1>
        %ge3A_1555 = arith.constant 0 : i32
        %ge3A_1556 = vector.broadcast %ge3A_1555 : i32 to vector<16xi32>
        %ge3A_1557 = arith.cmpi sge, %add3A_1546, %ge3A_1556 : vector<16xi32>
        %and3A_1558 = arith.andi %and3A_1554, %ge3A_1557 : vector<16xi1>
        %lt3A_1559 = arith.constant 32 : i32
        %lt3A_1560 = vector.broadcast %lt3A_1559 : i32 to vector<16xi32>
        %lt3A_1561 = arith.cmpi slt, %add3A_1546, %lt3A_1560 : vector<16xi32>
        %and3A_1562 = arith.andi %and3A_1558, %lt3A_1561 : vector<16xi1>
        %shift_left3A = arith.constant 5 : i32
        %shift_left3A_1563 = vector.broadcast %shift_left3A : i32 to vector<16xi32>
        %shift_left3A_1564 = arith.shli %add3A_1545, %shift_left3A_1563 : vector<16xi32>
        %add3A_1565 = arith.addi %shift_left3A_1564, %add3A_1546 : vector<16xi32>
        %select_n3A_1566 = arith.select %and3A_1562, %add3A_1565, %convert_element_type3A_1539 : vector<16xi1>, vector<16xi32>
        %gather3A_1567 = tpu.vector_load_idx %arg11[%select_n3A_1566] : memref<1024xf32, #tpu.memory_space<vmem>>[vector<16xi32>], vector<16xf32>,
        %gather3A_1568 = tpu.vector_load_idx %arg12[%select_n3A_1566] : memref<1024xf32, #tpu.memory_space<vmem>>[vector<16xi32>], vector<16xf32>,
        %gather3A_1569 = tpu.vector_load_idx %arg10[%select_n3A_1566] : memref<1024xf32, #tpu.memory_space<vmem>>[vector<16xi32>], vector<16xf32>,
        %lt3A_1570 = arith.constant 0 : i32
        %lt3A_1571 = vector.broadcast %lt3A_1570 : i32 to vector<16xi32>
        %lt3A_1572 = arith.cmpi slt, %broadcast_in_dim3A_137, %lt3A_1571 : vector<16xi32>
        %add3A_1573 = arith.constant 16 : i32
        %add3A_1574 = vector.broadcast %add3A_1573 : i32 to vector<16xi32>
        %add3A_1575 = arith.addi %broadcast_in_dim3A_137, %add3A_1574 : vector<16xi32>
        %select_n3A_1576 = arith.select %lt3A_1572, %add3A_1575, %broadcast_in_dim3A_137 : vector<16xi1>, vector<16xi32>
        %broadcast_in_dim3A_1577 = vector.shape_cast %select_n3A_1576 : vector<16xi32> to vector<16x1xi32>
        %gather3A_1578 = vector.shape_cast %broadcast_in_dim3A_1577 : vector<16x1xi32> to vector<16xi32>
        %gather3A_1579 = tpu.dynamic_gather %gather3A_1568[%gather3A_1578] in [0] : vector<16xf32>, vector<16xi32> -> vector<16xf32>
        %lt3A_1580 = arith.constant 0 : i32
        %lt3A_1581 = vector.broadcast %lt3A_1580 : i32 to vector<16xi32>
        %lt3A_1582 = arith.cmpi slt, %broadcast_in_dim3A_137, %lt3A_1581 : vector<16xi32>
        %add3A_1583 = arith.constant 16 : i32
        %add3A_1584 = vector.broadcast %add3A_1583 : i32 to vector<16xi32>
        %add3A_1585 = arith.addi %broadcast_in_dim3A_137, %add3A_1584 : vector<16xi32>
        %select_n3A_1586 = arith.select %lt3A_1582, %add3A_1585, %broadcast_in_dim3A_137 : vector<16xi1>, vector<16xi32>
        %broadcast_in_dim3A_1587 = vector.shape_cast %select_n3A_1586 : vector<16xi32> to vector<16x1xi32>
        %gather3A_1588 = vector.shape_cast %broadcast_in_dim3A_1587 : vector<16x1xi32> to vector<16xi32>
        %gather3A_1589 = tpu.dynamic_gather %gather3A_1567[%gather3A_1588] in [0] : vector<16xf32>, vector<16xi32> -> vector<16xf32>
        %gt3A_1590 = arith.constant 0.000000e+00 : f32
        %gt3A_1591 = vector.broadcast %gt3A_1590 : f32 to vector<16xf32>
        %gt3A_1592 = arith.cmpf ogt, %gather3A_1579, %gt3A_1591 : vector<16xf32>
        %jit3A_1593 = arith.constant 1.000000e+00 : f32
        %jit3A_1594 = arith.constant 0.000000e+00 : f32
        %broadcast_in_dim3A_1595 = vector.broadcast %jit3A_1593 : f32 to vector<16xf32>
        %broadcast_in_dim3A_1596 = vector.broadcast %jit3A_1594 : f32 to vector<16xf32>
        %select_n3A_1597 = arith.select %gt3A_1592, %broadcast_in_dim3A_1595, %broadcast_in_dim3A_1596 : vector<16xi1>, vector<16xf32>
        %add3A_1598 = arith.addf %gather3A_1589, %select_n3A_1597 : vector<16xf32>
        %lt3A_1599 = arith.constant 9.99999961E+35 : f32
        %lt3A_1600 = vector.broadcast %lt3A_1599 : f32 to vector<16xf32>
        %lt3A_1601 = arith.cmpf olt, %gather3A_1569, %lt3A_1600 : vector<16xf32>
        %eq3A_1602 = arith.constant 0x7F800000 : f32
        %eq3A_1603 = vector.broadcast %eq3A_1602 : f32 to vector<16xf32>
        %eq3A_1604 = arith.cmpf oeq, %gather3A_1569, %eq3A_1603 : vector<16xf32>
        %gt3A_1605 = arith.constant 0.000000e+00 : f32
        %gt3A_1606 = vector.broadcast %gt3A_1605 : f32 to vector<16xf32>
        %gt3A_1607 = arith.cmpf ogt, %gather3A_1568, %gt3A_1606 : vector<16xf32>
        %and3A_1608 = arith.andi %and3A_1562, %gt3A_1607 : vector<16xi1>
        %gt3A_1609 = arith.cmpf ogt, %gather3A_1567, %add3A_1598 : vector<16xf32>
        %and3A_1610 = arith.andi %lt3A_1601, %gt3A_1609 : vector<16xi1>
        %not3A = arith.constant dense<true> : vector<16xi1>
        %not3A_1611 = arith.xori %lt3A_1601, %not3A : vector<16xi1>
        %and3A_1612 = arith.andi %not3A_1611, %eq3A_1604 : vector<16xi1>
        %or3A_1613 = arith.ori %and3A_1610, %and3A_1612 : vector<16xi1>
        %and3A_1614 = arith.andi %and3A_1608, %or3A_1613 : vector<16xi1>
        %mul3A_1615 = arith.constant 5.000000e-01 : f32
        %mul3A_1616 = vector.broadcast %mul3A_1615 : f32 to vector<16xf32>
        %mul3A_1617 = arith.mulf %mul3A_1616, %add3A_1598 : vector<16xf32>
        %abs3A = math.absf %gather3A_1568 : vector<16xf32>
        %mul3A_1618 = arith.constant 5.000000e-01 : f32
        %mul3A_1619 = vector.broadcast %mul3A_1618 : f32 to vector<16xf32>
        %mul3A_1620 = arith.mulf %mul3A_1619, %abs3A : vector<16xf32>
        %add3A_1621 = arith.addf %mul3A_1617, %mul3A_1620 : vector<16xf32>
        %ne3A_1622 = arith.cmpf one, %select_n3A_1538, %get3A_62 : vector<16xf32>
        %and3A_1623 = arith.andi %eq3A_132, %ne3A_1622 : vector<16xi1>
        tpu.vector_store_idx %arg11[%select_n3A_1566], %add3A_1598 masked %and3A_1614 : memref<1024xf32, #tpu.memory_space<vmem>>[vector<16xi32>], vector<16xf32>, vector<16xi1>
        tpu.vector_store_idx %arg14[%select_n3A_1566], %convert_element_type3A_1539 masked %and3A_1614 : memref<1024xi32, #tpu.memory_space<vmem>>[vector<16xi32>], vector<16xi32>, vector<16xi1>
        %jit3A_1624 = arith.constant 9.99999993E+36 : f32
        %broadcast_in_dim3A_1625 = vector.broadcast %jit3A_1624 : f32 to vector<16xf32>
        %select_n3A_1626 = arith.select %and3A_1623, %broadcast_in_dim3A_1625, %add3A_1621 : vector<16xi1>, vector<16xf32>
        %or3A_1627 = arith.ori %and3A_1614, %and3A_1623 : vector<16xi1>
        tpu.vector_store_idx %arg10[%select_n3A_1566], %select_n3A_1626 masked %or3A_1627 : memref<1024xf32, #tpu.memory_space<vmem>>[vector<16xi32>], vector<16xf32>, vector<16xi1>
        %add3A_1628 = arith.constant 1 : i32
        %add3A_1629 = arith.addi %while3A_915, %add3A_1628 : i32
        %eq3A_1630 = arith.cmpf oeq, %select_n3A_1538, %get3A_62 : vector<16xf32>
        %or3A_1631 = arith.ori %while3A_916, %eq3A_1630 : vector<16xi1>
        scf.yield %add3A_1629, %or3A_1631 : i32, vector<16xi1>
      }
      %jit3A_141 = arith.constant 1.000000e+00 : f32
      %jit3A_142 = arith.constant 0.000000e+00 : f32
      %broadcast_in_dim3A_143 = vector.broadcast %jit3A_141 : f32 to vector<16xf32>
      %broadcast_in_dim3A_144 = vector.broadcast %jit3A_142 : f32 to vector<16xf32>
      %select_n3A_145 = arith.select %while3A_140#1, %broadcast_in_dim3A_143, %broadcast_in_dim3A_144 : vector<16xi1>, vector<16xf32>
      %get3A_146 = arith.constant 0 : index
      %get3A_147 = tpu.vector_load %arg10[%get3A_146] {strides = array<i32>} : memref<1024xf32, #tpu.memory_space<vmem>>, vector<16xf32>,
      %eq3A_148 = arith.constant 9.99999993E+36 : f32
      %eq3A_149 = vector.broadcast %eq3A_148 : f32 to vector<16xf32>
      %eq3A_150 = arith.cmpf oeq, %get3A_147, %eq3A_149 : vector<16xf32>
      %jit3A_151 = arith.constant 1.000000e+00 : f32
      %jit3A_152 = arith.constant 0.000000e+00 : f32
      %broadcast_in_dim3A_153 = vector.broadcast %jit3A_151 : f32 to vector<16xf32>
      %broadcast_in_dim3A_154 = vector.broadcast %jit3A_152 : f32 to vector<16xf32>
      %select_n3A_155 = arith.select %eq3A_150, %broadcast_in_dim3A_153, %broadcast_in_dim3A_154 : vector<16xi1>, vector<16xf32>
      %swap3A = arith.constant 0 : index
      %swap3A_156 = tpu.vector_load %arg13[%swap3A] {strides = array<i32>} : memref<1024xf32, #tpu.memory_space<vmem>>, vector<16xf32>,
      tpu.vector_store %arg13[%swap3A], %select_n3A_155 {strides = array<i32>} : memref<1024xf32, #tpu.memory_space<vmem>>, vector<16xf32>,
      %get3A_157 = arith.constant 16 : index
      %get3A_158 = tpu.vector_load %arg10[%get3A_157] {strides = array<i32>} : memref<1024xf32, #tpu.memory_space<vmem>>, vector<16xf32>,
      %eq3A_159 = arith.constant 9.99999993E+36 : f32
      %eq3A_160 = vector.broadcast %eq3A_159 : f32 to vector<16xf32>
      %eq3A_161 = arith.cmpf oeq, %get3A_158, %eq3A_160 : vector<16xf32>
      %jit3A_162 = arith.constant 1.000000e+00 : f32
      %jit3A_163 = arith.constant 0.000000e+00 : f32
      %broadcast_in_dim3A_164 = vector.broadcast %jit3A_162 : f32 to vector<16xf32>
      %broadcast_in_dim3A_165 = vector.broadcast %jit3A_163 : f32 to vector<16xf32>
      %select_n3A_166 = arith.select %eq3A_161, %broadcast_in_dim3A_164, %broadcast_in_dim3A_165 : vector<16xi1>, vector<16xf32>
      %swap3A_167 = arith.constant 16 : index
      %swap3A_168 = tpu.vector_load %arg13[%swap3A_167] {strides = array<i32>} : memref<1024xf32, #tpu.memory_space<vmem>>, vector<16xf32>,
      tpu.vector_store %arg13[%swap3A_167], %select_n3A_166 {strides = array<i32>} : memref<1024xf32, #tpu.memory_space<vmem>>, vector<16xf32>,
      %get3A_169 = arith.constant 32 : index
      %get3A_170 = tpu.vector_load %arg10[%get3A_169] {strides = array<i32>} : memref<1024xf32, #tpu.memory_space<vmem>>, vector<16xf32>,
      %eq3A_171 = arith.constant 9.99999993E+36 : f32
      %eq3A_172 = vector.broadcast %eq3A_171 : f32 to vector<16xf32>
      %eq3A_173 = arith.cmpf oeq, %get3A_170, %eq3A_172 : vector<16xf32>
      %jit3A_174 = arith.constant 1.000000e+00 : f32
      %jit3A_175 = arith.constant 0.000000e+00 : f32
      %broadcast_in_dim3A_176 = vector.broadcast %jit3A_174 : f32 to vector<16xf32>
      %broadcast_in_dim3A_177 = vector.broadcast %jit3A_175 : f32 to vector<16xf32>
      %select_n3A_178 = arith.select %eq3A_173, %broadcast_in_dim3A_176, %broadcast_in_dim3A_177 : vector<16xi1>, vector<16xf32>
      %swap3A_179 = arith.constant 32 : index
      %swap3A_180 = tpu.vector_load %arg13[%swap3A_179] {strides = array<i32>} : memref<1024xf32, #tpu.memory_space<vmem>>, vector<16xf32>,
      tpu.vector_store %arg13[%swap3A_179], %select_n3A_178 {strides = array<i32>} : memref<1024xf32, #tpu.memory_space<vmem>>, vector<16xf32>,
      %get3A_181 = arith.constant 48 : index
      %get3A_182 = tpu.vector_load %arg10[%get3A_181] {strides = array<i32>} : memref<1024xf32, #tpu.memory_space<vmem>>, vector<16xf32>,
      %eq3A_183 = arith.constant 9.99999993E+36 : f32
      %eq3A_184 = vector.broadcast %eq3A_183 : f32 to vector<16xf32>
      %eq3A_185 = arith.cmpf oeq, %get3A_182, %eq3A_184 : vector<16xf32>
      %jit3A_186 = arith.constant 1.000000e+00 : f32
      %jit3A_187 = arith.constant 0.000000e+00 : f32
      %broadcast_in_dim3A_188 = vector.broadcast %jit3A_186 : f32 to vector<16xf32>
      %broadcast_in_dim3A_189 = vector.broadcast %jit3A_187 : f32 to vector<16xf32>
      %select_n3A_190 = arith.select %eq3A_185, %broadcast_in_dim3A_188, %broadcast_in_dim3A_189 : vector<16xi1>, vector<16xf32>
      %swap3A_191 = arith.constant 48 : index
      %swap3A_192 = tpu.vector_load %arg13[%swap3A_191] {strides = array<i32>} : memref<1024xf32, #tpu.memory_space<vmem>>, vector<16xf32>,
      tpu.vector_store %arg13[%swap3A_191], %select_n3A_190 {strides = array<i32>} : memref<1024xf32, #tpu.memory_space<vmem>>, vector<16xf32>,
      %get3A_193 = arith.constant 64 : index
      %get3A_194 = tpu.vector_load %arg10[%get3A_193] {strides = array<i32>} : memref<1024xf32, #tpu.memory_space<vmem>>, vector<16xf32>,
      %eq3A_195 = arith.constant 9.99999993E+36 : f32
      %eq3A_196 = vector.broadcast %eq3A_195 : f32 to vector<16xf32>
      %eq3A_197 = arith.cmpf oeq, %get3A_194, %eq3A_196 : vector<16xf32>
      %jit3A_198 = arith.constant 1.000000e+00 : f32
      %jit3A_199 = arith.constant 0.000000e+00 : f32
      %broadcast_in_dim3A_200 = vector.broadcast %jit3A_198 : f32 to vector<16xf32>
      %broadcast_in_dim3A_201 = vector.broadcast %jit3A_199 : f32 to vector<16xf32>
      %select_n3A_202 = arith.select %eq3A_197, %broadcast_in_dim3A_200, %broadcast_in_dim3A_201 : vector<16xi1>, vector<16xf32>
      %swap3A_203 = arith.constant 64 : index
      %swap3A_204 = tpu.vector_load %arg13[%swap3A_203] {strides = array<i32>} : memref<1024xf32, #tpu.memory_space<vmem>>, vector<16xf32>,
      tpu.vector_store %arg13[%swap3A_203], %select_n3A_202 {strides = array<i32>} : memref<1024xf32, #tpu.memory_space<vmem>>, vector<16xf32>,
      %get3A_205 = arith.constant 80 : index
      %get3A_206 = tpu.vector_load %arg10[%get3A_205] {strides = array<i32>} : memref<1024xf32, #tpu.memory_space<vmem>>, vector<16xf32>,
      %eq3A_207 = arith.constant 9.99999993E+36 : f32
      %eq3A_208 = vector.broadcast %eq3A_207 : f32 to vector<16xf32>
      %eq3A_209 = arith.cmpf oeq, %get3A_206, %eq3A_208 : vector<16xf32>
      %jit3A_210 = arith.constant 1.000000e+00 : f32
      %jit3A_211 = arith.constant 0.000000e+00 : f32
      %broadcast_in_dim3A_212 = vector.broadcast %jit3A_210 : f32 to vector<16xf32>
      %broadcast_in_dim3A_213 = vector.broadcast %jit3A_211 : f32 to vector<16xf32>
      %select_n3A_214 = arith.select %eq3A_209, %broadcast_in_dim3A_212, %broadcast_in_dim3A_213 : vector<16xi1>, vector<16xf32>
      %swap3A_215 = arith.constant 80 : index
      %swap3A_216 = tpu.vector_load %arg13[%swap3A_215] {strides = array<i32>} : memref<1024xf32, #tpu.memory_space<vmem>>, vector<16xf32>,
      tpu.vector_store %arg13[%swap3A_215], %select_n3A_214 {strides = array<i32>} : memref<1024xf32, #tpu.memory_space<vmem>>, vector<16xf32>,
      %get3A_217 = arith.constant 96 : index
      %get3A_218 = tpu.vector_load %arg10[%get3A_217] {strides = array<i32>} : memref<1024xf32, #tpu.memory_space<vmem>>, vector<16xf32>,
      %eq3A_219 = arith.constant 9.99999993E+36 : f32
      %eq3A_220 = vector.broadcast %eq3A_219 : f32 to vector<16xf32>
      %eq3A_221 = arith.cmpf oeq, %get3A_218, %eq3A_220 : vector<16xf32>
      %jit3A_222 = arith.constant 1.000000e+00 : f32
      %jit3A_223 = arith.constant 0.000000e+00 : f32
      %broadcast_in_dim3A_224 = vector.broadcast %jit3A_222 : f32 to vector<16xf32>
      %broadcast_in_dim3A_225 = vector.broadcast %jit3A_223 : f32 to vector<16xf32>
      %select_n3A_226 = arith.select %eq3A_221, %broadcast_in_dim3A_224, %broadcast_in_dim3A_225 : vector<16xi1>, vector<16xf32>
      %swap3A_227 = arith.constant 96 : index
      %swap3A_228 = tpu.vector_load %arg13[%swap3A_227] {strides = array<i32>} : memref<1024xf32, #tpu.memory_space<vmem>>, vector<16xf32>,
      tpu.vector_store %arg13[%swap3A_227], %select_n3A_226 {strides = array<i32>} : memref<1024xf32, #tpu.memory_space<vmem>>, vector<16xf32>,
      %get3A_229 = arith.constant 112 : index
      %get3A_230 = tpu.vector_load %arg10[%get3A_229] {strides = array<i32>} : memref<1024xf32, #tpu.memory_space<vmem>>, vector<16xf32>,
      %eq3A_231 = arith.constant 9.99999993E+36 : f32
      %eq3A_232 = vector.broadcast %eq3A_231 : f32 to vector<16xf32>
      %eq3A_233 = arith.cmpf oeq, %get3A_230, %eq3A_232 : vector<16xf32>
      %jit3A_234 = arith.constant 1.000000e+00 : f32
      %jit3A_235 = arith.constant 0.000000e+00 : f32
      %broadcast_in_dim3A_236 = vector.broadcast %jit3A_234 : f32 to vector<16xf32>
      %broadcast_in_dim3A_237 = vector.broadcast %jit3A_235 : f32 to vector<16xf32>
      %select_n3A_238 = arith.select %eq3A_233, %broadcast_in_dim3A_236, %broadcast_in_dim3A_237 : vector<16xi1>, vector<16xf32>
      %swap3A_239 = arith.constant 112 : index
      %swap3A_240 = tpu.vector_load %arg13[%swap3A_239] {strides = array<i32>} : memref<1024xf32, #tpu.memory_space<vmem>>, vector<16xf32>,
      tpu.vector_store %arg13[%swap3A_239], %select_n3A_238 {strides = array<i32>} : memref<1024xf32, #tpu.memory_space<vmem>>, vector<16xf32>,
      %get3A_241 = arith.constant 128 : index
      %get3A_242 = tpu.vector_load %arg10[%get3A_241] {strides = array<i32>} : memref<1024xf32, #tpu.memory_space<vmem>>, vector<16xf32>,
      %eq3A_243 = arith.constant 9.99999993E+36 : f32
      %eq3A_244 = vector.broadcast %eq3A_243 : f32 to vector<16xf32>
      %eq3A_245 = arith.cmpf oeq, %get3A_242, %eq3A_244 : vector<16xf32>
      %jit3A_246 = arith.constant 1.000000e+00 : f32
      %jit3A_247 = arith.constant 0.000000e+00 : f32
      %broadcast_in_dim3A_248 = vector.broadcast %jit3A_246 : f32 to vector<16xf32>
      %broadcast_in_dim3A_249 = vector.broadcast %jit3A_247 : f32 to vector<16xf32>
      %select_n3A_250 = arith.select %eq3A_245, %broadcast_in_dim3A_248, %broadcast_in_dim3A_249 : vector<16xi1>, vector<16xf32>
      %swap3A_251 = arith.constant 128 : index
      %swap3A_252 = tpu.vector_load %arg13[%swap3A_251] {strides = array<i32>} : memref<1024xf32, #tpu.memory_space<vmem>>, vector<16xf32>,
      tpu.vector_store %arg13[%swap3A_251], %select_n3A_250 {strides = array<i32>} : memref<1024xf32, #tpu.memory_space<vmem>>, vector<16xf32>,
      %get3A_253 = arith.constant 144 : index
      %get3A_254 = tpu.vector_load %arg10[%get3A_253] {strides = array<i32>} : memref<1024xf32, #tpu.memory_space<vmem>>, vector<16xf32>,
      %eq3A_255 = arith.constant 9.99999993E+36 : f32
      %eq3A_256 = vector.broadcast %eq3A_255 : f32 to vector<16xf32>
      %eq3A_257 = arith.cmpf oeq, %get3A_254, %eq3A_256 : vector<16xf32>
      %jit3A_258 = arith.constant 1.000000e+00 : f32
      %jit3A_259 = arith.constant 0.000000e+00 : f32
      %broadcast_in_dim3A_260 = vector.broadcast %jit3A_258 : f32 to vector<16xf32>
      %broadcast_in_dim3A_261 = vector.broadcast %jit3A_259 : f32 to vector<16xf32>
      %select_n3A_262 = arith.select %eq3A_257, %broadcast_in_dim3A_260, %broadcast_in_dim3A_261 : vector<16xi1>, vector<16xf32>
      %swap3A_263 = arith.constant 144 : index
      %swap3A_264 = tpu.vector_load %arg13[%swap3A_263] {strides = array<i32>} : memref<1024xf32, #tpu.memory_space<vmem>>, vector<16xf32>,
      tpu.vector_store %arg13[%swap3A_263], %select_n3A_262 {strides = array<i32>} : memref<1024xf32, #tpu.memory_space<vmem>>, vector<16xf32>,
      %get3A_265 = arith.constant 160 : index
      %get3A_266 = tpu.vector_load %arg10[%get3A_265] {strides = array<i32>} : memref<1024xf32, #tpu.memory_space<vmem>>, vector<16xf32>,
      %eq3A_267 = arith.constant 9.99999993E+36 : f32
      %eq3A_268 = vector.broadcast %eq3A_267 : f32 to vector<16xf32>
      %eq3A_269 = arith.cmpf oeq, %get3A_266, %eq3A_268 : vector<16xf32>
      %jit3A_270 = arith.constant 1.000000e+00 : f32
      %jit3A_271 = arith.constant 0.000000e+00 : f32
      %broadcast_in_dim3A_272 = vector.broadcast %jit3A_270 : f32 to vector<16xf32>
      %broadcast_in_dim3A_273 = vector.broadcast %jit3A_271 : f32 to vector<16xf32>
      %select_n3A_274 = arith.select %eq3A_269, %broadcast_in_dim3A_272, %broadcast_in_dim3A_273 : vector<16xi1>, vector<16xf32>
      %swap3A_275 = arith.constant 160 : index
      %swap3A_276 = tpu.vector_load %arg13[%swap3A_275] {strides = array<i32>} : memref<1024xf32, #tpu.memory_space<vmem>>, vector<16xf32>,
      tpu.vector_store %arg13[%swap3A_275], %select_n3A_274 {strides = array<i32>} : memref<1024xf32, #tpu.memory_space<vmem>>, vector<16xf32>,
      %get3A_277 = arith.constant 176 : index
      %get3A_278 = tpu.vector_load %arg10[%get3A_277] {strides = array<i32>} : memref<1024xf32, #tpu.memory_space<vmem>>, vector<16xf32>,
      %eq3A_279 = arith.constant 9.99999993E+36 : f32
      %eq3A_280 = vector.broadcast %eq3A_279 : f32 to vector<16xf32>
      %eq3A_281 = arith.cmpf oeq, %get3A_278, %eq3A_280 : vector<16xf32>
      %jit3A_282 = arith.constant 1.000000e+00 : f32
      %jit3A_283 = arith.constant 0.000000e+00 : f32
      %broadcast_in_dim3A_284 = vector.broadcast %jit3A_282 : f32 to vector<16xf32>
      %broadcast_in_dim3A_285 = vector.broadcast %jit3A_283 : f32 to vector<16xf32>
      %select_n3A_286 = arith.select %eq3A_281, %broadcast_in_dim3A_284, %broadcast_in_dim3A_285 : vector<16xi1>, vector<16xf32>
      %swap3A_287 = arith.constant 176 : index
      %swap3A_288 = tpu.vector_load %arg13[%swap3A_287] {strides = array<i32>} : memref<1024xf32, #tpu.memory_space<vmem>>, vector<16xf32>,
      tpu.vector_store %arg13[%swap3A_287], %select_n3A_286 {strides = array<i32>} : memref<1024xf32, #tpu.memory_space<vmem>>, vector<16xf32>,
      %get3A_289 = arith.constant 192 : index
      %get3A_290 = tpu.vector_load %arg10[%get3A_289] {strides = array<i32>} : memref<1024xf32, #tpu.memory_space<vmem>>, vector<16xf32>,
      %eq3A_291 = arith.constant 9.99999993E+36 : f32
      %eq3A_292 = vector.broadcast %eq3A_291 : f32 to vector<16xf32>
      %eq3A_293 = arith.cmpf oeq, %get3A_290, %eq3A_292 : vector<16xf32>
      %jit3A_294 = arith.constant 1.000000e+00 : f32
      %jit3A_295 = arith.constant 0.000000e+00 : f32
      %broadcast_in_dim3A_296 = vector.broadcast %jit3A_294 : f32 to vector<16xf32>
      %broadcast_in_dim3A_297 = vector.broadcast %jit3A_295 : f32 to vector<16xf32>
      %select_n3A_298 = arith.select %eq3A_293, %broadcast_in_dim3A_296, %broadcast_in_dim3A_297 : vector<16xi1>, vector<16xf32>
      %swap3A_299 = arith.constant 192 : index
      %swap3A_300 = tpu.vector_load %arg13[%swap3A_299] {strides = array<i32>} : memref<1024xf32, #tpu.memory_space<vmem>>, vector<16xf32>,
      tpu.vector_store %arg13[%swap3A_299], %select_n3A_298 {strides = array<i32>} : memref<1024xf32, #tpu.memory_space<vmem>>, vector<16xf32>,
      %get3A_301 = arith.constant 208 : index
      %get3A_302 = tpu.vector_load %arg10[%get3A_301] {strides = array<i32>} : memref<1024xf32, #tpu.memory_space<vmem>>, vector<16xf32>,
      %eq3A_303 = arith.constant 9.99999993E+36 : f32
      %eq3A_304 = vector.broadcast %eq3A_303 : f32 to vector<16xf32>
      %eq3A_305 = arith.cmpf oeq, %get3A_302, %eq3A_304 : vector<16xf32>
      %jit3A_306 = arith.constant 1.000000e+00 : f32
      %jit3A_307 = arith.constant 0.000000e+00 : f32
      %broadcast_in_dim3A_308 = vector.broadcast %jit3A_306 : f32 to vector<16xf32>
      %broadcast_in_dim3A_309 = vector.broadcast %jit3A_307 : f32 to vector<16xf32>
      %select_n3A_310 = arith.select %eq3A_305, %broadcast_in_dim3A_308, %broadcast_in_dim3A_309 : vector<16xi1>, vector<16xf32>
      %swap3A_311 = arith.constant 208 : index
      %swap3A_312 = tpu.vector_load %arg13[%swap3A_311] {strides = array<i32>} : memref<1024xf32, #tpu.memory_space<vmem>>, vector<16xf32>,
      tpu.vector_store %arg13[%swap3A_311], %select_n3A_310 {strides = array<i32>} : memref<1024xf32, #tpu.memory_space<vmem>>, vector<16xf32>,
      %get3A_313 = arith.constant 224 : index
      %get3A_314 = tpu.vector_load %arg10[%get3A_313] {strides = array<i32>} : memref<1024xf32, #tpu.memory_space<vmem>>, vector<16xf32>,
      %eq3A_315 = arith.constant 9.99999993E+36 : f32
      %eq3A_316 = vector.broadcast %eq3A_315 : f32 to vector<16xf32>
      %eq3A_317 = arith.cmpf oeq, %get3A_314, %eq3A_316 : vector<16xf32>
      %jit3A_318 = arith.constant 1.000000e+00 : f32
      %jit3A_319 = arith.constant 0.000000e+00 : f32
      %broadcast_in_dim3A_320 = vector.broadcast %jit3A_318 : f32 to vector<16xf32>
      %broadcast_in_dim3A_321 = vector.broadcast %jit3A_319 : f32 to vector<16xf32>
      %select_n3A_322 = arith.select %eq3A_317, %broadcast_in_dim3A_320, %broadcast_in_dim3A_321 : vector<16xi1>, vector<16xf32>
      %swap3A_323 = arith.constant 224 : index
      %swap3A_324 = tpu.vector_load %arg13[%swap3A_323] {strides = array<i32>} : memref<1024xf32, #tpu.memory_space<vmem>>, vector<16xf32>,
      tpu.vector_store %arg13[%swap3A_323], %select_n3A_322 {strides = array<i32>} : memref<1024xf32, #tpu.memory_space<vmem>>, vector<16xf32>,
      %get3A_325 = arith.constant 240 : index
      %get3A_326 = tpu.vector_load %arg10[%get3A_325] {strides = array<i32>} : memref<1024xf32, #tpu.memory_space<vmem>>, vector<16xf32>,
      %eq3A_327 = arith.constant 9.99999993E+36 : f32
      %eq3A_328 = vector.broadcast %eq3A_327 : f32 to vector<16xf32>
      %eq3A_329 = arith.cmpf oeq, %get3A_326, %eq3A_328 : vector<16xf32>
      %jit3A_330 = arith.constant 1.000000e+00 : f32
      %jit3A_331 = arith.constant 0.000000e+00 : f32
      %broadcast_in_dim3A_332 = vector.broadcast %jit3A_330 : f32 to vector<16xf32>
      %broadcast_in_dim3A_333 = vector.broadcast %jit3A_331 : f32 to vector<16xf32>
      %select_n3A_334 = arith.select %eq3A_329, %broadcast_in_dim3A_332, %broadcast_in_dim3A_333 : vector<16xi1>, vector<16xf32>
      %swap3A_335 = arith.constant 240 : index
      %swap3A_336 = tpu.vector_load %arg13[%swap3A_335] {strides = array<i32>} : memref<1024xf32, #tpu.memory_space<vmem>>, vector<16xf32>,
      tpu.vector_store %arg13[%swap3A_335], %select_n3A_334 {strides = array<i32>} : memref<1024xf32, #tpu.memory_space<vmem>>, vector<16xf32>,
      %get3A_337 = arith.constant 256 : index
      %get3A_338 = tpu.vector_load %arg10[%get3A_337] {strides = array<i32>} : memref<1024xf32, #tpu.memory_space<vmem>>, vector<16xf32>,
      %eq3A_339 = arith.constant 9.99999993E+36 : f32
      %eq3A_340 = vector.broadcast %eq3A_339 : f32 to vector<16xf32>
      %eq3A_341 = arith.cmpf oeq, %get3A_338, %eq3A_340 : vector<16xf32>
      %jit3A_342 = arith.constant 1.000000e+00 : f32
      %jit3A_343 = arith.constant 0.000000e+00 : f32
      %broadcast_in_dim3A_344 = vector.broadcast %jit3A_342 : f32 to vector<16xf32>
      %broadcast_in_dim3A_345 = vector.broadcast %jit3A_343 : f32 to vector<16xf32>
      %select_n3A_346 = arith.select %eq3A_341, %broadcast_in_dim3A_344, %broadcast_in_dim3A_345 : vector<16xi1>, vector<16xf32>
      %swap3A_347 = arith.constant 256 : index
      %swap3A_348 = tpu.vector_load %arg13[%swap3A_347] {strides = array<i32>} : memref<1024xf32, #tpu.memory_space<vmem>>, vector<16xf32>,
      tpu.vector_store %arg13[%swap3A_347], %select_n3A_346 {strides = array<i32>} : memref<1024xf32, #tpu.memory_space<vmem>>, vector<16xf32>,
      %get3A_349 = arith.constant 272 : index
      %get3A_350 = tpu.vector_load %arg10[%get3A_349] {strides = array<i32>} : memref<1024xf32, #tpu.memory_space<vmem>>, vector<16xf32>,
      %eq3A_351 = arith.constant 9.99999993E+36 : f32
      %eq3A_352 = vector.broadcast %eq3A_351 : f32 to vector<16xf32>
      %eq3A_353 = arith.cmpf oeq, %get3A_350, %eq3A_352 : vector<16xf32>
      %jit3A_354 = arith.constant 1.000000e+00 : f32
      %jit3A_355 = arith.constant 0.000000e+00 : f32
      %broadcast_in_dim3A_356 = vector.broadcast %jit3A_354 : f32 to vector<16xf32>
      %broadcast_in_dim3A_357 = vector.broadcast %jit3A_355 : f32 to vector<16xf32>
      %select_n3A_358 = arith.select %eq3A_353, %broadcast_in_dim3A_356, %broadcast_in_dim3A_357 : vector<16xi1>, vector<16xf32>
      %swap3A_359 = arith.constant 272 : index
      %swap3A_360 = tpu.vector_load %arg13[%swap3A_359] {strides = array<i32>} : memref<1024xf32, #tpu.memory_space<vmem>>, vector<16xf32>,
      tpu.vector_store %arg13[%swap3A_359], %select_n3A_358 {strides = array<i32>} : memref<1024xf32, #tpu.memory_space<vmem>>, vector<16xf32>,
      %get3A_361 = arith.constant 288 : index
      %get3A_362 = tpu.vector_load %arg10[%get3A_361] {strides = array<i32>} : memref<1024xf32, #tpu.memory_space<vmem>>, vector<16xf32>,
      %eq3A_363 = arith.constant 9.99999993E+36 : f32
      %eq3A_364 = vector.broadcast %eq3A_363 : f32 to vector<16xf32>
      %eq3A_365 = arith.cmpf oeq, %get3A_362, %eq3A_364 : vector<16xf32>
      %jit3A_366 = arith.constant 1.000000e+00 : f32
      %jit3A_367 = arith.constant 0.000000e+00 : f32
      %broadcast_in_dim3A_368 = vector.broadcast %jit3A_366 : f32 to vector<16xf32>
      %broadcast_in_dim3A_369 = vector.broadcast %jit3A_367 : f32 to vector<16xf32>
      %select_n3A_370 = arith.select %eq3A_365, %broadcast_in_dim3A_368, %broadcast_in_dim3A_369 : vector<16xi1>, vector<16xf32>
      %swap3A_371 = arith.constant 288 : index
      %swap3A_372 = tpu.vector_load %arg13[%swap3A_371] {strides = array<i32>} : memref<1024xf32, #tpu.memory_space<vmem>>, vector<16xf32>,
      tpu.vector_store %arg13[%swap3A_371], %select_n3A_370 {strides = array<i32>} : memref<1024xf32, #tpu.memory_space<vmem>>, vector<16xf32>,
      %get3A_373 = arith.constant 304 : index
      %get3A_374 = tpu.vector_load %arg10[%get3A_373] {strides = array<i32>} : memref<1024xf32, #tpu.memory_space<vmem>>, vector<16xf32>,
      %eq3A_375 = arith.constant 9.99999993E+36 : f32
      %eq3A_376 = vector.broadcast %eq3A_375 : f32 to vector<16xf32>
      %eq3A_377 = arith.cmpf oeq, %get3A_374, %eq3A_376 : vector<16xf32>
      %jit3A_378 = arith.constant 1.000000e+00 : f32
      %jit3A_379 = arith.constant 0.000000e+00 : f32
      %broadcast_in_dim3A_380 = vector.broadcast %jit3A_378 : f32 to vector<16xf32>
      %broadcast_in_dim3A_381 = vector.broadcast %jit3A_379 : f32 to vector<16xf32>
      %select_n3A_382 = arith.select %eq3A_377, %broadcast_in_dim3A_380, %broadcast_in_dim3A_381 : vector<16xi1>, vector<16xf32>
      %swap3A_383 = arith.constant 304 : index
      %swap3A_384 = tpu.vector_load %arg13[%swap3A_383] {strides = array<i32>} : memref<1024xf32, #tpu.memory_space<vmem>>, vector<16xf32>,
      tpu.vector_store %arg13[%swap3A_383], %select_n3A_382 {strides = array<i32>} : memref<1024xf32, #tpu.memory_space<vmem>>, vector<16xf32>,
      %get3A_385 = arith.constant 320 : index
      %get3A_386 = tpu.vector_load %arg10[%get3A_385] {strides = array<i32>} : memref<1024xf32, #tpu.memory_space<vmem>>, vector<16xf32>,
      %eq3A_387 = arith.constant 9.99999993E+36 : f32
      %eq3A_388 = vector.broadcast %eq3A_387 : f32 to vector<16xf32>
      %eq3A_389 = arith.cmpf oeq, %get3A_386, %eq3A_388 : vector<16xf32>
      %jit3A_390 = arith.constant 1.000000e+00 : f32
      %jit3A_391 = arith.constant 0.000000e+00 : f32
      %broadcast_in_dim3A_392 = vector.broadcast %jit3A_390 : f32 to vector<16xf32>
      %broadcast_in_dim3A_393 = vector.broadcast %jit3A_391 : f32 to vector<16xf32>
      %select_n3A_394 = arith.select %eq3A_389, %broadcast_in_dim3A_392, %broadcast_in_dim3A_393 : vector<16xi1>, vector<16xf32>
      %swap3A_395 = arith.constant 320 : index
      %swap3A_396 = tpu.vector_load %arg13[%swap3A_395] {strides = array<i32>} : memref<1024xf32, #tpu.memory_space<vmem>>, vector<16xf32>,
      tpu.vector_store %arg13[%swap3A_395], %select_n3A_394 {strides = array<i32>} : memref<1024xf32, #tpu.memory_space<vmem>>, vector<16xf32>,
      %get3A_397 = arith.constant 336 : index
      %get3A_398 = tpu.vector_load %arg10[%get3A_397] {strides = array<i32>} : memref<1024xf32, #tpu.memory_space<vmem>>, vector<16xf32>,
      %eq3A_399 = arith.constant 9.99999993E+36 : f32
      %eq3A_400 = vector.broadcast %eq3A_399 : f32 to vector<16xf32>
      %eq3A_401 = arith.cmpf oeq, %get3A_398, %eq3A_400 : vector<16xf32>
      %jit3A_402 = arith.constant 1.000000e+00 : f32
      %jit3A_403 = arith.constant 0.000000e+00 : f32
      %broadcast_in_dim3A_404 = vector.broadcast %jit3A_402 : f32 to vector<16xf32>
      %broadcast_in_dim3A_405 = vector.broadcast %jit3A_403 : f32 to vector<16xf32>
      %select_n3A_406 = arith.select %eq3A_401, %broadcast_in_dim3A_404, %broadcast_in_dim3A_405 : vector<16xi1>, vector<16xf32>
      %swap3A_407 = arith.constant 336 : index
      %swap3A_408 = tpu.vector_load %arg13[%swap3A_407] {strides = array<i32>} : memref<1024xf32, #tpu.memory_space<vmem>>, vector<16xf32>,
      tpu.vector_store %arg13[%swap3A_407], %select_n3A_406 {strides = array<i32>} : memref<1024xf32, #tpu.memory_space<vmem>>, vector<16xf32>,
      %get3A_409 = arith.constant 352 : index
      %get3A_410 = tpu.vector_load %arg10[%get3A_409] {strides = array<i32>} : memref<1024xf32, #tpu.memory_space<vmem>>, vector<16xf32>,
      %eq3A_411 = arith.constant 9.99999993E+36 : f32
      %eq3A_412 = vector.broadcast %eq3A_411 : f32 to vector<16xf32>
      %eq3A_413 = arith.cmpf oeq, %get3A_410, %eq3A_412 : vector<16xf32>
      %jit3A_414 = arith.constant 1.000000e+00 : f32
      %jit3A_415 = arith.constant 0.000000e+00 : f32
      %broadcast_in_dim3A_416 = vector.broadcast %jit3A_414 : f32 to vector<16xf32>
      %broadcast_in_dim3A_417 = vector.broadcast %jit3A_415 : f32 to vector<16xf32>
      %select_n3A_418 = arith.select %eq3A_413, %broadcast_in_dim3A_416, %broadcast_in_dim3A_417 : vector<16xi1>, vector<16xf32>
      %swap3A_419 = arith.constant 352 : index
      %swap3A_420 = tpu.vector_load %arg13[%swap3A_419] {strides = array<i32>} : memref<1024xf32, #tpu.memory_space<vmem>>, vector<16xf32>,
      tpu.vector_store %arg13[%swap3A_419], %select_n3A_418 {strides = array<i32>} : memref<1024xf32, #tpu.memory_space<vmem>>, vector<16xf32>,
      %get3A_421 = arith.constant 368 : index
      %get3A_422 = tpu.vector_load %arg10[%get3A_421] {strides = array<i32>} : memref<1024xf32, #tpu.memory_space<vmem>>, vector<16xf32>,
      %eq3A_423 = arith.constant 9.99999993E+36 : f32
      %eq3A_424 = vector.broadcast %eq3A_423 : f32 to vector<16xf32>
      %eq3A_425 = arith.cmpf oeq, %get3A_422, %eq3A_424 : vector<16xf32>
      %jit3A_426 = arith.constant 1.000000e+00 : f32
      %jit3A_427 = arith.constant 0.000000e+00 : f32
      %broadcast_in_dim3A_428 = vector.broadcast %jit3A_426 : f32 to vector<16xf32>
      %broadcast_in_dim3A_429 = vector.broadcast %jit3A_427 : f32 to vector<16xf32>
      %select_n3A_430 = arith.select %eq3A_425, %broadcast_in_dim3A_428, %broadcast_in_dim3A_429 : vector<16xi1>, vector<16xf32>
      %swap3A_431 = arith.constant 368 : index
      %swap3A_432 = tpu.vector_load %arg13[%swap3A_431] {strides = array<i32>} : memref<1024xf32, #tpu.memory_space<vmem>>, vector<16xf32>,
      tpu.vector_store %arg13[%swap3A_431], %select_n3A_430 {strides = array<i32>} : memref<1024xf32, #tpu.memory_space<vmem>>, vector<16xf32>,
      %get3A_433 = arith.constant 384 : index
      %get3A_434 = tpu.vector_load %arg10[%get3A_433] {strides = array<i32>} : memref<1024xf32, #tpu.memory_space<vmem>>, vector<16xf32>,
      %eq3A_435 = arith.constant 9.99999993E+36 : f32
      %eq3A_436 = vector.broadcast %eq3A_435 : f32 to vector<16xf32>
      %eq3A_437 = arith.cmpf oeq, %get3A_434, %eq3A_436 : vector<16xf32>
      %jit3A_438 = arith.constant 1.000000e+00 : f32
      %jit3A_439 = arith.constant 0.000000e+00 : f32
      %broadcast_in_dim3A_440 = vector.broadcast %jit3A_438 : f32 to vector<16xf32>
      %broadcast_in_dim3A_441 = vector.broadcast %jit3A_439 : f32 to vector<16xf32>
      %select_n3A_442 = arith.select %eq3A_437, %broadcast_in_dim3A_440, %broadcast_in_dim3A_441 : vector<16xi1>, vector<16xf32>
      %swap3A_443 = arith.constant 384 : index
      %swap3A_444 = tpu.vector_load %arg13[%swap3A_443] {strides = array<i32>} : memref<1024xf32, #tpu.memory_space<vmem>>, vector<16xf32>,
      tpu.vector_store %arg13[%swap3A_443], %select_n3A_442 {strides = array<i32>} : memref<1024xf32, #tpu.memory_space<vmem>>, vector<16xf32>,
      %get3A_445 = arith.constant 400 : index
      %get3A_446 = tpu.vector_load %arg10[%get3A_445] {strides = array<i32>} : memref<1024xf32, #tpu.memory_space<vmem>>, vector<16xf32>,
      %eq3A_447 = arith.constant 9.99999993E+36 : f32
      %eq3A_448 = vector.broadcast %eq3A_447 : f32 to vector<16xf32>
      %eq3A_449 = arith.cmpf oeq, %get3A_446, %eq3A_448 : vector<16xf32>
      %jit3A_450 = arith.constant 1.000000e+00 : f32
      %jit3A_451 = arith.constant 0.000000e+00 : f32
      %broadcast_in_dim3A_452 = vector.broadcast %jit3A_450 : f32 to vector<16xf32>
      %broadcast_in_dim3A_453 = vector.broadcast %jit3A_451 : f32 to vector<16xf32>
      %select_n3A_454 = arith.select %eq3A_449, %broadcast_in_dim3A_452, %broadcast_in_dim3A_453 : vector<16xi1>, vector<16xf32>
      %swap3A_455 = arith.constant 400 : index
      %swap3A_456 = tpu.vector_load %arg13[%swap3A_455] {strides = array<i32>} : memref<1024xf32, #tpu.memory_space<vmem>>, vector<16xf32>,
      tpu.vector_store %arg13[%swap3A_455], %select_n3A_454 {strides = array<i32>} : memref<1024xf32, #tpu.memory_space<vmem>>, vector<16xf32>,
      %get3A_457 = arith.constant 416 : index
      %get3A_458 = tpu.vector_load %arg10[%get3A_457] {strides = array<i32>} : memref<1024xf32, #tpu.memory_space<vmem>>, vector<16xf32>,
      %eq3A_459 = arith.constant 9.99999993E+36 : f32
      %eq3A_460 = vector.broadcast %eq3A_459 : f32 to vector<16xf32>
      %eq3A_461 = arith.cmpf oeq, %get3A_458, %eq3A_460 : vector<16xf32>
      %jit3A_462 = arith.constant 1.000000e+00 : f32
      %jit3A_463 = arith.constant 0.000000e+00 : f32
      %broadcast_in_dim3A_464 = vector.broadcast %jit3A_462 : f32 to vector<16xf32>
      %broadcast_in_dim3A_465 = vector.broadcast %jit3A_463 : f32 to vector<16xf32>
      %select_n3A_466 = arith.select %eq3A_461, %broadcast_in_dim3A_464, %broadcast_in_dim3A_465 : vector<16xi1>, vector<16xf32>
      %swap3A_467 = arith.constant 416 : index
      %swap3A_468 = tpu.vector_load %arg13[%swap3A_467] {strides = array<i32>} : memref<1024xf32, #tpu.memory_space<vmem>>, vector<16xf32>,
      tpu.vector_store %arg13[%swap3A_467], %select_n3A_466 {strides = array<i32>} : memref<1024xf32, #tpu.memory_space<vmem>>, vector<16xf32>,
      %get3A_469 = arith.constant 432 : index
      %get3A_470 = tpu.vector_load %arg10[%get3A_469] {strides = array<i32>} : memref<1024xf32, #tpu.memory_space<vmem>>, vector<16xf32>,
      %eq3A_471 = arith.constant 9.99999993E+36 : f32
      %eq3A_472 = vector.broadcast %eq3A_471 : f32 to vector<16xf32>
      %eq3A_473 = arith.cmpf oeq, %get3A_470, %eq3A_472 : vector<16xf32>
      %jit3A_474 = arith.constant 1.000000e+00 : f32
      %jit3A_475 = arith.constant 0.000000e+00 : f32
      %broadcast_in_dim3A_476 = vector.broadcast %jit3A_474 : f32 to vector<16xf32>
      %broadcast_in_dim3A_477 = vector.broadcast %jit3A_475 : f32 to vector<16xf32>
      %select_n3A_478 = arith.select %eq3A_473, %broadcast_in_dim3A_476, %broadcast_in_dim3A_477 : vector<16xi1>, vector<16xf32>
      %swap3A_479 = arith.constant 432 : index
      %swap3A_480 = tpu.vector_load %arg13[%swap3A_479] {strides = array<i32>} : memref<1024xf32, #tpu.memory_space<vmem>>, vector<16xf32>,
      tpu.vector_store %arg13[%swap3A_479], %select_n3A_478 {strides = array<i32>} : memref<1024xf32, #tpu.memory_space<vmem>>, vector<16xf32>,
      %get3A_481 = arith.constant 448 : index
      %get3A_482 = tpu.vector_load %arg10[%get3A_481] {strides = array<i32>} : memref<1024xf32, #tpu.memory_space<vmem>>, vector<16xf32>,
      %eq3A_483 = arith.constant 9.99999993E+36 : f32
      %eq3A_484 = vector.broadcast %eq3A_483 : f32 to vector<16xf32>
      %eq3A_485 = arith.cmpf oeq, %get3A_482, %eq3A_484 : vector<16xf32>
      %jit3A_486 = arith.constant 1.000000e+00 : f32
      %jit3A_487 = arith.constant 0.000000e+00 : f32
      %broadcast_in_dim3A_488 = vector.broadcast %jit3A_486 : f32 to vector<16xf32>
      %broadcast_in_dim3A_489 = vector.broadcast %jit3A_487 : f32 to vector<16xf32>
      %select_n3A_490 = arith.select %eq3A_485, %broadcast_in_dim3A_488, %broadcast_in_dim3A_489 : vector<16xi1>, vector<16xf32>
      %swap3A_491 = arith.constant 448 : index
      %swap3A_492 = tpu.vector_load %arg13[%swap3A_491] {strides = array<i32>} : memref<1024xf32, #tpu.memory_space<vmem>>, vector<16xf32>,
      tpu.vector_store %arg13[%swap3A_491], %select_n3A_490 {strides = array<i32>} : memref<1024xf32, #tpu.memory_space<vmem>>, vector<16xf32>,
      %get3A_493 = arith.constant 464 : index
      %get3A_494 = tpu.vector_load %arg10[%get3A_493] {strides = array<i32>} : memref<1024xf32, #tpu.memory_space<vmem>>, vector<16xf32>,
      %eq3A_495 = arith.constant 9.99999993E+36 : f32
      %eq3A_496 = vector.broadcast %eq3A_495 : f32 to vector<16xf32>
      %eq3A_497 = arith.cmpf oeq, %get3A_494, %eq3A_496 : vector<16xf32>
      %jit3A_498 = arith.constant 1.000000e+00 : f32
      %jit3A_499 = arith.constant 0.000000e+00 : f32
      %broadcast_in_dim3A_500 = vector.broadcast %jit3A_498 : f32 to vector<16xf32>
      %broadcast_in_dim3A_501 = vector.broadcast %jit3A_499 : f32 to vector<16xf32>
      %select_n3A_502 = arith.select %eq3A_497, %broadcast_in_dim3A_500, %broadcast_in_dim3A_501 : vector<16xi1>, vector<16xf32>
      %swap3A_503 = arith.constant 464 : index
      %swap3A_504 = tpu.vector_load %arg13[%swap3A_503] {strides = array<i32>} : memref<1024xf32, #tpu.memory_space<vmem>>, vector<16xf32>,
      tpu.vector_store %arg13[%swap3A_503], %select_n3A_502 {strides = array<i32>} : memref<1024xf32, #tpu.memory_space<vmem>>, vector<16xf32>,
      %get3A_505 = arith.constant 480 : index
      %get3A_506 = tpu.vector_load %arg10[%get3A_505] {strides = array<i32>} : memref<1024xf32, #tpu.memory_space<vmem>>, vector<16xf32>,
      %eq3A_507 = arith.constant 9.99999993E+36 : f32
      %eq3A_508 = vector.broadcast %eq3A_507 : f32 to vector<16xf32>
      %eq3A_509 = arith.cmpf oeq, %get3A_506, %eq3A_508 : vector<16xf32>
      %jit3A_510 = arith.constant 1.000000e+00 : f32
      %jit3A_511 = arith.constant 0.000000e+00 : f32
      %broadcast_in_dim3A_512 = vector.broadcast %jit3A_510 : f32 to vector<16xf32>
      %broadcast_in_dim3A_513 = vector.broadcast %jit3A_511 : f32 to vector<16xf32>
      %select_n3A_514 = arith.select %eq3A_509, %broadcast_in_dim3A_512, %broadcast_in_dim3A_513 : vector<16xi1>, vector<16xf32>
      %swap3A_515 = arith.constant 480 : index
      %swap3A_516 = tpu.vector_load %arg13[%swap3A_515] {strides = array<i32>} : memref<1024xf32, #tpu.memory_space<vmem>>, vector<16xf32>,
      tpu.vector_store %arg13[%swap3A_515], %select_n3A_514 {strides = array<i32>} : memref<1024xf32, #tpu.memory_space<vmem>>, vector<16xf32>,
      %get3A_517 = arith.constant 496 : index
      %get3A_518 = tpu.vector_load %arg10[%get3A_517] {strides = array<i32>} : memref<1024xf32, #tpu.memory_space<vmem>>, vector<16xf32>,
      %eq3A_519 = arith.constant 9.99999993E+36 : f32
      %eq3A_520 = vector.broadcast %eq3A_519 : f32 to vector<16xf32>
      %eq3A_521 = arith.cmpf oeq, %get3A_518, %eq3A_520 : vector<16xf32>
      %jit3A_522 = arith.constant 1.000000e+00 : f32
      %jit3A_523 = arith.constant 0.000000e+00 : f32
      %broadcast_in_dim3A_524 = vector.broadcast %jit3A_522 : f32 to vector<16xf32>
      %broadcast_in_dim3A_525 = vector.broadcast %jit3A_523 : f32 to vector<16xf32>
      %select_n3A_526 = arith.select %eq3A_521, %broadcast_in_dim3A_524, %broadcast_in_dim3A_525 : vector<16xi1>, vector<16xf32>
      %swap3A_527 = arith.constant 496 : index
      %swap3A_528 = tpu.vector_load %arg13[%swap3A_527] {strides = array<i32>} : memref<1024xf32, #tpu.memory_space<vmem>>, vector<16xf32>,
      tpu.vector_store %arg13[%swap3A_527], %select_n3A_526 {strides = array<i32>} : memref<1024xf32, #tpu.memory_space<vmem>>, vector<16xf32>,
      %get3A_529 = arith.constant 512 : index
      %get3A_530 = tpu.vector_load %arg10[%get3A_529] {strides = array<i32>} : memref<1024xf32, #tpu.memory_space<vmem>>, vector<16xf32>,
      %eq3A_531 = arith.constant 9.99999993E+36 : f32
      %eq3A_532 = vector.broadcast %eq3A_531 : f32 to vector<16xf32>
      %eq3A_533 = arith.cmpf oeq, %get3A_530, %eq3A_532 : vector<16xf32>
      %jit3A_534 = arith.constant 1.000000e+00 : f32
      %jit3A_535 = arith.constant 0.000000e+00 : f32
      %broadcast_in_dim3A_536 = vector.broadcast %jit3A_534 : f32 to vector<16xf32>
      %broadcast_in_dim3A_537 = vector.broadcast %jit3A_535 : f32 to vector<16xf32>
      %select_n3A_538 = arith.select %eq3A_533, %broadcast_in_dim3A_536, %broadcast_in_dim3A_537 : vector<16xi1>, vector<16xf32>
      %swap3A_539 = arith.constant 512 : index
      %swap3A_540 = tpu.vector_load %arg13[%swap3A_539] {strides = array<i32>} : memref<1024xf32, #tpu.memory_space<vmem>>, vector<16xf32>,
      tpu.vector_store %arg13[%swap3A_539], %select_n3A_538 {strides = array<i32>} : memref<1024xf32, #tpu.memory_space<vmem>>, vector<16xf32>,
      %get3A_541 = arith.constant 528 : index
      %get3A_542 = tpu.vector_load %arg10[%get3A_541] {strides = array<i32>} : memref<1024xf32, #tpu.memory_space<vmem>>, vector<16xf32>,
      %eq3A_543 = arith.constant 9.99999993E+36 : f32
      %eq3A_544 = vector.broadcast %eq3A_543 : f32 to vector<16xf32>
      %eq3A_545 = arith.cmpf oeq, %get3A_542, %eq3A_544 : vector<16xf32>
      %jit3A_546 = arith.constant 1.000000e+00 : f32
      %jit3A_547 = arith.constant 0.000000e+00 : f32
      %broadcast_in_dim3A_548 = vector.broadcast %jit3A_546 : f32 to vector<16xf32>
      %broadcast_in_dim3A_549 = vector.broadcast %jit3A_547 : f32 to vector<16xf32>
      %select_n3A_550 = arith.select %eq3A_545, %broadcast_in_dim3A_548, %broadcast_in_dim3A_549 : vector<16xi1>, vector<16xf32>
      %swap3A_551 = arith.constant 528 : index
      %swap3A_552 = tpu.vector_load %arg13[%swap3A_551] {strides = array<i32>} : memref<1024xf32, #tpu.memory_space<vmem>>, vector<16xf32>,
      tpu.vector_store %arg13[%swap3A_551], %select_n3A_550 {strides = array<i32>} : memref<1024xf32, #tpu.memory_space<vmem>>, vector<16xf32>,
      %get3A_553 = arith.constant 544 : index
      %get3A_554 = tpu.vector_load %arg10[%get3A_553] {strides = array<i32>} : memref<1024xf32, #tpu.memory_space<vmem>>, vector<16xf32>,
      %eq3A_555 = arith.constant 9.99999993E+36 : f32
      %eq3A_556 = vector.broadcast %eq3A_555 : f32 to vector<16xf32>
      %eq3A_557 = arith.cmpf oeq, %get3A_554, %eq3A_556 : vector<16xf32>
      %jit3A_558 = arith.constant 1.000000e+00 : f32
      %jit3A_559 = arith.constant 0.000000e+00 : f32
      %broadcast_in_dim3A_560 = vector.broadcast %jit3A_558 : f32 to vector<16xf32>
      %broadcast_in_dim3A_561 = vector.broadcast %jit3A_559 : f32 to vector<16xf32>
      %select_n3A_562 = arith.select %eq3A_557, %broadcast_in_dim3A_560, %broadcast_in_dim3A_561 : vector<16xi1>, vector<16xf32>
      %swap3A_563 = arith.constant 544 : index
      %swap3A_564 = tpu.vector_load %arg13[%swap3A_563] {strides = array<i32>} : memref<1024xf32, #tpu.memory_space<vmem>>, vector<16xf32>,
      tpu.vector_store %arg13[%swap3A_563], %select_n3A_562 {strides = array<i32>} : memref<1024xf32, #tpu.memory_space<vmem>>, vector<16xf32>,
      %get3A_565 = arith.constant 560 : index
      %get3A_566 = tpu.vector_load %arg10[%get3A_565] {strides = array<i32>} : memref<1024xf32, #tpu.memory_space<vmem>>, vector<16xf32>,
      %eq3A_567 = arith.constant 9.99999993E+36 : f32
      %eq3A_568 = vector.broadcast %eq3A_567 : f32 to vector<16xf32>
      %eq3A_569 = arith.cmpf oeq, %get3A_566, %eq3A_568 : vector<16xf32>
      %jit3A_570 = arith.constant 1.000000e+00 : f32
      %jit3A_571 = arith.constant 0.000000e+00 : f32
      %broadcast_in_dim3A_572 = vector.broadcast %jit3A_570 : f32 to vector<16xf32>
      %broadcast_in_dim3A_573 = vector.broadcast %jit3A_571 : f32 to vector<16xf32>
      %select_n3A_574 = arith.select %eq3A_569, %broadcast_in_dim3A_572, %broadcast_in_dim3A_573 : vector<16xi1>, vector<16xf32>
      %swap3A_575 = arith.constant 560 : index
      %swap3A_576 = tpu.vector_load %arg13[%swap3A_575] {strides = array<i32>} : memref<1024xf32, #tpu.memory_space<vmem>>, vector<16xf32>,
      tpu.vector_store %arg13[%swap3A_575], %select_n3A_574 {strides = array<i32>} : memref<1024xf32, #tpu.memory_space<vmem>>, vector<16xf32>,
      %get3A_577 = arith.constant 576 : index
      %get3A_578 = tpu.vector_load %arg10[%get3A_577] {strides = array<i32>} : memref<1024xf32, #tpu.memory_space<vmem>>, vector<16xf32>,
      %eq3A_579 = arith.constant 9.99999993E+36 : f32
      %eq3A_580 = vector.broadcast %eq3A_579 : f32 to vector<16xf32>
      %eq3A_581 = arith.cmpf oeq, %get3A_578, %eq3A_580 : vector<16xf32>
      %jit3A_582 = arith.constant 1.000000e+00 : f32
      %jit3A_583 = arith.constant 0.000000e+00 : f32
      %broadcast_in_dim3A_584 = vector.broadcast %jit3A_582 : f32 to vector<16xf32>
      %broadcast_in_dim3A_585 = vector.broadcast %jit3A_583 : f32 to vector<16xf32>
      %select_n3A_586 = arith.select %eq3A_581, %broadcast_in_dim3A_584, %broadcast_in_dim3A_585 : vector<16xi1>, vector<16xf32>
      %swap3A_587 = arith.constant 576 : index
      %swap3A_588 = tpu.vector_load %arg13[%swap3A_587] {strides = array<i32>} : memref<1024xf32, #tpu.memory_space<vmem>>, vector<16xf32>,
      tpu.vector_store %arg13[%swap3A_587], %select_n3A_586 {strides = array<i32>} : memref<1024xf32, #tpu.memory_space<vmem>>, vector<16xf32>,
      %get3A_589 = arith.constant 592 : index
      %get3A_590 = tpu.vector_load %arg10[%get3A_589] {strides = array<i32>} : memref<1024xf32, #tpu.memory_space<vmem>>, vector<16xf32>,
      %eq3A_591 = arith.constant 9.99999993E+36 : f32
      %eq3A_592 = vector.broadcast %eq3A_591 : f32 to vector<16xf32>
      %eq3A_593 = arith.cmpf oeq, %get3A_590, %eq3A_592 : vector<16xf32>
      %jit3A_594 = arith.constant 1.000000e+00 : f32
      %jit3A_595 = arith.constant 0.000000e+00 : f32
      %broadcast_in_dim3A_596 = vector.broadcast %jit3A_594 : f32 to vector<16xf32>
      %broadcast_in_dim3A_597 = vector.broadcast %jit3A_595 : f32 to vector<16xf32>
      %select_n3A_598 = arith.select %eq3A_593, %broadcast_in_dim3A_596, %broadcast_in_dim3A_597 : vector<16xi1>, vector<16xf32>
      %swap3A_599 = arith.constant 592 : index
      %swap3A_600 = tpu.vector_load %arg13[%swap3A_599] {strides = array<i32>} : memref<1024xf32, #tpu.memory_space<vmem>>, vector<16xf32>,
      tpu.vector_store %arg13[%swap3A_599], %select_n3A_598 {strides = array<i32>} : memref<1024xf32, #tpu.memory_space<vmem>>, vector<16xf32>,
      %get3A_601 = arith.constant 608 : index
      %get3A_602 = tpu.vector_load %arg10[%get3A_601] {strides = array<i32>} : memref<1024xf32, #tpu.memory_space<vmem>>, vector<16xf32>,
      %eq3A_603 = arith.constant 9.99999993E+36 : f32
      %eq3A_604 = vector.broadcast %eq3A_603 : f32 to vector<16xf32>
      %eq3A_605 = arith.cmpf oeq, %get3A_602, %eq3A_604 : vector<16xf32>
      %jit3A_606 = arith.constant 1.000000e+00 : f32
      %jit3A_607 = arith.constant 0.000000e+00 : f32
      %broadcast_in_dim3A_608 = vector.broadcast %jit3A_606 : f32 to vector<16xf32>
      %broadcast_in_dim3A_609 = vector.broadcast %jit3A_607 : f32 to vector<16xf32>
      %select_n3A_610 = arith.select %eq3A_605, %broadcast_in_dim3A_608, %broadcast_in_dim3A_609 : vector<16xi1>, vector<16xf32>
      %swap3A_611 = arith.constant 608 : index
      %swap3A_612 = tpu.vector_load %arg13[%swap3A_611] {strides = array<i32>} : memref<1024xf32, #tpu.memory_space<vmem>>, vector<16xf32>,
      tpu.vector_store %arg13[%swap3A_611], %select_n3A_610 {strides = array<i32>} : memref<1024xf32, #tpu.memory_space<vmem>>, vector<16xf32>,
      %get3A_613 = arith.constant 624 : index
      %get3A_614 = tpu.vector_load %arg10[%get3A_613] {strides = array<i32>} : memref<1024xf32, #tpu.memory_space<vmem>>, vector<16xf32>,
      %eq3A_615 = arith.constant 9.99999993E+36 : f32
      %eq3A_616 = vector.broadcast %eq3A_615 : f32 to vector<16xf32>
      %eq3A_617 = arith.cmpf oeq, %get3A_614, %eq3A_616 : vector<16xf32>
      %jit3A_618 = arith.constant 1.000000e+00 : f32
      %jit3A_619 = arith.constant 0.000000e+00 : f32
      %broadcast_in_dim3A_620 = vector.broadcast %jit3A_618 : f32 to vector<16xf32>
      %broadcast_in_dim3A_621 = vector.broadcast %jit3A_619 : f32 to vector<16xf32>
      %select_n3A_622 = arith.select %eq3A_617, %broadcast_in_dim3A_620, %broadcast_in_dim3A_621 : vector<16xi1>, vector<16xf32>
      %swap3A_623 = arith.constant 624 : index
      %swap3A_624 = tpu.vector_load %arg13[%swap3A_623] {strides = array<i32>} : memref<1024xf32, #tpu.memory_space<vmem>>, vector<16xf32>,
      tpu.vector_store %arg13[%swap3A_623], %select_n3A_622 {strides = array<i32>} : memref<1024xf32, #tpu.memory_space<vmem>>, vector<16xf32>,
      %get3A_625 = arith.constant 640 : index
      %get3A_626 = tpu.vector_load %arg10[%get3A_625] {strides = array<i32>} : memref<1024xf32, #tpu.memory_space<vmem>>, vector<16xf32>,
      %eq3A_627 = arith.constant 9.99999993E+36 : f32
      %eq3A_628 = vector.broadcast %eq3A_627 : f32 to vector<16xf32>
      %eq3A_629 = arith.cmpf oeq, %get3A_626, %eq3A_628 : vector<16xf32>
      %jit3A_630 = arith.constant 1.000000e+00 : f32
      %jit3A_631 = arith.constant 0.000000e+00 : f32
      %broadcast_in_dim3A_632 = vector.broadcast %jit3A_630 : f32 to vector<16xf32>
      %broadcast_in_dim3A_633 = vector.broadcast %jit3A_631 : f32 to vector<16xf32>
      %select_n3A_634 = arith.select %eq3A_629, %broadcast_in_dim3A_632, %broadcast_in_dim3A_633 : vector<16xi1>, vector<16xf32>
      %swap3A_635 = arith.constant 640 : index
      %swap3A_636 = tpu.vector_load %arg13[%swap3A_635] {strides = array<i32>} : memref<1024xf32, #tpu.memory_space<vmem>>, vector<16xf32>,
      tpu.vector_store %arg13[%swap3A_635], %select_n3A_634 {strides = array<i32>} : memref<1024xf32, #tpu.memory_space<vmem>>, vector<16xf32>,
      %get3A_637 = arith.constant 656 : index
      %get3A_638 = tpu.vector_load %arg10[%get3A_637] {strides = array<i32>} : memref<1024xf32, #tpu.memory_space<vmem>>, vector<16xf32>,
      %eq3A_639 = arith.constant 9.99999993E+36 : f32
      %eq3A_640 = vector.broadcast %eq3A_639 : f32 to vector<16xf32>
      %eq3A_641 = arith.cmpf oeq, %get3A_638, %eq3A_640 : vector<16xf32>
      %jit3A_642 = arith.constant 1.000000e+00 : f32
      %jit3A_643 = arith.constant 0.000000e+00 : f32
      %broadcast_in_dim3A_644 = vector.broadcast %jit3A_642 : f32 to vector<16xf32>
      %broadcast_in_dim3A_645 = vector.broadcast %jit3A_643 : f32 to vector<16xf32>
      %select_n3A_646 = arith.select %eq3A_641, %broadcast_in_dim3A_644, %broadcast_in_dim3A_645 : vector<16xi1>, vector<16xf32>
      %swap3A_647 = arith.constant 656 : index
      %swap3A_648 = tpu.vector_load %arg13[%swap3A_647] {strides = array<i32>} : memref<1024xf32, #tpu.memory_space<vmem>>, vector<16xf32>,
      tpu.vector_store %arg13[%swap3A_647], %select_n3A_646 {strides = array<i32>} : memref<1024xf32, #tpu.memory_space<vmem>>, vector<16xf32>,
      %get3A_649 = arith.constant 672 : index
      %get3A_650 = tpu.vector_load %arg10[%get3A_649] {strides = array<i32>} : memref<1024xf32, #tpu.memory_space<vmem>>, vector<16xf32>,
      %eq3A_651 = arith.constant 9.99999993E+36 : f32
      %eq3A_652 = vector.broadcast %eq3A_651 : f32 to vector<16xf32>
      %eq3A_653 = arith.cmpf oeq, %get3A_650, %eq3A_652 : vector<16xf32>
      %jit3A_654 = arith.constant 1.000000e+00 : f32
      %jit3A_655 = arith.constant 0.000000e+00 : f32
      %broadcast_in_dim3A_656 = vector.broadcast %jit3A_654 : f32 to vector<16xf32>
      %broadcast_in_dim3A_657 = vector.broadcast %jit3A_655 : f32 to vector<16xf32>
      %select_n3A_658 = arith.select %eq3A_653, %broadcast_in_dim3A_656, %broadcast_in_dim3A_657 : vector<16xi1>, vector<16xf32>
      %swap3A_659 = arith.constant 672 : index
      %swap3A_660 = tpu.vector_load %arg13[%swap3A_659] {strides = array<i32>} : memref<1024xf32, #tpu.memory_space<vmem>>, vector<16xf32>,
      tpu.vector_store %arg13[%swap3A_659], %select_n3A_658 {strides = array<i32>} : memref<1024xf32, #tpu.memory_space<vmem>>, vector<16xf32>,
      %get3A_661 = arith.constant 688 : index
      %get3A_662 = tpu.vector_load %arg10[%get3A_661] {strides = array<i32>} : memref<1024xf32, #tpu.memory_space<vmem>>, vector<16xf32>,
      %eq3A_663 = arith.constant 9.99999993E+36 : f32
      %eq3A_664 = vector.broadcast %eq3A_663 : f32 to vector<16xf32>
      %eq3A_665 = arith.cmpf oeq, %get3A_662, %eq3A_664 : vector<16xf32>
      %jit3A_666 = arith.constant 1.000000e+00 : f32
      %jit3A_667 = arith.constant 0.000000e+00 : f32
      %broadcast_in_dim3A_668 = vector.broadcast %jit3A_666 : f32 to vector<16xf32>
      %broadcast_in_dim3A_669 = vector.broadcast %jit3A_667 : f32 to vector<16xf32>
      %select_n3A_670 = arith.select %eq3A_665, %broadcast_in_dim3A_668, %broadcast_in_dim3A_669 : vector<16xi1>, vector<16xf32>
      %swap3A_671 = arith.constant 688 : index
      %swap3A_672 = tpu.vector_load %arg13[%swap3A_671] {strides = array<i32>} : memref<1024xf32, #tpu.memory_space<vmem>>, vector<16xf32>,
      tpu.vector_store %arg13[%swap3A_671], %select_n3A_670 {strides = array<i32>} : memref<1024xf32, #tpu.memory_space<vmem>>, vector<16xf32>,
      %get3A_673 = arith.constant 704 : index
      %get3A_674 = tpu.vector_load %arg10[%get3A_673] {strides = array<i32>} : memref<1024xf32, #tpu.memory_space<vmem>>, vector<16xf32>,
      %eq3A_675 = arith.constant 9.99999993E+36 : f32
      %eq3A_676 = vector.broadcast %eq3A_675 : f32 to vector<16xf32>
      %eq3A_677 = arith.cmpf oeq, %get3A_674, %eq3A_676 : vector<16xf32>
      %jit3A_678 = arith.constant 1.000000e+00 : f32
      %jit3A_679 = arith.constant 0.000000e+00 : f32
      %broadcast_in_dim3A_680 = vector.broadcast %jit3A_678 : f32 to vector<16xf32>
      %broadcast_in_dim3A_681 = vector.broadcast %jit3A_679 : f32 to vector<16xf32>
      %select_n3A_682 = arith.select %eq3A_677, %broadcast_in_dim3A_680, %broadcast_in_dim3A_681 : vector<16xi1>, vector<16xf32>
      %swap3A_683 = arith.constant 704 : index
      %swap3A_684 = tpu.vector_load %arg13[%swap3A_683] {strides = array<i32>} : memref<1024xf32, #tpu.memory_space<vmem>>, vector<16xf32>,
      tpu.vector_store %arg13[%swap3A_683], %select_n3A_682 {strides = array<i32>} : memref<1024xf32, #tpu.memory_space<vmem>>, vector<16xf32>,
      %get3A_685 = arith.constant 720 : index
      %get3A_686 = tpu.vector_load %arg10[%get3A_685] {strides = array<i32>} : memref<1024xf32, #tpu.memory_space<vmem>>, vector<16xf32>,
      %eq3A_687 = arith.constant 9.99999993E+36 : f32
      %eq3A_688 = vector.broadcast %eq3A_687 : f32 to vector<16xf32>
      %eq3A_689 = arith.cmpf oeq, %get3A_686, %eq3A_688 : vector<16xf32>
      %jit3A_690 = arith.constant 1.000000e+00 : f32
      %jit3A_691 = arith.constant 0.000000e+00 : f32
      %broadcast_in_dim3A_692 = vector.broadcast %jit3A_690 : f32 to vector<16xf32>
      %broadcast_in_dim3A_693 = vector.broadcast %jit3A_691 : f32 to vector<16xf32>
      %select_n3A_694 = arith.select %eq3A_689, %broadcast_in_dim3A_692, %broadcast_in_dim3A_693 : vector<16xi1>, vector<16xf32>
      %swap3A_695 = arith.constant 720 : index
      %swap3A_696 = tpu.vector_load %arg13[%swap3A_695] {strides = array<i32>} : memref<1024xf32, #tpu.memory_space<vmem>>, vector<16xf32>,
      tpu.vector_store %arg13[%swap3A_695], %select_n3A_694 {strides = array<i32>} : memref<1024xf32, #tpu.memory_space<vmem>>, vector<16xf32>,
      %get3A_697 = arith.constant 736 : index
      %get3A_698 = tpu.vector_load %arg10[%get3A_697] {strides = array<i32>} : memref<1024xf32, #tpu.memory_space<vmem>>, vector<16xf32>,
      %eq3A_699 = arith.constant 9.99999993E+36 : f32
      %eq3A_700 = vector.broadcast %eq3A_699 : f32 to vector<16xf32>
      %eq3A_701 = arith.cmpf oeq, %get3A_698, %eq3A_700 : vector<16xf32>
      %jit3A_702 = arith.constant 1.000000e+00 : f32
      %jit3A_703 = arith.constant 0.000000e+00 : f32
      %broadcast_in_dim3A_704 = vector.broadcast %jit3A_702 : f32 to vector<16xf32>
      %broadcast_in_dim3A_705 = vector.broadcast %jit3A_703 : f32 to vector<16xf32>
      %select_n3A_706 = arith.select %eq3A_701, %broadcast_in_dim3A_704, %broadcast_in_dim3A_705 : vector<16xi1>, vector<16xf32>
      %swap3A_707 = arith.constant 736 : index
      %swap3A_708 = tpu.vector_load %arg13[%swap3A_707] {strides = array<i32>} : memref<1024xf32, #tpu.memory_space<vmem>>, vector<16xf32>,
      tpu.vector_store %arg13[%swap3A_707], %select_n3A_706 {strides = array<i32>} : memref<1024xf32, #tpu.memory_space<vmem>>, vector<16xf32>,
      %get3A_709 = arith.constant 752 : index
      %get3A_710 = tpu.vector_load %arg10[%get3A_709] {strides = array<i32>} : memref<1024xf32, #tpu.memory_space<vmem>>, vector<16xf32>,
      %eq3A_711 = arith.constant 9.99999993E+36 : f32
      %eq3A_712 = vector.broadcast %eq3A_711 : f32 to vector<16xf32>
      %eq3A_713 = arith.cmpf oeq, %get3A_710, %eq3A_712 : vector<16xf32>
      %jit3A_714 = arith.constant 1.000000e+00 : f32
      %jit3A_715 = arith.constant 0.000000e+00 : f32
      %broadcast_in_dim3A_716 = vector.broadcast %jit3A_714 : f32 to vector<16xf32>
      %broadcast_in_dim3A_717 = vector.broadcast %jit3A_715 : f32 to vector<16xf32>
      %select_n3A_718 = arith.select %eq3A_713, %broadcast_in_dim3A_716, %broadcast_in_dim3A_717 : vector<16xi1>, vector<16xf32>
      %swap3A_719 = arith.constant 752 : index
      %swap3A_720 = tpu.vector_load %arg13[%swap3A_719] {strides = array<i32>} : memref<1024xf32, #tpu.memory_space<vmem>>, vector<16xf32>,
      tpu.vector_store %arg13[%swap3A_719], %select_n3A_718 {strides = array<i32>} : memref<1024xf32, #tpu.memory_space<vmem>>, vector<16xf32>,
      %get3A_721 = arith.constant 768 : index
      %get3A_722 = tpu.vector_load %arg10[%get3A_721] {strides = array<i32>} : memref<1024xf32, #tpu.memory_space<vmem>>, vector<16xf32>,
      %eq3A_723 = arith.constant 9.99999993E+36 : f32
      %eq3A_724 = vector.broadcast %eq3A_723 : f32 to vector<16xf32>
      %eq3A_725 = arith.cmpf oeq, %get3A_722, %eq3A_724 : vector<16xf32>
      %jit3A_726 = arith.constant 1.000000e+00 : f32
      %jit3A_727 = arith.constant 0.000000e+00 : f32
      %broadcast_in_dim3A_728 = vector.broadcast %jit3A_726 : f32 to vector<16xf32>
      %broadcast_in_dim3A_729 = vector.broadcast %jit3A_727 : f32 to vector<16xf32>
      %select_n3A_730 = arith.select %eq3A_725, %broadcast_in_dim3A_728, %broadcast_in_dim3A_729 : vector<16xi1>, vector<16xf32>
      %swap3A_731 = arith.constant 768 : index
      %swap3A_732 = tpu.vector_load %arg13[%swap3A_731] {strides = array<i32>} : memref<1024xf32, #tpu.memory_space<vmem>>, vector<16xf32>,
      tpu.vector_store %arg13[%swap3A_731], %select_n3A_730 {strides = array<i32>} : memref<1024xf32, #tpu.memory_space<vmem>>, vector<16xf32>,
      %get3A_733 = arith.constant 784 : index
      %get3A_734 = tpu.vector_load %arg10[%get3A_733] {strides = array<i32>} : memref<1024xf32, #tpu.memory_space<vmem>>, vector<16xf32>,
      %eq3A_735 = arith.constant 9.99999993E+36 : f32
      %eq3A_736 = vector.broadcast %eq3A_735 : f32 to vector<16xf32>
      %eq3A_737 = arith.cmpf oeq, %get3A_734, %eq3A_736 : vector<16xf32>
      %jit3A_738 = arith.constant 1.000000e+00 : f32
      %jit3A_739 = arith.constant 0.000000e+00 : f32
      %broadcast_in_dim3A_740 = vector.broadcast %jit3A_738 : f32 to vector<16xf32>
      %broadcast_in_dim3A_741 = vector.broadcast %jit3A_739 : f32 to vector<16xf32>
      %select_n3A_742 = arith.select %eq3A_737, %broadcast_in_dim3A_740, %broadcast_in_dim3A_741 : vector<16xi1>, vector<16xf32>
      %swap3A_743 = arith.constant 784 : index
      %swap3A_744 = tpu.vector_load %arg13[%swap3A_743] {strides = array<i32>} : memref<1024xf32, #tpu.memory_space<vmem>>, vector<16xf32>,
      tpu.vector_store %arg13[%swap3A_743], %select_n3A_742 {strides = array<i32>} : memref<1024xf32, #tpu.memory_space<vmem>>, vector<16xf32>,
      %get3A_745 = arith.constant 800 : index
      %get3A_746 = tpu.vector_load %arg10[%get3A_745] {strides = array<i32>} : memref<1024xf32, #tpu.memory_space<vmem>>, vector<16xf32>,
      %eq3A_747 = arith.constant 9.99999993E+36 : f32
      %eq3A_748 = vector.broadcast %eq3A_747 : f32 to vector<16xf32>
      %eq3A_749 = arith.cmpf oeq, %get3A_746, %eq3A_748 : vector<16xf32>
      %jit3A_750 = arith.constant 1.000000e+00 : f32
      %jit3A_751 = arith.constant 0.000000e+00 : f32
      %broadcast_in_dim3A_752 = vector.broadcast %jit3A_750 : f32 to vector<16xf32>
      %broadcast_in_dim3A_753 = vector.broadcast %jit3A_751 : f32 to vector<16xf32>
      %select_n3A_754 = arith.select %eq3A_749, %broadcast_in_dim3A_752, %broadcast_in_dim3A_753 : vector<16xi1>, vector<16xf32>
      %swap3A_755 = arith.constant 800 : index
      %swap3A_756 = tpu.vector_load %arg13[%swap3A_755] {strides = array<i32>} : memref<1024xf32, #tpu.memory_space<vmem>>, vector<16xf32>,
      tpu.vector_store %arg13[%swap3A_755], %select_n3A_754 {strides = array<i32>} : memref<1024xf32, #tpu.memory_space<vmem>>, vector<16xf32>,
      %get3A_757 = arith.constant 816 : index
      %get3A_758 = tpu.vector_load %arg10[%get3A_757] {strides = array<i32>} : memref<1024xf32, #tpu.memory_space<vmem>>, vector<16xf32>,
      %eq3A_759 = arith.constant 9.99999993E+36 : f32
      %eq3A_760 = vector.broadcast %eq3A_759 : f32 to vector<16xf32>
      %eq3A_761 = arith.cmpf oeq, %get3A_758, %eq3A_760 : vector<16xf32>
      %jit3A_762 = arith.constant 1.000000e+00 : f32
      %jit3A_763 = arith.constant 0.000000e+00 : f32
      %broadcast_in_dim3A_764 = vector.broadcast %jit3A_762 : f32 to vector<16xf32>
      %broadcast_in_dim3A_765 = vector.broadcast %jit3A_763 : f32 to vector<16xf32>
      %select_n3A_766 = arith.select %eq3A_761, %broadcast_in_dim3A_764, %broadcast_in_dim3A_765 : vector<16xi1>, vector<16xf32>
      %swap3A_767 = arith.constant 816 : index
      %swap3A_768 = tpu.vector_load %arg13[%swap3A_767] {strides = array<i32>} : memref<1024xf32, #tpu.memory_space<vmem>>, vector<16xf32>,
      tpu.vector_store %arg13[%swap3A_767], %select_n3A_766 {strides = array<i32>} : memref<1024xf32, #tpu.memory_space<vmem>>, vector<16xf32>,
      %get3A_769 = arith.constant 832 : index
      %get3A_770 = tpu.vector_load %arg10[%get3A_769] {strides = array<i32>} : memref<1024xf32, #tpu.memory_space<vmem>>, vector<16xf32>,
      %eq3A_771 = arith.constant 9.99999993E+36 : f32
      %eq3A_772 = vector.broadcast %eq3A_771 : f32 to vector<16xf32>
      %eq3A_773 = arith.cmpf oeq, %get3A_770, %eq3A_772 : vector<16xf32>
      %jit3A_774 = arith.constant 1.000000e+00 : f32
      %jit3A_775 = arith.constant 0.000000e+00 : f32
      %broadcast_in_dim3A_776 = vector.broadcast %jit3A_774 : f32 to vector<16xf32>
      %broadcast_in_dim3A_777 = vector.broadcast %jit3A_775 : f32 to vector<16xf32>
      %select_n3A_778 = arith.select %eq3A_773, %broadcast_in_dim3A_776, %broadcast_in_dim3A_777 : vector<16xi1>, vector<16xf32>
      %swap3A_779 = arith.constant 832 : index
      %swap3A_780 = tpu.vector_load %arg13[%swap3A_779] {strides = array<i32>} : memref<1024xf32, #tpu.memory_space<vmem>>, vector<16xf32>,
      tpu.vector_store %arg13[%swap3A_779], %select_n3A_778 {strides = array<i32>} : memref<1024xf32, #tpu.memory_space<vmem>>, vector<16xf32>,
      %get3A_781 = arith.constant 848 : index
      %get3A_782 = tpu.vector_load %arg10[%get3A_781] {strides = array<i32>} : memref<1024xf32, #tpu.memory_space<vmem>>, vector<16xf32>,
      %eq3A_783 = arith.constant 9.99999993E+36 : f32
      %eq3A_784 = vector.broadcast %eq3A_783 : f32 to vector<16xf32>
      %eq3A_785 = arith.cmpf oeq, %get3A_782, %eq3A_784 : vector<16xf32>
      %jit3A_786 = arith.constant 1.000000e+00 : f32
      %jit3A_787 = arith.constant 0.000000e+00 : f32
      %broadcast_in_dim3A_788 = vector.broadcast %jit3A_786 : f32 to vector<16xf32>
      %broadcast_in_dim3A_789 = vector.broadcast %jit3A_787 : f32 to vector<16xf32>
      %select_n3A_790 = arith.select %eq3A_785, %broadcast_in_dim3A_788, %broadcast_in_dim3A_789 : vector<16xi1>, vector<16xf32>
      %swap3A_791 = arith.constant 848 : index
      %swap3A_792 = tpu.vector_load %arg13[%swap3A_791] {strides = array<i32>} : memref<1024xf32, #tpu.memory_space<vmem>>, vector<16xf32>,
      tpu.vector_store %arg13[%swap3A_791], %select_n3A_790 {strides = array<i32>} : memref<1024xf32, #tpu.memory_space<vmem>>, vector<16xf32>,
      %get3A_793 = arith.constant 864 : index
      %get3A_794 = tpu.vector_load %arg10[%get3A_793] {strides = array<i32>} : memref<1024xf32, #tpu.memory_space<vmem>>, vector<16xf32>,
      %eq3A_795 = arith.constant 9.99999993E+36 : f32
      %eq3A_796 = vector.broadcast %eq3A_795 : f32 to vector<16xf32>
      %eq3A_797 = arith.cmpf oeq, %get3A_794, %eq3A_796 : vector<16xf32>
      %jit3A_798 = arith.constant 1.000000e+00 : f32
      %jit3A_799 = arith.constant 0.000000e+00 : f32
      %broadcast_in_dim3A_800 = vector.broadcast %jit3A_798 : f32 to vector<16xf32>
      %broadcast_in_dim3A_801 = vector.broadcast %jit3A_799 : f32 to vector<16xf32>
      %select_n3A_802 = arith.select %eq3A_797, %broadcast_in_dim3A_800, %broadcast_in_dim3A_801 : vector<16xi1>, vector<16xf32>
      %swap3A_803 = arith.constant 864 : index
      %swap3A_804 = tpu.vector_load %arg13[%swap3A_803] {strides = array<i32>} : memref<1024xf32, #tpu.memory_space<vmem>>, vector<16xf32>,
      tpu.vector_store %arg13[%swap3A_803], %select_n3A_802 {strides = array<i32>} : memref<1024xf32, #tpu.memory_space<vmem>>, vector<16xf32>,
      %get3A_805 = arith.constant 880 : index
      %get3A_806 = tpu.vector_load %arg10[%get3A_805] {strides = array<i32>} : memref<1024xf32, #tpu.memory_space<vmem>>, vector<16xf32>,
      %eq3A_807 = arith.constant 9.99999993E+36 : f32
      %eq3A_808 = vector.broadcast %eq3A_807 : f32 to vector<16xf32>
      %eq3A_809 = arith.cmpf oeq, %get3A_806, %eq3A_808 : vector<16xf32>
      %jit3A_810 = arith.constant 1.000000e+00 : f32
      %jit3A_811 = arith.constant 0.000000e+00 : f32
      %broadcast_in_dim3A_812 = vector.broadcast %jit3A_810 : f32 to vector<16xf32>
      %broadcast_in_dim3A_813 = vector.broadcast %jit3A_811 : f32 to vector<16xf32>
      %select_n3A_814 = arith.select %eq3A_809, %broadcast_in_dim3A_812, %broadcast_in_dim3A_813 : vector<16xi1>, vector<16xf32>
      %swap3A_815 = arith.constant 880 : index
      %swap3A_816 = tpu.vector_load %arg13[%swap3A_815] {strides = array<i32>} : memref<1024xf32, #tpu.memory_space<vmem>>, vector<16xf32>,
      tpu.vector_store %arg13[%swap3A_815], %select_n3A_814 {strides = array<i32>} : memref<1024xf32, #tpu.memory_space<vmem>>, vector<16xf32>,
      %get3A_817 = arith.constant 896 : index
      %get3A_818 = tpu.vector_load %arg10[%get3A_817] {strides = array<i32>} : memref<1024xf32, #tpu.memory_space<vmem>>, vector<16xf32>,
      %eq3A_819 = arith.constant 9.99999993E+36 : f32
      %eq3A_820 = vector.broadcast %eq3A_819 : f32 to vector<16xf32>
      %eq3A_821 = arith.cmpf oeq, %get3A_818, %eq3A_820 : vector<16xf32>
      %jit3A_822 = arith.constant 1.000000e+00 : f32
      %jit3A_823 = arith.constant 0.000000e+00 : f32
      %broadcast_in_dim3A_824 = vector.broadcast %jit3A_822 : f32 to vector<16xf32>
      %broadcast_in_dim3A_825 = vector.broadcast %jit3A_823 : f32 to vector<16xf32>
      %select_n3A_826 = arith.select %eq3A_821, %broadcast_in_dim3A_824, %broadcast_in_dim3A_825 : vector<16xi1>, vector<16xf32>
      %swap3A_827 = arith.constant 896 : index
      %swap3A_828 = tpu.vector_load %arg13[%swap3A_827] {strides = array<i32>} : memref<1024xf32, #tpu.memory_space<vmem>>, vector<16xf32>,
      tpu.vector_store %arg13[%swap3A_827], %select_n3A_826 {strides = array<i32>} : memref<1024xf32, #tpu.memory_space<vmem>>, vector<16xf32>,
      %get3A_829 = arith.constant 912 : index
      %get3A_830 = tpu.vector_load %arg10[%get3A_829] {strides = array<i32>} : memref<1024xf32, #tpu.memory_space<vmem>>, vector<16xf32>,
      %eq3A_831 = arith.constant 9.99999993E+36 : f32
      %eq3A_832 = vector.broadcast %eq3A_831 : f32 to vector<16xf32>
      %eq3A_833 = arith.cmpf oeq, %get3A_830, %eq3A_832 : vector<16xf32>
      %jit3A_834 = arith.constant 1.000000e+00 : f32
      %jit3A_835 = arith.constant 0.000000e+00 : f32
      %broadcast_in_dim3A_836 = vector.broadcast %jit3A_834 : f32 to vector<16xf32>
      %broadcast_in_dim3A_837 = vector.broadcast %jit3A_835 : f32 to vector<16xf32>
      %select_n3A_838 = arith.select %eq3A_833, %broadcast_in_dim3A_836, %broadcast_in_dim3A_837 : vector<16xi1>, vector<16xf32>
      %swap3A_839 = arith.constant 912 : index
      %swap3A_840 = tpu.vector_load %arg13[%swap3A_839] {strides = array<i32>} : memref<1024xf32, #tpu.memory_space<vmem>>, vector<16xf32>,
      tpu.vector_store %arg13[%swap3A_839], %select_n3A_838 {strides = array<i32>} : memref<1024xf32, #tpu.memory_space<vmem>>, vector<16xf32>,
      %get3A_841 = arith.constant 928 : index
      %get3A_842 = tpu.vector_load %arg10[%get3A_841] {strides = array<i32>} : memref<1024xf32, #tpu.memory_space<vmem>>, vector<16xf32>,
      %eq3A_843 = arith.constant 9.99999993E+36 : f32
      %eq3A_844 = vector.broadcast %eq3A_843 : f32 to vector<16xf32>
      %eq3A_845 = arith.cmpf oeq, %get3A_842, %eq3A_844 : vector<16xf32>
      %jit3A_846 = arith.constant 1.000000e+00 : f32
      %jit3A_847 = arith.constant 0.000000e+00 : f32
      %broadcast_in_dim3A_848 = vector.broadcast %jit3A_846 : f32 to vector<16xf32>
      %broadcast_in_dim3A_849 = vector.broadcast %jit3A_847 : f32 to vector<16xf32>
      %select_n3A_850 = arith.select %eq3A_845, %broadcast_in_dim3A_848, %broadcast_in_dim3A_849 : vector<16xi1>, vector<16xf32>
      %swap3A_851 = arith.constant 928 : index
      %swap3A_852 = tpu.vector_load %arg13[%swap3A_851] {strides = array<i32>} : memref<1024xf32, #tpu.memory_space<vmem>>, vector<16xf32>,
      tpu.vector_store %arg13[%swap3A_851], %select_n3A_850 {strides = array<i32>} : memref<1024xf32, #tpu.memory_space<vmem>>, vector<16xf32>,
      %get3A_853 = arith.constant 944 : index
      %get3A_854 = tpu.vector_load %arg10[%get3A_853] {strides = array<i32>} : memref<1024xf32, #tpu.memory_space<vmem>>, vector<16xf32>,
      %eq3A_855 = arith.constant 9.99999993E+36 : f32
      %eq3A_856 = vector.broadcast %eq3A_855 : f32 to vector<16xf32>
      %eq3A_857 = arith.cmpf oeq, %get3A_854, %eq3A_856 : vector<16xf32>
      %jit3A_858 = arith.constant 1.000000e+00 : f32
      %jit3A_859 = arith.constant 0.000000e+00 : f32
      %broadcast_in_dim3A_860 = vector.broadcast %jit3A_858 : f32 to vector<16xf32>
      %broadcast_in_dim3A_861 = vector.broadcast %jit3A_859 : f32 to vector<16xf32>
      %select_n3A_862 = arith.select %eq3A_857, %broadcast_in_dim3A_860, %broadcast_in_dim3A_861 : vector<16xi1>, vector<16xf32>
      %swap3A_863 = arith.constant 944 : index
      %swap3A_864 = tpu.vector_load %arg13[%swap3A_863] {strides = array<i32>} : memref<1024xf32, #tpu.memory_space<vmem>>, vector<16xf32>,
      tpu.vector_store %arg13[%swap3A_863], %select_n3A_862 {strides = array<i32>} : memref<1024xf32, #tpu.memory_space<vmem>>, vector<16xf32>,
      %get3A_865 = arith.constant 960 : index
      %get3A_866 = tpu.vector_load %arg10[%get3A_865] {strides = array<i32>} : memref<1024xf32, #tpu.memory_space<vmem>>, vector<16xf32>,
      %eq3A_867 = arith.constant 9.99999993E+36 : f32
      %eq3A_868 = vector.broadcast %eq3A_867 : f32 to vector<16xf32>
      %eq3A_869 = arith.cmpf oeq, %get3A_866, %eq3A_868 : vector<16xf32>
      %jit3A_870 = arith.constant 1.000000e+00 : f32
      %jit3A_871 = arith.constant 0.000000e+00 : f32
      %broadcast_in_dim3A_872 = vector.broadcast %jit3A_870 : f32 to vector<16xf32>
      %broadcast_in_dim3A_873 = vector.broadcast %jit3A_871 : f32 to vector<16xf32>
      %select_n3A_874 = arith.select %eq3A_869, %broadcast_in_dim3A_872, %broadcast_in_dim3A_873 : vector<16xi1>, vector<16xf32>
      %swap3A_875 = arith.constant 960 : index
      %swap3A_876 = tpu.vector_load %arg13[%swap3A_875] {strides = array<i32>} : memref<1024xf32, #tpu.memory_space<vmem>>, vector<16xf32>,
      tpu.vector_store %arg13[%swap3A_875], %select_n3A_874 {strides = array<i32>} : memref<1024xf32, #tpu.memory_space<vmem>>, vector<16xf32>,
      %get3A_877 = arith.constant 976 : index
      %get3A_878 = tpu.vector_load %arg10[%get3A_877] {strides = array<i32>} : memref<1024xf32, #tpu.memory_space<vmem>>, vector<16xf32>,
      %eq3A_879 = arith.constant 9.99999993E+36 : f32
      %eq3A_880 = vector.broadcast %eq3A_879 : f32 to vector<16xf32>
      %eq3A_881 = arith.cmpf oeq, %get3A_878, %eq3A_880 : vector<16xf32>
      %jit3A_882 = arith.constant 1.000000e+00 : f32
      %jit3A_883 = arith.constant 0.000000e+00 : f32
      %broadcast_in_dim3A_884 = vector.broadcast %jit3A_882 : f32 to vector<16xf32>
      %broadcast_in_dim3A_885 = vector.broadcast %jit3A_883 : f32 to vector<16xf32>
      %select_n3A_886 = arith.select %eq3A_881, %broadcast_in_dim3A_884, %broadcast_in_dim3A_885 : vector<16xi1>, vector<16xf32>
      %swap3A_887 = arith.constant 976 : index
      %swap3A_888 = tpu.vector_load %arg13[%swap3A_887] {strides = array<i32>} : memref<1024xf32, #tpu.memory_space<vmem>>, vector<16xf32>,
      tpu.vector_store %arg13[%swap3A_887], %select_n3A_886 {strides = array<i32>} : memref<1024xf32, #tpu.memory_space<vmem>>, vector<16xf32>,
      %get3A_889 = arith.constant 992 : index
      %get3A_890 = tpu.vector_load %arg10[%get3A_889] {strides = array<i32>} : memref<1024xf32, #tpu.memory_space<vmem>>, vector<16xf32>,
      %eq3A_891 = arith.constant 9.99999993E+36 : f32
      %eq3A_892 = vector.broadcast %eq3A_891 : f32 to vector<16xf32>
      %eq3A_893 = arith.cmpf oeq, %get3A_890, %eq3A_892 : vector<16xf32>
      %jit3A_894 = arith.constant 1.000000e+00 : f32
      %jit3A_895 = arith.constant 0.000000e+00 : f32
      %broadcast_in_dim3A_896 = vector.broadcast %jit3A_894 : f32 to vector<16xf32>
      %broadcast_in_dim3A_897 = vector.broadcast %jit3A_895 : f32 to vector<16xf32>
      %select_n3A_898 = arith.select %eq3A_893, %broadcast_in_dim3A_896, %broadcast_in_dim3A_897 : vector<16xi1>, vector<16xf32>
      %swap3A_899 = arith.constant 992 : index
      %swap3A_900 = tpu.vector_load %arg13[%swap3A_899] {strides = array<i32>} : memref<1024xf32, #tpu.memory_space<vmem>>, vector<16xf32>,
      tpu.vector_store %arg13[%swap3A_899], %select_n3A_898 {strides = array<i32>} : memref<1024xf32, #tpu.memory_space<vmem>>, vector<16xf32>,
      %get3A_901 = arith.constant 1008 : index
      %get3A_902 = tpu.vector_load %arg10[%get3A_901] {strides = array<i32>} : memref<1024xf32, #tpu.memory_space<vmem>>, vector<16xf32>,
      %eq3A_903 = arith.constant 9.99999993E+36 : f32
      %eq3A_904 = vector.broadcast %eq3A_903 : f32 to vector<16xf32>
      %eq3A_905 = arith.cmpf oeq, %get3A_902, %eq3A_904 : vector<16xf32>
      %jit3A_906 = arith.constant 1.000000e+00 : f32
      %jit3A_907 = arith.constant 0.000000e+00 : f32
      %broadcast_in_dim3A_908 = vector.broadcast %jit3A_906 : f32 to vector<16xf32>
      %broadcast_in_dim3A_909 = vector.broadcast %jit3A_907 : f32 to vector<16xf32>
      %select_n3A_910 = arith.select %eq3A_905, %broadcast_in_dim3A_908, %broadcast_in_dim3A_909 : vector<16xi1>, vector<16xf32>
      %swap3A_911 = arith.constant 1008 : index
      %swap3A_912 = tpu.vector_load %arg13[%swap3A_911] {strides = array<i32>} : memref<1024xf32, #tpu.memory_space<vmem>>, vector<16xf32>,
      tpu.vector_store %arg13[%swap3A_911], %select_n3A_910 {strides = array<i32>} : memref<1024xf32, #tpu.memory_space<vmem>>, vector<16xf32>,
      tpu.vector_store_idx %arg13[%convert_element_type3A_63], %select_n3A_145 masked %eq3A_135 : memref<1024xf32, #tpu.memory_space<vmem>>[vector<16xi32>], vector<16xf32>, vector<16xi1>
      %gather3A = tpu.vector_load_idx %arg14[%convert_element_type3A_63] : memref<1024xi32, #tpu.memory_space<vmem>>[vector<16xi32>], vector<16xi32>,
      %while3A_913 = arith.constant 0 : i32
      %while3A_914:2 = scf.while (%while3A_915 = %while3A_913, %while3A_916 = %gather3A) : (i32, vector<16xi32>) -> (i32, vector<16xi32>) {
        %lt3A_917 = arith.constant 512 : i32
        %lt3A_918 = arith.cmpi slt, %while3A_915, %lt3A_917 : i32
        %eq3A_919 = arith.cmpi eq, %while3A_916, %convert_element_type3A_63 : vector<16xi32>
        %reduce_or3A = arith.constant 1.000000e+00 : f32
        %reduce_or3A_920 = arith.constant 0.000000e+00 : f32
        %reduce_or3A_921 = vector.broadcast %reduce_or3A : f32 to vector<16xf32>
        %reduce_or3A_922 = vector.broadcast %reduce_or3A_920 : f32 to vector<16xf32>
        %reduce_or3A_923 = arith.select %eq3A_919, %reduce_or3A_921, %reduce_or3A_922 : vector<16xi1>, vector<16xf32>
        %reduce_or3A_924 = arith.constant true
        %reduce_or3A_925 = vector.broadcast %reduce_or3A_924 : i1 to vector<16xi1>
        %reduce_or3A_926 = tpu.scan <max>, %reduce_or3A_923 masked %reduce_or3A_925 : vector<16xf32>, vector<16xi1> -> vector<16xf32>
        %reduce_or3A_927 = vector.extract %reduce_or3A_926[15] : f32 from vector<16xf32>
        %reduce_or3A_928 = arith.constant 0.000000e+00 : f32
        %reduce_or3A_929 = arith.cmpf ogt, %reduce_or3A_927, %reduce_or3A_928 : f32
        %not3A = arith.constant true
        %not3A_930 = arith.xori %reduce_or3A_929, %not3A : i1
        %and3A_931 = arith.andi %lt3A_918, %not3A_930 : i1
        scf.condition(%and3A_931) %while3A_915, %while3A_916 : i32, vector<16xi32>
      } do {
      ^bb0(%while3A_915: i32, %while3A_916: vector<16xi32>):
        tpu.vector_store_idx %arg15[%while3A_916], %broadcast_in_dim3A_127 masked %eq3A_135 : memref<1024xf32, #tpu.memory_space<vmem>>[vector<16xi32>], vector<16xf32>, vector<16xi1>
        %add3A_917 = arith.constant 1 : i32
        %add3A_918 = arith.addi %while3A_915, %add3A_917 : i32
        %gather3A_919 = tpu.vector_load_idx %arg14[%while3A_916] : memref<1024xi32, #tpu.memory_space<vmem>>[vector<16xi32>], vector<16xi32>,
        scf.yield %add3A_918, %gather3A_919 : i32, vector<16xi32>
      }
      "tpu.region"() ({
        %run_scoped3A = tpu.sem_alloc : memref<!tpu.dma_semaphore, #tpu.memory_space<semaphore_mem>>
        %dma_start3A_915 = arith.constant 0 : i32
        %dma_start3A_916 = tpu.memref_slice %arg8[%add3A, %dma_start3A_915] : memref<16x1024xf32, #tpu.memory_space<hbm>> -> memref<1x1024xf32, #tpu.memory_space<hbm>>
        %dma_start3A_917 = tpu.memref_squeeze %dma_start3A_916 : memref<1x1024xf32, #tpu.memory_space<hbm>> -> memref<1024xf32, #tpu.memory_space<hbm>>
        %dma_start3A_918 = arith.constant 0 : i32
        %dma_start3A_919 = tpu.memref_slice %arg8[%add3A, %dma_start3A_918] : memref<16x1024xf32, #tpu.memory_space<hbm>> -> memref<1x1024xf32, #tpu.memory_space<hbm>>
        %dma_start3A_920 = tpu.memref_squeeze %dma_start3A_919 : memref<1x1024xf32, #tpu.memory_space<hbm>> -> memref<1024xf32, #tpu.memory_space<hbm>>
        tpu.enqueue_dma source(%arg13 : memref<1024xf32, #tpu.memory_space<vmem>>) target(%dma_start3A_920 : memref<1024xf32, #tpu.memory_space<hbm>>) target_semaphore(%run_scoped3A : memref<!tpu.dma_semaphore, #tpu.memory_space<semaphore_mem>>)
        %dma_wait3A_921 = arith.constant 0 : i32
        %dma_wait3A_922 = tpu.memref_slice %arg8[%add3A, %dma_wait3A_921] : memref<16x1024xf32, #tpu.memory_space<hbm>> -> memref<1x1024xf32, #tpu.memory_space<hbm>>
        %dma_wait3A_923 = tpu.memref_squeeze %dma_wait3A_922 : memref<1x1024xf32, #tpu.memory_space<hbm>> -> memref<1024xf32, #tpu.memory_space<hbm>>
        %dma_wait3A_924 = arith.constant 0 : i32
        %dma_wait3A_925 = tpu.memref_slice %arg8[%add3A, %dma_wait3A_924] : memref<16x1024xf32, #tpu.memory_space<hbm>> -> memref<1x1024xf32, #tpu.memory_space<hbm>>
        %dma_wait3A_926 = tpu.memref_squeeze %dma_wait3A_925 : memref<1x1024xf32, #tpu.memory_space<hbm>> -> memref<1024xf32, #tpu.memory_space<hbm>>
        tpu.wait_dma2 semaphore(%run_scoped3A : memref<!tpu.dma_semaphore, #tpu.memory_space<semaphore_mem>>) src(%arg13 : memref<1024xf32, #tpu.memory_space<vmem>>) dst(%dma_wait3A_926 : memref<1024xf32, #tpu.memory_space<hbm>>)
        tpu.yield
      }) : () -> ()
      "tpu.region"() ({
        %run_scoped3A = tpu.sem_alloc : memref<!tpu.dma_semaphore, #tpu.memory_space<semaphore_mem>>
        %dma_start3A_915 = arith.constant 0 : i32
        %dma_start3A_916 = tpu.memref_slice %arg9[%add3A, %dma_start3A_915] : memref<16x1024xf32, #tpu.memory_space<hbm>> -> memref<1x1024xf32, #tpu.memory_space<hbm>>
        %dma_start3A_917 = tpu.memref_squeeze %dma_start3A_916 : memref<1x1024xf32, #tpu.memory_space<hbm>> -> memref<1024xf32, #tpu.memory_space<hbm>>
        %dma_start3A_918 = arith.constant 0 : i32
        %dma_start3A_919 = tpu.memref_slice %arg9[%add3A, %dma_start3A_918] : memref<16x1024xf32, #tpu.memory_space<hbm>> -> memref<1x1024xf32, #tpu.memory_space<hbm>>
        %dma_start3A_920 = tpu.memref_squeeze %dma_start3A_919 : memref<1x1024xf32, #tpu.memory_space<hbm>> -> memref<1024xf32, #tpu.memory_space<hbm>>
        tpu.enqueue_dma source(%arg15 : memref<1024xf32, #tpu.memory_space<vmem>>) target(%dma_start3A_920 : memref<1024xf32, #tpu.memory_space<hbm>>) target_semaphore(%run_scoped3A : memref<!tpu.dma_semaphore, #tpu.memory_space<semaphore_mem>>)
        %dma_wait3A_921 = arith.constant 0 : i32
        %dma_wait3A_922 = tpu.memref_slice %arg9[%add3A, %dma_wait3A_921] : memref<16x1024xf32, #tpu.memory_space<hbm>> -> memref<1x1024xf32, #tpu.memory_space<hbm>>
        %dma_wait3A_923 = tpu.memref_squeeze %dma_wait3A_922 : memref<1x1024xf32, #tpu.memory_space<hbm>> -> memref<1024xf32, #tpu.memory_space<hbm>>
        %dma_wait3A_924 = arith.constant 0 : i32
        %dma_wait3A_925 = tpu.memref_slice %arg9[%add3A, %dma_wait3A_924] : memref<16x1024xf32, #tpu.memory_space<hbm>> -> memref<1x1024xf32, #tpu.memory_space<hbm>>
        %dma_wait3A_926 = tpu.memref_squeeze %dma_wait3A_925 : memref<1x1024xf32, #tpu.memory_space<hbm>> -> memref<1024xf32, #tpu.memory_space<hbm>>
        tpu.wait_dma2 semaphore(%run_scoped3A : memref<!tpu.dma_semaphore, #tpu.memory_space<semaphore_mem>>) src(%arg15 : memref<1024xf32, #tpu.memory_space<vmem>>) dst(%dma_wait3A_926 : memref<1024xf32, #tpu.memory_space<hbm>>)
        tpu.yield
      }) : () -> ()
    } else {
    }
    return
  }
}

</mosaic_0001>

<sc_bundles>
// kernel: kernel.3.cloned.1.call-start
scs
__scs_entry_jumppad:
0x0: {  	(pc) =	sbr.rel $0x88, $3  }
0x1: {  	(tag) =	ssettag $0x0;
	lr =	simm.s32 $0x1  }
0x2: {  	[smem:$0x3F9E] =	sst lr;
	_ =	strace $0xD0000000  }
0x3: {  	_ = 	snop  }
0x4: {  	_ = 	snop  }
0x5: {  	_ = 	snop  }
0x6: {  	_ = 	snop  }
0x7: {  	_ = 	snop  }
__scs_overlays_trampoline_lowered:
0x8: {  	[smem:$0x3FAD] =	sst s0  }
0x9: {  	[smem:$0x3FAE] =	sst s1  }
0xa: {  	[smem:$0x3FAF] =	sst s2  }
0xb: {  	[smem:$0x3FB0] =	sst s3  }
0xc: {  	[smem:$0x3FB1] =	sst s4  }
0xd: {  	[smem:$0x3FB2] =	sst s5  }
0xe: {  	[smem:$0x3FB3] =	sst s6  }
0xf: {  	[smem:$0x3FB4] =	sst s7  }
0x10: {  	[smem:$0x3FB5] =	sst s8  }
0x11: {  	[smem:$0x3FB6] =	sst s9;
	s0 =	simm.s32 @!p0 $0x0  }
0x12: {  	s1 =	sld [smem:$0x3F9C];
	s0 =	simm.s32 @p0 $0x1  }
0x13: {  	[smem:$0x3FB7] =	sst s0;
	s0 =	simm.s32 @!p1 $0x0  }
0x14: {  	s2 =	sld [smem:$0x3F9B];
	s0 =	simm.s32 @p1 $0x1  }
0x15: {  	[smem:$0x3FB8] =	sst s0;
	s0 =	simm.s32 @!p2 $0x0  }
0x16: {  	s3 =	sld [smem:$0x3FDB];
	s0 =	simm.s32 @p2 $0x1  }
0x17: {  	s4 =	simm.s32 $0x1BF5;
	[smem:$0x3FBA] =	sst s0  }
0x18: {  	s0 =	sld [smem:$0x3F9D];
	_ =	swait.ge [sflag:s4], $0x0  }
0x19: {  	s7 =	sld [smem:$0x3F9E]  }
0x1a: {  	s8 =	sadd.s32 $0xFFFFE003, lr  }
0x1b: {  	s9 =	sadd.s32 $0xFFFFFEF7, lr;
	s5 =	simm.s32 $0xFFFFFFFF;
	p2 =	slt.u32 s8, $0xFFFFF086  }
0x1c: {  	p1 =	slt.u32 s9, $0xF7A;
	s5 =	simm.s32 @!p2 $0x0  }
0x1d: {  	s5 =	simm.s32 @p1 $0x1;
	p0 =	seq.s32 s7, s2  }
0x1e: {  	s7 =	smul.u32 @!p0 $0xF7A, s2;
	p2 =	seq.s32 @!p0 s5, $0x0  }
0x1f: {  	s9 =	smul.u32 $0xF7A, s1;
	s8 =	simm.s32 @!p0 $0x1BF5;
	p2 =	por !p2, p0  }
0x20: {  	[sflag:s8] =	ssyncset.s32 @!p0 $0xFFFFF086;
	s6 =	sadd.s32 @!p0 s3, s7;
	s7 =	simm.s32 @!p0 $0x108  }
0x21: {  	s3 =	sadd.s32 s3, s9;
	s6 =	sadd.s32 @!p0 $0x88, s6;
	s7 =	simm.s32 @p2 $0x1082  }
0x22: {  	[simem:s7], [sflag:s8] =	dma.local @!p0 [hbm:s6], $0xF7A  }
0x23: {  	s9 =	sor.u32 $0xD0000000, s2;
	s6 =	simm.s32 $0x108;
	_ =	swait.ge @!p0 [sflag:s8], $0x0  }
0x24: {  	s3 =	sadd.s32 $0x88, s3;
	s6 =	simm.s32 @!p1 $0x1082;
	[sflag:s4] =	ssyncset.s32 $0xFFFFF086  }
0x25: {  	[simem:s6], [sflag:s4] =	dma.local [hbm:s3], $0xF7A  }
0x26: {  	[smem:$0x3F9E] =	sst s1;
	(tag) =	ssettag s2;
	_ =	strace s9  }
0x27: {  	s1 =	sld [smem:$0x3FAE]  }
0x28: {  	s2 =	sld [smem:$0x3FAF]  }
0x29: {  	s4 =	sld [smem:$0x3FB1]  }
0x2a: {  	p0 =	seq.s32 s5, $0x0;
	s5 =	sld [smem:$0x3FB2]  }
0x2b: {  	s6 =	sld [smem:$0x3FB3]  }
0x2c: {  	s7 =	sld [smem:$0x3FB4]  }
0x2d: {  	s3 =	simm.s32 $0x108;
	s8 =	sld [smem:$0x3FB5]  }
0x2e: {  	s3 =	simm.s32 @!p0 $0x1082;
	s9 =	sld [smem:$0x3FB6]  }
0x2f: {  	lr =	sadd.s32 s0, s3;
	s0 =	sld [smem:$0x3FAD]  }
0x30: {  	s3 =	sld [smem:$0x3FB0]  }
0x31: {  	[smem:$0x3FB9] =	sst s10  }
0x32: {  	s10 =	sld [smem:$0x3FB7];
	_ =	sdelay $0x3  }
0x33: {  	p0 =	seq.s32 s10, $0x1;
	s10 =	sld [smem:$0x3FB9];
	_ =	sdelay $0x3  }
0x34: {  	[smem:$0x3FB9] =	sst s10  }
0x35: {  	s10 =	sld [smem:$0x3FB8];
	_ =	sdelay $0x3  }
0x36: {  	p1 =	seq.s32 s10, $0x1;
	s10 =	sld [smem:$0x3FB9];
	_ =	sdelay $0x3  }
0x37: {  	[smem:$0x3FB9] =	sst s10  }
0x38: {  	s10 =	sld [smem:$0x3FBA]  }
0x39: {  	_ = 	snop;
	(pc) =	sbr.ind lr, $3  }
0x3a: {  	_ = 	snop  }
0x3b: {  	_ = 	snop  }
0x3c: {  	p2 =	seq.s32 s10, $0x1;
	s10 =	sld [smem:$0x3FB9]  }
0x3d: {  	_ =	shalt  }
0x3e: {  	_ =	shalt  }
0x3f: {  	_ =	shalt  }
0x40: {  	_ =	shalt  }
0x41: {  	_ =	shalt  }
0x42: {  	_ =	shalt  }
0x43: {  	_ =	shalt  }
0x44: {  	_ =	shalt  }
0x45: {  	_ =	shalt  }
0x46: {  	_ =	shalt  }
0x47: {  	_ =	shalt  }
0x48: {  	_ =	shalt  }
0x49: {  	_ =	shalt  }
0x4a: {  	_ =	shalt  }
0x4b: {  	_ =	shalt  }
0x4c: {  	_ =	shalt  }
0x4d: {  	_ =	shalt  }
0x4e: {  	_ =	shalt  }
0x4f: {  	_ =	shalt  }
0x50: {  	_ =	shalt  }
0x51: {  	_ =	shalt  }
0x52: {  	_ =	shalt  }
0x53: {  	_ =	shalt  }
0x54: {  	_ =	shalt  }
0x55: {  	_ =	shalt  }
0x56: {  	_ =	shalt  }
0x57: {  	_ =	shalt  }
0x58: {  	_ =	shalt  }
0x59: {  	_ =	shalt  }
0x5a: {  	_ =	shalt  }
0x5b: {  	_ =	shalt  }
0x5c: {  	_ =	shalt  }
0x5d: {  	_ =	shalt  }
0x5e: {  	_ =	shalt  }
0x5f: {  	_ =	shalt  }
0x60: {  	_ =	shalt  }
0x61: {  	_ =	shalt  }
0x62: {  	_ =	shalt  }
0x63: {  	_ =	shalt  }
0x64: {  	_ =	shalt  }
0x65: {  	_ =	shalt  }
0x66: {  	_ =	shalt  }
0x67: {  	_ =	shalt  }
0x68: {  	_ =	shalt  }
0x69: {  	_ =	shalt  }
0x6a: {  	_ =	shalt  }
0x6b: {  	_ =	shalt  }
0x6c: {  	_ =	shalt  }
0x6d: {  	_ =	shalt  }
0x6e: {  	_ =	shalt  }
0x6f: {  	_ =	shalt  }
0x70: {  	_ =	shalt  }
0x71: {  	_ =	shalt  }
0x72: {  	_ =	shalt  }
0x73: {  	_ =	shalt  }
0x74: {  	_ =	shalt  }
0x75: {  	_ =	shalt  }
0x76: {  	_ =	shalt  }
0x77: {  	_ =	shalt  }
0x78: {  	_ =	shalt  }
0x79: {  	_ =	shalt  }
0x7a: {  	_ =	shalt  }
0x7b: {  	_ =	shalt  }
0x7c: {  	_ =	shalt  }
0x7d: {  	_ =	shalt  }
0x7e: {  	_ =	shalt  }
0x7f: {  	_ =	shalt  }
0x80: {  	_ =	shalt  }
0x81: {  	_ =	shalt  }
0x82: {  	_ =	shalt  }
0x83: {  	_ =	shalt  }
0x84: {  	_ =	shalt  }
0x85: {  	_ =	shalt  }
0x86: {  	_ =	shalt  }
0x87: {  	_ =	shalt  }
.Lfunc_end0:
.L_simem_size_0:
called_computation_lowered:
.L_overlay_start_0:
0x88: {  	s0 =	sld [smem:$0x3FD9]  }
0x89: {  	s1 =	sld [smem:$0x3FFE];
	_ =	sdelay $0x3  }
0x8a: {  	s0 =	sadd.s32 s1, s0  }
0x8b: {  	[smem:$0x3FC5] =	sst s0  }
0x8c: {  	_ = 	snop  }
0x8d: {  	s0 =	sld [smem:$0x3FD0];
	_ =	sdelay $0x2  }
0x8e: {  	s13 =	simm.s32 $0xA;
	s2 =	simm.s32 $0x10  }
0x8f: {  	[smem:s2], [sflag:s13] =	dma.local [hbm:s0], $0x1  }
0x90: {  	_ =	swait.eq [sflag:s13], $0x1  }
0x91: {  	[sflag:s13] =	ssyncset.done $0x0  }
0x92: {  	s14 =	sld [smem:$0x10];
	[sflag:s13] =	ssyncadd.s32 $0xFFFFFFFF  }
0x93: {  	s15 =	sld [smem:$0x11];
	(tm) =	ssettm $0x1  }
0x94: {  	s16 =	sld [smem:$0x3FFB];
	_ =	sdelay $0x3  }
0x95: {  	_ =	strace s16  }
0x96: {  	s2 =	sld [smem:$0x3FFC];
	_ =	sdelay $0x3  }
0x97: {  	_ =	strace s2  }
0x98: {  	s2 =	sld [smem:$0x3FFD];
	_ =	sdelay $0x3  }
0x99: {  	_ =	strace s2  }
0x9a: {  	_ =	strace $0x8FFFFFFF  }
0x9b: {  	s17 =	sld [smem:$0x3FDB];
	_ =	sdelay $0x1  }
0x9c: {  	s3 =	simm.s32 $_scs_section_size  }
0x9d: {  	s4 =	simm.s32 $_size__tile_overlayer_lowered;
	s5 =	simm.s32 $_tile_overlayer_lowered  }
0x9e: {  	s20 =	simm.s32 $0x1BFF;
	s19 =	sshll.u32 s5, $0x1;
	s2 =	sadd.s32 s3, s17  }
0x9f: {  	s6 =	simm.s32 $0x0;
	s18 =	sshll.u32 s4, $0x1;
	s4 =	sadd.s32 s19, s2  }
0xa0: {  	[timem:s6], [sflag:s20] =	dma.local [hbm:s4], s18  }
0xa1: {  	_ =	swait.ge [sflag:s20], s18  }
0xa2: {  	s3 =	ssub.s32 $0x0, s18;
	[sflag:s20] =	ssyncset.done $0x0  }
0xa3: {  	[sflag:s20] =	ssyncadd.s32 s3;
	_ =	sdelay $0x1  }
0xa4: {  	s21 =	simm.s32 $0x1B8B  }
0xa5: {  	_ =	swait.ge [sflag:s21], $0x1  }
0xa6: {  	[sflag:s21] =	ssyncset.done $0x0  }
0xa7: {  	s23 =	simm.s32 $0x1B8E;
	s22 =	sld [smem:$0x3FFE];
	[sflag:s21] =	ssyncadd.s32 $0xFFFFFFFF  }
0xa8: {  	s24 =	simm.s32 $execute0_lowered;
	[smem:$0x3FD2] =	sst s23  }
0xa9: {  	s4 =	sshll.u32 s24, $0x1;
	_ =	strace $0x80000046;
	[dreg:$0x1] =	wrdreg $0xFFFFFFFF  }
0xaa: {  	s25 =	simm.s32 $_size_execute0_lowered;
	s2 =	sadd.s32 s2, s4;
	[dreg:$0x0] =	wrdreg $0x0  }
0xab: {  	s4 =	sshll.u32 s25, $0x1;
	[dreg:$0x2] =	wrdreg s2  }
0xac: {  	[dreg:$0x3] =	wrdreg s4  }
0xad: {  	[dreg:$0x4] =	wrdreg $0xC0  }
0xae: {  	_ =	task [dreg:s6], $0x5FFFF  }
0xaf: {  	[dreg:$0x1] =	wrdreg $0xFFFFFFFF  }
0xb0: {  	[dreg:$0x0] =	wrdreg $0x60  }
0xb1: {  	[dreg:$0x2] =	wrdreg s15  }
0xb2: {  	[dreg:$0x3] =	wrdreg s14  }
0xb3: {  	[dreg:$0x4] =	wrdreg s22  }
0xb4: {  	[dreg:$0x5] =	wrdreg $0x9  }
0xb5: {  	_ =	task.clear_ibuf [dreg:s6], $0x6FFFF;
	_ =	strace $0x90000046  }
0xb6: {  	s26 =	simm.s32 $0x9;
	_ =	strace $0x80000048  }
0xb7: {  	_ =	swait.ge [sflag:s26], $0x1  }
0xb8: {  	[sflag:s26] =	ssyncadd.s32 $0xFFFFFFFF  }
0xb9: {  	_ =	strace $0x90000048  }
0xba: {  	_ =	sfence  }
0xbb: {  	s28 =	sld [smem:$0x0];
	_ =	sdelay $0x1  }
0xbc: {  	s29 =	srdreg.scid  }
0xbd: {  	s30 =	sshll.u32 s29, $0xD;
	s31 =	sshrl.u32 s29, $0x2  }
0xbe: {  	s1 =	sand.u32 $0x1, s29;
	s2 =	sand.u32 $0x4000, s30;
	s0 =	sadd.s32 s31, s28  }
0xbf: {  	s1 =	sor.u32 s2, s1;
	s0 =	sshll.u32 s0, $0x11  }
0xc0: {  	s0 =	sor.u32 s0, s1  }
0xc1: {  	s0 =	sadd.s32 $0x8F2B, s0  }
0xc2: {  	[sflag:s0] =	ssyncadd.remote.s32 $0x1  }
0xc3: {  	_ =	sfence.sel $0xFFFF  }
0xc4: {  	[dreg:$0x0] =	wrdreg $0xFFFFFFFF;
	(pc) =	sbr.abs _section_cstart, $3  }
0xc5: {  	[dreg:$0x1] =	wrdreg $0xFFFFFFFF  }
0xc6: {  	_ =	task.clear_ibuf [dreg:s6], $0x2FFFF;
	_ =	strace $0x9FFFFFFF  }
0xc7: {  	(tm) =	ssettm $0x7FFFFFFF  }
tec
execute0_lowered:
.L_overlay_start_1:
0x0: {  	(tag) =	ssettag $0x1  }
0x1: {  	s2 =	rddreg [dreg:$0x0]  }
0x2: {  	s3 =	rddreg [dreg:$0x1]  }
0x3: {  	s7 =	rddreg [dreg:$0x2];
	s4 =	simm.s32 $0x0  }
0x4: {  	[smem:$0x7FF] =	sst s4  }
0x5: {  	s0 =	rddreg [dreg:$0x3];
	v0 =	vimm.f32 $0.0e+00;
	_ =	strace $0x80000047  }
0x6: {  	(xrf0) =	vmax.scan.msk.f32 $0xffff, v0;
	_ =	sdelay $0x4  }
0x7: {  	s1 =	stileid.u32  }
0x8: {  	s8 =	sshrl.u32 s1, $0x3;
	s5 =	sshll.u32 s1, $0x7;
	v1, _, _ =	vpop (xrf0)  }
0x9: {  	s9 =	sand.u32 $0x380, s5;
	s24 =	sshll.u32 s8, $0xD;
	(v2sf) =	vpush v1, $0xF  }
0xa: {  	s5 =	sor.u32 s9, s24  }
0xb: {  	s11 =	simm.s32 $0x80;
	s10 =	sshrl.u32 s5, $0x3  }
0xc: {  	s6 =	simm.s32 $0x800;
	s5 =	simm.s32 $0x400;
	s2 =	sadd.s32 s2, s10  }
0xd: {  	[tilespmem:s6], [sflag:$0x1] =	stream.strided.gather [hbm4b:s2+s11], $0x400, s5, s11, $0x38;
	[tilespmem:$0x1880] =	vst v63  }
0xe: {  	s8 =	sshll.u32 s8, $0xA;
	s3 =	sadd.s32 s3, s10;
	s2 =	sadd.s32 s7, s10  }
0xf: {  	[tilespmem:s4], [sflag:$0x1] =	stream.strided.gather [hbm4b:s3+s11], $0x400, s5, s11, $0x38;
	[tilespmem:$0x1880] =	vst v63  }
0x10: {  	s8 =	sor.u32 s9, s8;
	s25 =	sadd.s32 $0xA00, s2;
	s3 =	simm.s32 $0x1000  }
0x11: {  	[tilespmem:s3], [sflag:$0x1] =	stream.strided.gather [hbm4b:s25+s11], $0x400, s5, s11, $0x38;
	[tilespmem:$0x1880] =	vst v63  }
0x12: {  	s26 =	simm.s32 $0x1400;
	s8 =	sshrl.u32 s8, $0x3  }
0x13: {  	[tilespmem:s26], [sflag:$0x1] =	stream.strided.gather [hbm4b:s2+s11], $0x400, s5, s11, $0x38;
	[tilespmem:$0x1880] =	vst v63  }
0x14: {  	s28 =	sadd.s32 $0x1200, s7;
	s7 =	sadd.s32 s8, s7  }
0x15: {  	[tilespmem:s5], [sflag:$0x1] =	stream.linear.gather [hbm4b:s28+s4], $0x400, $0x38;
	[tilespmem:$0x1880] =	vst v63  }
0x16: {  	s29 =	simm.s32 $0x1800;
	s7 =	sadd.s32 $0x800, s7  }
0x17: {  	[tilespmem:s29], [sflag:$0x1] =	stream.linear.gather [hbm4b:s7+s4], $0x80, $0x38;
	[tilespmem:$0x1880] =	vst v63  }
0x18: {  	s31 =	simm.s32 $0x1;
	s30 =	spop (v2sf)  }
0x19: {  	_ =	swait.ge [sflag:s31], $0x400  }
0x1a: {  	[sflag:s31] =	ssyncset.done $0x0  }
0x1b: {  	[sflag:s31] =	ssyncadd.s32 $0xFFFFFC00  }
0x1c: {  	_ =	swait.ge [sflag:s31], $0x400  }
0x1d: {  	[sflag:s31] =	ssyncset.done $0x0  }
0x1e: {  	[sflag:s31] =	ssyncadd.s32 $0xFFFFFC00  }
0x1f: {  	_ =	swait.ge [sflag:s31], $0x400  }
0x20: {  	[sflag:s31] =	ssyncset.done $0x0  }
0x21: {  	[sflag:s31] =	ssyncadd.s32 $0xFFFFFC00  }
0x22: {  	_ =	swait.ge [sflag:s31], $0x400  }
0x23: {  	[sflag:s31] =	ssyncset.done $0x0  }
0x24: {  	[sflag:s31] =	ssyncadd.s32 $0xFFFFFC00  }
0x25: {  	_ =	swait.ge [sflag:s31], $0x400  }
0x26: {  	[sflag:s31] =	ssyncset.done $0x0  }
0x27: {  	[sflag:s31] =	ssyncadd.s32 $0xFFFFFC00  }
0x28: {  	_ =	swait.ge [sflag:s31], $0x80  }
0x29: {  	[sflag:s31] =	ssyncset.done $0x0  }
0x2a: {  	[sflag:s31] =	ssyncadd.s32 $0xFFFFFF80  }
0x2b: {  	v2 =	vld [tilespmem:$0x1800]  }
0x2c: {  	p0 =	sgt.f32 s30, $0.0e+00  }
.Ltmp0:
0x2d: {  	_ = 	snop;
	(pc) =	sbr.rel @p0 .LBB2_4-.Ltmp0, $3  }
0x2e: {  	_ =	sdelay $0x1  }
0x2f: {  	v1 =	vtrunc.f32 v2  }
0x30: {  	v3 =	vimm.f32 $0.0e+00;
	v1 =	vcvt.f32.s32 v1  }
0x31: {  	v3 =	vimm.s32 $0xEFCDAB89;
	v4 =	vimm.s32 $0x67452301  }
0x32: {  	v3 =	vunpack.c.l.s4.s8 v3;
	v4 =	vunpack.c.l.s4.s8 v4;
	_ =	sdelay $0x1  }
0x33: {  	v3 =	vunpack.c.0.s8.s32 v3;
	v4 =	vunpack.c.0.s8.s32 v4  }
0x34: {  	vm0 =	vmxor vm0, vm0;
	v6 =	vimm.s32 $0xBA98FEDC;
	v8 =	vimm.s32 $0x32107654  }
0x35: {  	v9 =	vimm.f32 $1.500000000e+01;
	v4 =	vcombine.low v4, v3;
	v3 =	vimm.s32 $0xDCFE98BA  }
0x36: {  	vm1 =	vcmask $0x300;
	v5 =	vunpack.c.l.s4.s8 v3;
	v3 =	vimm.s32 $0x54761032  }
0x37: {  	vm2 =	vcmask $0x2724;
	v10 =	vimm.s32 $0x543F;
	v7 =	vunpack.c.l.s4.s8 v3  }
0x38: {  	v11 =	vimm.s32 $0x4DD3;
	v6 =	vunpack.c.l.s4.s8 v6;
	v8 =	vunpack.c.l.s4.s8 v8  }
0x39: {  	v10 =	vunpack.c.l.s2.s4 v10;
	v5 =	vunpack.c.0.s8.s32 v5;
	v7 =	vunpack.c.0.s8.s32 v7  }
0x3a: {  	v11 =	vunpack.c.l.s2.s4 v11;
	v6 =	vunpack.c.0.s8.s32 v6;
	v8 =	vunpack.c.0.s8.s32 v8  }
0x3b: {  	v5 =	vcombine.low v7, v5;
	v7 =	vsel vm1, $0x0, v9;
	vm1 =	vcmask $0x704  }
0x3c: {  	v10 =	vunpack.c.l.s4.s8 v10;
	v7 =	vsel vm1, $0x3F800000, v7;
	vm1 =	vcmask $0xB08  }
0x3d: {  	v11 =	vunpack.c.l.s4.s8 v11;
	v7 =	vsel vm1, $0x40000000, v7;
	vm1 =	vcmask $0xF0C  }
0x3e: {  	v6 =	vcombine.low v8, v6;
	v7 =	vsel vm1, $0x40400000, v7;
	vm1 =	vcmask $0x1310  }
0x3f: {  	v8 =	vimm.s32 $0x76543210;
	v7 =	vsel vm1, $0x40800000, v7;
	vm1 =	vcmask $0x1714  }
0x40: {  	v8 =	vunpack.c.l.s4.s8 v8;
	v7 =	vsel vm1, $0x40A00000, v7;
	vm1 =	vcmask $0x1B18  }
0x41: {  	v3 =	vimm.f32 $0.0e+00;
	v7 =	vsel vm1, $0x40C00000, v7;
	vm1 =	vcmask $0x1F1C  }
0x42: {  	v4 =	vand.u32 $0xF, v4;
	v7 =	vsel vm1, $0x40E00000, v7;
	vm1 =	vcmask $0x2320  }
0x43: {  	v6 =	vand.u32 $0xF, v6;
	v9 =	vimm.s32 $0xFEDCBA98;
	v7 =	vsel vm1, $0x41000000, v7  }
0x44: {  	v9 =	vunpack.c.l.s4.s8 v9;
	v7 =	vsel vm2, $0x41100000, v7;
	vm2 =	vcmask $0x2B28  }
0x45: {  	v8 =	vunpack.c.0.s8.s32 v8;
	v7 =	vsel vm2, $0x41200000, v7;
	vm2 =	vcmask $0x2F2C  }
0x46: {  	v9 =	vunpack.c.0.s8.s32 v9;
	v7 =	vsel vm2, $0x41300000, v7;
	vm2 =	vcmask $0x3330  }
0x47: {  	v5 =	vand.u32 $0xF, v5;
	v7 =	vsel vm2, $0x41400000, v7;
	vm2 =	vcmask $0x3734  }
0x48: {  	v9 =	vand.u32 $0xF, v9;
	v12 =	vsel vm2, $0x41500000, v7;
	vm2 =	vcmask $0x3B38  }
0x49: {  	v7 =	vcombine.low v9, v8;
	v9 =	vunpack.c.0.s8.s32 v10;
	v10 =	vunpack.c.0.s8.s32 v11  }
0x4a: {  	s7 =	simm.s32 $0x0;
	v11 =	vimm.s32 $0x8;
	v8 =	vsel vm2, $0x41600000, v12;
	vm2 =	vmmov $0xff  }
.LBB2_2:
0x4b: {  	v12 =	vld [tilespmem:$0x0]  }
0x4c: {  	v13 =	vld [tilespmem:$0x10]  }
0x4d: {  	v14 =	vld [tilespmem:$0x20]  }
0x4e: {  	v15 =	vld [tilespmem:$0x30]  }
0x4f: {  	v16 =	vld [tilespmem:$0x40]  }
0x50: {  	v17 =	vld [tilespmem:$0x50]  }
0x51: {  	v18 =	vld [tilespmem:$0x60]  }
0x52: {  	v20 =	vld [tilespmem:$0x70];
	vm3 =	vlt.f32 v12, $+Inf;
	vm4 =	vlt.f32 v13, $+Inf  }
0x53: {  	vm5 =	vgt.f32 v13, $+Inf;
	vm12 =	vlt.f32 v14, $+Inf;
	vm13 =	vgt.f32 v14, $+Inf  }
0x54: {  	vm14 =	vlt.f32 v15, $+Inf;
	vm6 =	vgt.f32 v15, $+Inf;
	vm15 =	vlt.f32 v16, $+Inf  }
0x55: {  	vm9 =	vgt.f32 v16, $+Inf;
	vm10 =	vlt.f32 v17, $+Inf;
	vm7 =	vgt.f32 v17, $+Inf  }
0x56: {  	v12 =	vnsel vm3, $0x7F800000, v12;
	vm3 =	vmor vm5, vm4;
	vm4 =	vmor vm13, vm12  }
0x57: {  	v22 =	vld [tilespmem:$0x80];
	vm11 =	vmor vm7, vm10;
	vm12 =	vgt.f32 v18, $+Inf;
	vm13 =	vlt.f32 v20, $+Inf  }
0x58: {  	v23 =	vld [tilespmem:$0x90];
	v13 =	vnsel vm3, $0x7F800000, v13;
	v19 =	vsel vm3, $0x3F800000, v3;
	v14 =	vnsel vm4, $0x7F800000, v14  }
0x59: {  	v25 =	vld [tilespmem:$0xA0];
	vm3 =	vmor vm6, vm14;
	v21 =	vsel vm4, $0x40000000, v3;
	v17 =	vnsel vm11, $0x7F800000, v17  }
0x5a: {  	v27 =	vld [tilespmem:$0xB0];
	v15 =	vnsel vm3, $0x7F800000, v15;
	v24 =	vsel vm3, $0x40400000, v3;
	vm3 =	vmor vm9, vm15  }
0x5b: {  	v29 =	vld [tilespmem:$0xC0];
	v16 =	vnsel vm3, $0x7F800000, v16;
	v26 =	vsel vm3, $0x40800000, v3;
	vm3 =	vlt.f32 v18, $+Inf  }
0x5c: {  	v30 =	vld [tilespmem:$0xD0];
	v28 =	vsel vm11, $0x40A00000, v3;
	vm14 =	vgt.f32 v20, $+Inf;
	vm3 =	vmor vm12, vm3  }
0x5d: {  	v32 =	vld [tilespmem:$0xE0];
	v18 =	vnsel vm3, $0x7F800000, v18;
	v31 =	vsel vm3, $0x40C00000, v3;
	vm3 =	vmor vm14, vm13  }
0x5e: {  	v34 =	vld [tilespmem:$0xF0];
	v20 =	vnsel vm3, $0x7F800000, v20;
	v33 =	vsel vm3, $0x40E00000, v3;
	vm3 =	vlt.f32 v22, v12  }
0x5f: {  	v35 =	vld [tilespmem:$0x100];
	v12 =	vsel vm3, v22, v12;
	v57 =	vsel vm3, $0x41000000, v3;
	vm3 =	vlt.f32 v23, v13  }
0x60: {  	v58 =	vld [tilespmem:$0x110];
	v13 =	vsel vm3, v23, v13;
	v19 =	vsel vm3, $0x41100000, v19;
	vm3 =	vlt.f32 v25, v14  }
0x61: {  	v59 =	vld [tilespmem:$0x120];
	v14 =	vsel vm3, v25, v14;
	v21 =	vsel vm3, $0x41200000, v21;
	vm3 =	vlt.f32 v27, v15  }
0x62: {  	v60 =	vld [tilespmem:$0x130];
	v15 =	vsel vm3, v27, v15;
	v24 =	vsel vm3, $0x41300000, v24;
	vm3 =	vlt.f32 v29, v16  }
0x63: {  	v61 =	vld [tilespmem:$0x140];
	v16 =	vsel vm3, v29, v16;
	v26 =	vsel vm3, $0x41400000, v26;
	vm3 =	vlt.f32 v30, v17  }
0x64: {  	v62 =	vld [tilespmem:$0x150];
	v17 =	vsel vm3, v30, v17;
	v28 =	vsel vm3, $0x41500000, v28;
	vm3 =	vlt.f32 v32, v18  }
0x65: {  	v63 =	vld [tilespmem:$0x160];
	v18 =	vsel vm3, v32, v18;
	v31 =	vsel vm3, $0x41600000, v31;
	vm3 =	vlt.f32 v34, v20  }
0x66: {  	v36 =	vld [tilespmem:$0x170];
	v20 =	vsel vm3, v34, v20;
	v33 =	vsel vm3, $0x41700000, v33;
	vm3 =	vlt.f32 v35, v12  }
0x67: {  	v37 =	vld [tilespmem:$0x180];
	v12 =	vsel vm3, v35, v12;
	v22 =	vsel vm3, $0x41800000, v57;
	vm3 =	vlt.f32 v58, v13  }
0x68: {  	v38 =	vld [tilespmem:$0x190];
	v13 =	vsel vm3, v58, v13;
	v19 =	vsel vm3, $0x41880000, v19;
	vm3 =	vlt.f32 v59, v14  }
0x69: {  	v39 =	vld [tilespmem:$0x1A0];
	v14 =	vsel vm3, v59, v14;
	v21 =	vsel vm3, $0x41900000, v21;
	vm3 =	vlt.f32 v60, v15  }
0x6a: {  	v40 =	vld [tilespmem:$0x1B0];
	v15 =	vsel vm3, v60, v15;
	v24 =	vsel vm3, $0x41980000, v24;
	vm3 =	vlt.f32 v61, v16  }
0x6b: {  	v41 =	vld [tilespmem:$0x1C0];
	v16 =	vsel vm3, v61, v16;
	v26 =	vsel vm3, $0x41A00000, v26;
	vm3 =	vlt.f32 v62, v17  }
0x6c: {  	v42 =	vld [tilespmem:$0x1D0];
	v17 =	vsel vm3, v62, v17;
	v28 =	vsel vm3, $0x41A80000, v28;
	vm3 =	vlt.f32 v63, v18  }
0x6d: {  	v43 =	vld [tilespmem:$0x1E0];
	v18 =	vsel vm3, v63, v18;
	v31 =	vsel vm3, $0x41B00000, v31;
	vm3 =	vlt.f32 v36, v20  }
0x6e: {  	v44 =	vld [tilespmem:$0x1F0];
	v20 =	vsel vm3, v36, v20;
	v33 =	vsel vm3, $0x41B80000, v33;
	vm3 =	vlt.f32 v37, v12  }
0x6f: {  	v45 =	vld [tilespmem:$0x200];
	v12 =	vsel vm3, v37, v12;
	v22 =	vsel vm3, $0x41C00000, v22;
	vm3 =	vlt.f32 v38, v13  }
0x70: {  	v46 =	vld [tilespmem:$0x210];
	v13 =	vsel vm3, v38, v13;
	v19 =	vsel vm3, $0x41C80000, v19;
	vm3 =	vlt.f32 v39, v14  }
0x71: {  	v47 =	vld [tilespmem:$0x220];
	v14 =	vsel vm3, v39, v14;
	v21 =	vsel vm3, $0x41D00000, v21;
	vm3 =	vlt.f32 v40, v15  }
0x72: {  	v48 =	vld [tilespmem:$0x230];
	v15 =	vsel vm3, v40, v15;
	v24 =	vsel vm3, $0x41D80000, v24;
	vm3 =	vlt.f32 v41, v16  }
0x73: {  	v49 =	vld [tilespmem:$0x240];
	v16 =	vsel vm3, v41, v16;
	v26 =	vsel vm3, $0x41E00000, v26;
	vm3 =	vlt.f32 v42, v17  }
0x74: {  	v50 =	vld [tilespmem:$0x250];
	v17 =	vsel vm3, v42, v17;
	v28 =	vsel vm3, $0x41E80000, v28;
	vm3 =	vlt.f32 v43, v18  }
0x75: {  	v51 =	vld [tilespmem:$0x260];
	v18 =	vsel vm3, v43, v18;
	v31 =	vsel vm3, $0x41F00000, v31;
	vm3 =	vlt.f32 v44, v20  }
0x76: {  	v52 =	vld [tilespmem:$0x270];
	v20 =	vsel vm3, v44, v20;
	v33 =	vsel vm3, $0x41F80000, v33;
	vm3 =	vlt.f32 v45, v12  }
0x77: {  	v53 =	vld [tilespmem:$0x280];
	v12 =	vsel vm3, v45, v12;
	v22 =	vsel vm3, $0x42000000, v22;
	vm3 =	vlt.f32 v46, v13  }
0x78: {  	v54 =	vld [tilespmem:$0x290];
	v13 =	vsel vm3, v46, v13;
	v19 =	vsel vm3, $0x42040000, v19;
	vm3 =	vlt.f32 v47, v14  }
0x79: {  	v55 =	vld [tilespmem:$0x2A0];
	v14 =	vsel vm3, v47, v14;
	v21 =	vsel vm3, $0x42080000, v21;
	vm3 =	vlt.f32 v48, v15  }
0x7a: {  	v56 =	vld [tilespmem:$0x2B0];
	v15 =	vsel vm3, v48, v15;
	v24 =	vsel vm3, $0x420C0000, v24;
	vm3 =	vlt.f32 v49, v16  }
0x7b: {  	v57 =	vld [tilespmem:$0x2C0];
	v16 =	vsel vm3, v49, v16;
	v26 =	vsel vm3, $0x42100000, v26;
	vm3 =	vlt.f32 v50, v17  }
0x7c: {  	v58 =	vld [tilespmem:$0x2D0];
	v17 =	vsel vm3, v50, v17;
	v28 =	vsel vm3, $0x42140000, v28;
	vm3 =	vlt.f32 v51, v18  }
0x7d: {  	v59 =	vld [tilespmem:$0x2E0];
	v18 =	vsel vm3, v51, v18;
	v31 =	vsel vm3, $0x42180000, v31;
	vm3 =	vlt.f32 v52, v20  }
0x7e: {  	v60 =	vld [tilespmem:$0x2F0];
	v20 =	vsel vm3, v52, v20;
	v33 =	vsel vm3, $0x421C0000, v33;
	vm3 =	vlt.f32 v53, v12  }
0x7f: {  	v61 =	vld [tilespmem:$0x300];
	v12 =	vsel vm3, v53, v12;
	v22 =	vsel vm3, $0x42200000, v22;
	vm3 =	vlt.f32 v54, v13  }
0x80: {  	v37 =	vld [tilespmem:$0x340];
	v13 =	vsel vm3, v54, v13;
	v19 =	vsel vm3, $0x42240000, v19;
	vm3 =	vlt.f32 v55, v14  }
0x81: {  	v38 =	vld [tilespmem:$0x350];
	v14 =	vsel vm3, v55, v14;
	v21 =	vsel vm3, $0x42280000, v21;
	vm3 =	vlt.f32 v56, v15  }
0x82: {  	v62 =	vld [tilespmem:$0x310];
	v15 =	vsel vm3, v56, v15;
	v24 =	vsel vm3, $0x422C0000, v24;
	vm3 =	vlt.f32 v57, v16  }
0x83: {  	v63 =	vld [tilespmem:$0x320];
	v16 =	vsel vm3, v57, v16;
	v26 =	vsel vm3, $0x42300000, v26;
	vm3 =	vlt.f32 v58, v17  }
0x84: {  	v40 =	vld [tilespmem:$0x370];
	v17 =	vsel vm3, v58, v17;
	v28 =	vsel vm3, $0x42340000, v28;
	vm3 =	vlt.f32 v59, v18  }
0x85: {  	v46 =	vld [tilespmem:$0x3D0];
	vm15 =	vlt.f32 v37, v16;
	v18 =	vsel vm3, v59, v18;
	v31 =	vsel vm3, $0x42380000, v31  }
0x86: {  	v41 =	vld [tilespmem:$0x380];
	vm3 =	vlt.f32 v60, v20;
	vm9 =	vlt.f32 v38, v17;
	v16 =	vsel vm15, v37, v16  }
0x87: {  	v26 =	vsel vm15, $0x42500000, v26;
	v20 =	vsel vm3, v60, v20;
	v33 =	vsel vm3, $0x423C0000, v33  }
0x88: {  	v36 =	vld [tilespmem:$0x330];
	vm3 =	vlt.f32 v61, v12;
	v17 =	vsel vm9, v38, v17;
	v28 =	vsel vm9, $0x42540000, v28  }
0x89: {  	v39 =	vld [tilespmem:$0x360];
	v12 =	vsel vm3, v61, v12;
	v22 =	vsel vm3, $0x42400000, v22;
	vm3 =	vlt.f32 v62, v13  }
0x8a: {  	v42 =	vld [tilespmem:$0x390];
	vm10 =	vlt.f32 v40, v20;
	vm14 =	vlt.f32 v46, v17;
	v13 =	vsel vm3, v62, v13  }
0x8b: {  	v43 =	vld [tilespmem:$0x3A0];
	v19 =	vsel vm3, $0x42440000, v19;
	vm3 =	vlt.f32 v63, v14;
	vm11 =	vlt.f32 v41, v12  }
0x8c: {  	v44 =	vld [tilespmem:$0x3B0];
	v20 =	vsel vm10, v40, v20;
	v49 =	vsel vm10, $0x425C0000, v33;
	v17 =	vsel vm14, v46, v17  }
0x8d: {  	v45 =	vld [tilespmem:$0x3C0];
	v50 =	vsel vm14, $0x42740000, v28;
	v14 =	vsel vm3, v63, v14;
	v21 =	vsel vm3, $0x42480000, v21  }
0x8e: {  	v47 =	vld [tilespmem:$0x3E0];
	vm3 =	vlt.f32 v36, v15;
	v12 =	vsel vm11, v41, v12;
	v22 =	vsel vm11, $0x42600000, v22  }
0x8f: {  	v15 =	vsel vm3, v36, v15;
	v24 =	vsel vm3, $0x424C0000, v24;
	vm3 =	vlt.f32 v39, v18  }
0x90: {  	v48 =	vld [tilespmem:$0x3F0];
	vm12 =	vlt.f32 v43, v14;
	v18 =	vsel vm3, v39, v18;
	v31 =	vsel vm3, $0x42580000, v31  }
0x91: {  	vm3 =	vlt.f32 v42, v13;
	vm13 =	vlt.f32 v44, v15;
	v14 =	vsel vm12, v43, v14  }
0x92: {  	v21 =	vsel vm12, $0x42680000, v21;
	v13 =	vsel vm3, v42, v13;
	v15 =	vsel vm13, v44, v15  }
0x93: {  	v19 =	vsel vm3, $0x42640000, v19;
	vm3 =	vlt.f32 v45, v16;
	vm15 =	vlt.f32 v47, v18  }
0x94: {  	v24 =	vsel vm13, $0x426C0000, v24;
	v16 =	vsel vm3, v45, v16;
	v18 =	vsel vm15, v47, v18  }
0x95: {  	v26 =	vsel vm3, $0x42700000, v26;
	v51 =	vsel vm15, $0x42780000, v31;
	vm3 =	vlt.f32 v48, v20  }
0x96: {  	vm9 =	veq.f32 v13, v12;
	vm10 =	vlt.f32 v19, v22;
	vm11 =	veq.f32 v15, v14  }
0x97: {  	vm12 =	vlt.f32 v24, v21;
	vm13 =	vlt.f32 v13, v12;
	vm14 =	vlt.f32 v15, v14  }
0x98: {  	v20 =	vsel vm3, v48, v20;
	vm4 =	vmand vm9, vm10;
	vm5 =	vmand vm11, vm12  }
0x99: {  	v52 =	vsel vm3, $0x427C0000, v49;
	vm9 =	veq.f32 v17, v16;
	vm10 =	vlt.f32 v50, v26  }
0x9a: {  	vm3 =	vmor vm13, vm4;
	vm15 =	vmor vm14, vm5;
	vm5 =	vmand vm9, vm10  }
0x9b: {  	vm11 =	veq.f32 v20, v18;
	vm12 =	vlt.f32 v52, v51;
	vm13 =	vlt.f32 v20, v18  }
0x9c: {  	v12 =	vsel vm3, v13, v12;
	v13 =	vsel vm3, v19, v22;
	v14 =	vsel vm15, v15, v14  }
0x9d: {  	vm3 =	vlt.f32 v17, v16;
	vm6 =	vmand vm11, vm12;
	v15 =	vsel vm15, v24, v21  }
0x9e: {  	vm3 =	vmor vm3, vm5;
	vm14 =	vmor vm13, vm6;
	vm15 =	veq.f32 v14, v12  }
0x9f: {  	vm8 =	vlt.f32 v15, v13;
	v16 =	vsel vm3, v17, v16;
	v53 =	vsel vm3, v50, v26  }
0xa0: {  	v18 =	vsel vm14, v20, v18;
	v54 =	vsel vm14, v52, v51;
	vm3 =	vlt.f32 v14, v12  }
0xa1: {  	vm4 =	vmand vm15, vm8;
	vm9 =	veq.f32 v18, v16;
	vm10 =	vlt.f32 v54, v53  }
0xa2: {  	vm3 =	vmor vm3, vm4;
	vm11 =	vlt.f32 v18, v16;
	vm5 =	vmand vm9, vm10  }
0xa3: {  	v12 =	vsel vm3, v14, v12;
	vm4 =	vmor vm11, vm5  }
0xa4: {  	v13 =	vsel vm3, v15, v13;
	v14 =	vsel vm4, v18, v16;
	v15 =	vsel vm4, v54, v53  }
0xa5: {  	vm3 =	veq.f32 v14, v12;
	vm4 =	vlt.f32 v15, v13  }
0xa6: {  	vm12 =	vlt.f32 v14, v12;
	vm3 =	vmand vm3, vm4  }
0xa7: {  	vm3 =	vmor vm12, vm3  }
0xa8: {  	v12 =	vsel vm3, v14, v12  }
0xa9: {  	v14 =	vperm.xlane v12, v4;
	_ =	sdelay $0x1  }
0xaa: {  	v14 =	vmin.f32 v12, v14  }
0xab: {  	v55 =	vperm.xlane v14, v5;
	_ =	sdelay $0x1  }
0xac: {  	v14 =	vmin.f32 v14, v55  }
0xad: {  	v16 =	vperm.xlane v14, v6;
	_ =	sdelay $0x1  }
0xae: {  	v13 =	vsel vm3, v15, v13;
	v14 =	vmin.f32 v14, v16  }
0xaf: {  	v13 =	vmul.f32 $1.600000000e+01, v13;
	v15 =	vperm.xlane v14, v7;
	_ =	sdelay $0x1  }
0xb0: {  	v13 =	vadd.f32 v8, v13;
	v14 =	vmin.f32 v14, v15  }
0xb1: {  	vm3 =	veq.f32 v12, v14  }
0xb2: {  	v12 =	vnsel vm3, $0x45000000, v13  }
0xb3: {  	v13 =	vperm.xlane v12, v4;
	_ =	sdelay $0x1  }
0xb4: {  	v12 =	vmin.f32 v12, v13  }
0xb5: {  	v13 =	vperm.xlane v12, v5;
	_ =	sdelay $0x1  }
0xb6: {  	v12 =	vmin.f32 v12, v13  }
0xb7: {  	v13 =	vperm.xlane v12, v6;
	_ =	sdelay $0x1  }
0xb8: {  	v12 =	vmin.f32 v12, v13  }
0xb9: {  	v13 =	vperm.xlane v12, v7;
	_ =	sdelay $0x1  }
0xba: {  	vm3 =	vgt.f32 v14, $9.999999610e+35;
	v12 =	vmin.f32 v12, v13  }
0xbb: {  	v13 =	vsel vm3, $0x0, v12  }
0xbc: {  	v12 =	vtrunc.f32 v13  }
0xbd: {  	v14 =	vcvt.f32.s32 v12;
	_ =	sdelay $0x1  }
0xbe: {  	v12 =	vshra.s32 v14, $0x5;
	v15 =	vand.u32 $0x1F, v14  }
0xbf: {  	v12 =	vadd.s32 v9, v12;
	v15 =	vadd.s32 v10, v15  }
0xc0: {  	v56 =	vor.u32 v12, v15  }
0xc1: {  	vm13 =	veq.f32 v13, v2;
	v12 =	vshll.u32 v12, $0x5;
	vm3 =	vlt.u32 v56, $0x20  }
0xc2: {  	vm0 =	vmor vm0, vm13;
	v12 =	vadd.s32 v15, v12;
	vm3 =	vmand vm3, vm2  }
0xc3: {  	v15 =	vsel vm3, v12, v14;
	v12 =	vsel vm0, $0x3F800000, v3  }
0xc4: {  	(xrf0) =	vmax.scan.msk.f32 $0xffff, v12;
	_ =	sdelay $0x5  }
0xc5: {  	v59, _, _ =	vpop (xrf0)  }
0xc6: {  	v57 =	vld.idx.msk [tilespmem:v15+s6+$0x0], $0xffff;
	(v2sf) =	vpush v59, $0xF;
	_ =	sdelay $0x1  }
0xc7: {  	v58 =	vld.idx.msk [tilespmem:v15+s5+$0x0], $0xffff;
	_ =	sdelay $0x2  }
0xc8: {  	v60 =	vperm.xlane v57, v11  }
0xc9: {  	v61 =	vld.idx.msk [tilespmem:v15+s7+$0x0], $0xffff  }
0xca: {  	v62 =	vperm.xlane v58, v11;
	vm14 =	vgt.f32 v60, $0.0e+00  }
0xcb: {  	v18 =	vsel vm14, $0x3F800000, v3  }
0xcc: {  	v18 =	vadd.f32 v18, v62;
	_ =	sdelay $0x1  }
0xcd: {  	vm15 =	vlt.f32 v61, $9.999999610e+35;
	vm9 =	vgt.f32 v58, v18  }
0xce: {  	vm10 =	veq.f32 v61, $+Inf;
	vm4 =	vmand vm15, vm9  }
0xcf: {  	vm11 =	vgt.f32 v57, $0.0e+00;
	vm4 =	vmor vm10, vm4  }
0xd0: {  	vm12 =	vlt.f32 v13, v2;
	vm13 =	vgt.f32 v13, v2;
	vm4 =	vmand vm11, vm4  }
0xd1: {  	p0 =	sgt.u32 s4, $0x1FE;
	vm14 =	vmor vm13, vm12;
	vm3 =	vmand vm4, vm3;
	s8 =	spop (v2sf)  }
0xd2: {  	vm4 =	vmand vm14, vm1;
	p1 =	sgt.f32 @!p0 s8, $0.0e+00  }
0xd3: {  	v13 =	vand.u32 $0x7FFFFFFF, v57;
	vm15 =	vmor vm4, vm3  }
0xd4: {  	v13 =	vmul.f32 $5.000000000e-01, v13;
	v63 =	vmul.f32 $5.000000000e-01, v18;
	p1 =	por p0, p1  }
.Ltmp1:
0xd5: {  	_ = 	snop;
	(pc) =	sbr.rel @!p1 .LBB2_2-.Ltmp1, $4  }
0xd6: {  	v13 =	vadd.f32 v63, v13  }
0xd7: {  	[tilespmem:v15+s5+$0x0] =	vst.idx.msk vm3, v18  }
0xd8: {  	v13 =	vsel vm4, $0x7CF0BDC2, v13;
	[tilespmem:v15+s3+$0x0] =	vst.idx.msk vm3, v14  }
0xd9: {  	s4 =	sadd.s32 $0x1, s4;
	[tilespmem:v15+s7+$0x0] =	vst.idx.msk vm15, v13  }
0xda: {  	v3 =	vpsel p0, v12, v12  }
.LBB2_4:
0xdb: {  	v2 =	vld [tilespmem:$0x0]  }
0xdc: {  	v4 =	vld [tilespmem:$0x10]  }
0xdd: {  	v5 =	vld [tilespmem:$0x20]  }
0xde: {  	v6 =	vld [tilespmem:$0x30]  }
0xdf: {  	v7 =	vld [tilespmem:$0x40]  }
0xe0: {  	v63 =	vld [tilespmem:$0x60]  }
0xe1: {  	v13 =	vld [tilespmem:$0x70]  }
0xe2: {  	v15 =	vld [tilespmem:$0x80]  }
0xe3: {  	v17 =	vld [tilespmem:$0x90]  }
0xe4: {  	v20 =	vld [tilespmem:$0xB0]  }
0xe5: {  	vm0 =	veq.f32 v2, $9.999999930e+36;
	v2 =	vld [tilespmem:$0x50]  }
0xe6: {  	v22 =	vld [tilespmem:$0xC0];
	vm12 =	veq.f32 v4, $9.999999930e+36;
	v8 =	vsel vm0, $0x3F800000, v0  }
0xe7: {  	v24 =	vld [tilespmem:$0xD0];
	vm13 =	veq.f32 v5, $9.999999930e+36;
	v12 =	vsel vm12, $0x3F800000, v0;
	[tilespmem:$0xC00] =	vst v8  }
0xe8: {  	v26 =	vld [tilespmem:$0xE0];
	vm14 =	veq.f32 v6, $9.999999930e+36;
	v14 =	vsel vm13, $0x3F800000, v0;
	[tilespmem:$0xC10] =	vst v12  }
0xe9: {  	v29 =	vld [tilespmem:$0x100];
	vm15 =	veq.f32 v7, $9.999999930e+36;
	v16 =	vsel vm14, $0x3F800000, v0;
	[tilespmem:$0xC20] =	vst v14  }
0xea: {  	vm5 =	veq.f32 v63, $9.999999930e+36;
	v18 =	vsel vm15, $0x3F800000, v0;
	[tilespmem:$0xC30] =	vst v16;
	vm4 =	veq.f32 v2, $9.999999930e+36;
	v2 =	vld [tilespmem:$0xA0]  }
0xeb: {  	v31 =	vld [tilespmem:$0x110];
	vm6 =	veq.f32 v13, $9.999999930e+36;
	v21 =	vsel vm5, $0x3F800000, v0;
	[tilespmem:$0xC40] =	vst v18  }
0xec: {  	v33 =	vld [tilespmem:$0x120];
	vm7 =	veq.f32 v15, $9.999999930e+36;
	v23 =	vsel vm6, $0x3F800000, v0;
	[tilespmem:$0xC60] =	vst v21  }
0xed: {  	v35 =	vld [tilespmem:$0x130];
	vm8 =	veq.f32 v17, $9.999999930e+36;
	v25 =	vsel vm7, $0x3F800000, v0;
	[tilespmem:$0xC70] =	vst v23  }
0xee: {  	v38 =	vld [tilespmem:$0x150];
	vm10 =	veq.f32 v20, $9.999999930e+36;
	v27 =	vsel vm8, $0x3F800000, v0;
	[tilespmem:$0xC80] =	vst v25  }
0xef: {  	vm11 =	veq.f32 v22, $9.999999930e+36;
	v30 =	vsel vm10, $0x3F800000, v0;
	[tilespmem:$0xC90] =	vst v27;
	vm9 =	veq.f32 v2, $9.999999930e+36;
	v2 =	vld [tilespmem:$0xF0]  }
0xf0: {  	v42 =	vld [tilespmem:$0x170];
	v32 =	vsel vm11, $0x3F800000, v0;
	vm12 =	veq.f32 v24, $9.999999930e+36;
	[tilespmem:$0xCB0] =	vst v30  }
0xf1: {  	v44 =	vld [tilespmem:$0x180];
	vm13 =	veq.f32 v26, $9.999999930e+36;
	[tilespmem:$0xCC0] =	vst v32;
	v34 =	vsel vm12, $0x3F800000, v0  }
0xf2: {  	v47 =	vld [tilespmem:$0x1A0];
	vm15 =	veq.f32 v29, $9.999999930e+36;
	v36 =	vsel vm13, $0x3F800000, v0;
	[tilespmem:$0xCD0] =	vst v34  }
0xf3: {  	v51 =	vld [tilespmem:$0x1C0];
	vm5 =	veq.f32 v33, $9.999999930e+36;
	v39 =	vsel vm15, $0x3F800000, v0;
	[tilespmem:$0xCE0] =	vst v36  }
0xf4: {  	vm6 =	veq.f32 v35, $9.999999930e+36;
	v43 =	vsel vm5, $0x3F800000, v0;
	[tilespmem:$0xD00] =	vst v39;
	vm14 =	veq.f32 v2, $9.999999930e+36;
	v2 =	vld [tilespmem:$0x140]  }
0xf5: {  	v56 =	vld [tilespmem:$0x1F0];
	vm8 =	veq.f32 v38, $9.999999930e+36;
	v45 =	vsel vm6, $0x3F800000, v0;
	[tilespmem:$0xD20] =	vst v43  }
0xf6: {  	v60 =	vld [tilespmem:$0x210];
	vm10 =	veq.f32 v42, $9.999999930e+36;
	v48 =	vsel vm8, $0x3F800000, v0;
	[tilespmem:$0xD30] =	vst v45  }
0xf7: {  	v13 =	vld [tilespmem:$0x240];
	vm11 =	veq.f32 v44, $9.999999930e+36;
	v52 =	vsel vm10, $0x3F800000, v0;
	[tilespmem:$0xD50] =	vst v48  }
0xf8: {  	v17 =	vld [tilespmem:$0x260];
	v54 =	vsel vm11, $0x3F800000, v0;
	vm13 =	veq.f32 v47, $9.999999930e+36;
	[tilespmem:$0xD70] =	vst v52  }
0xf9: {  	vm15 =	veq.f32 v51, $9.999999930e+36;
	[tilespmem:$0xD80] =	vst v54;
	v57 =	vsel vm13, $0x3F800000, v0;
	vm7 =	veq.f32 v2, $9.999999930e+36;
	v2 =	vld [tilespmem:$0x190]  }
0xfa: {  	v53 =	vld [tilespmem:$0x1D0];
	vm6 =	veq.f32 v56, $9.999999930e+36;
	v61 =	vsel vm15, $0x3F800000, v0;
	[tilespmem:$0xDA0] =	vst v57  }
0xfb: {  	v26 =	vld [tilespmem:$0x2B0];
	vm8 =	veq.f32 v60, $9.999999930e+36;
	v14 =	vsel vm6, $0x3F800000, v0;
	[tilespmem:$0xDC0] =	vst v61  }
0xfc: {  	v35 =	vld [tilespmem:$0x300];
	v18 =	vsel vm8, $0x3F800000, v0;
	[tilespmem:$0xDF0] =	vst v14  }
0xfd: {  	v22 =	vld [tilespmem:$0x290];
	[tilespmem:$0xE10] =	vst v18;
	vm11 =	veq.f32 v13, $9.999999930e+36;
	v19 =	vsel vm4, $0x3F800000, v0  }
0xfe: {  	vm13 =	veq.f32 v17, $9.999999930e+36;
	v23 =	vsel vm11, $0x3F800000, v0;
	[tilespmem:$0xC50] =	vst v19;
	vm12 =	veq.f32 v2, $9.999999930e+36;
	v2 =	vld [tilespmem:$0x1E0]  }
0xff: {  	v44 =	vld [tilespmem:$0x350];
	vm4 =	veq.f32 v31, $9.999999930e+36;
	v27 =	vsel vm13, $0x3F800000, v0;
	[tilespmem:$0xE40] =	vst v23  }
0x100: {  	v40 =	vld [tilespmem:$0x160];
	vm6 =	veq.f32 v26, $9.999999930e+36;
	v41 =	vsel vm4, $0x3F800000, v0;
	[tilespmem:$0xE60] =	vst v27  }
0x101: {  	v62 =	vld [tilespmem:$0x220];
	vm11 =	veq.f32 v35, $9.999999930e+36;
	v36 =	vsel vm6, $0x3F800000, v0;
	[tilespmem:$0xD10] =	vst v41  }
0x102: {  	v31 =	vld [tilespmem:$0x2E0];
	vm4 =	veq.f32 v53, $9.999999930e+36;
	v45 =	vsel vm11, $0x3F800000, v0;
	[tilespmem:$0xEB0] =	vst v36  }
0x103: {  	v63 =	vsel vm4, $0x3F800000, v0;
	vm4 =	veq.f32 v22, $9.999999930e+36;
	[tilespmem:$0xF00] =	vst v45;
	vm5 =	veq.f32 v2, $9.999999930e+36;
	v2 =	vld [tilespmem:$0x230]  }
0x104: {  	v53 =	vld [tilespmem:$0x3A0];
	[tilespmem:$0xDD0] =	vst v63;
	v32 =	vsel vm4, $0x3F800000, v0;
	vm4 =	veq.f32 v44, $9.999999930e+36  }
0x105: {  	v49 =	vld [tilespmem:$0x1B0];
	[tilespmem:$0xE90] =	vst v32;
	v54 =	vsel vm4, $0x3F800000, v0  }
0x106: {  	v19 =	vld [tilespmem:$0x270];
	v28 =	vsel vm9, $0x3F800000, v0;
	vm9 =	veq.f32 v40, $9.999999930e+36;
	[tilespmem:$0xF50] =	vst v54  }
0x107: {  	v40 =	vld [tilespmem:$0x330];
	[tilespmem:$0xCA0] =	vst v28;
	v50 =	vsel vm9, $0x3F800000, v0;
	vm9 =	veq.f32 v62, $9.999999930e+36  }
0x108: {  	[tilespmem:$0xD60] =	vst v50;
	v20 =	vsel vm9, $0x3F800000, v0;
	vm9 =	veq.f32 v31, $9.999999930e+36;
	vm10 =	veq.f32 v2, $9.999999930e+36;
	v2 =	vld [tilespmem:$0x280]  }
0x109: {  	[tilespmem:$0xE20] =	vst v20;
	v41 =	vsel vm9, $0x3F800000, v0;
	vm9 =	veq.f32 v53, $9.999999930e+36  }
0x10a: {  	v58 =	vld [tilespmem:$0x200];
	[tilespmem:$0xEE0] =	vst v41;
	v63 =	vsel vm9, $0x3F800000, v0  }
0x10b: {  	v28 =	vld [tilespmem:$0x2C0];
	v37 =	vsel vm14, $0x3F800000, v0;
	vm14 =	veq.f32 v49, $9.999999930e+36;
	[tilespmem:$0xFA0] =	vst v63  }
0x10c: {  	v49 =	vld [tilespmem:$0x380];
	[tilespmem:$0xCF0] =	vst v37;
	v59 =	vsel vm14, $0x3F800000, v0;
	vm14 =	veq.f32 v19, $9.999999930e+36  }
0x10d: {  	[tilespmem:$0xDB0] =	vst v59;
	v29 =	vsel vm14, $0x3F800000, v0;
	vm14 =	veq.f32 v40, $9.999999930e+36;
	vm15 =	veq.f32 v2, $9.999999930e+36;
	v2 =	vld [tilespmem:$0x2D0]  }
0x10e: {  	v15 =	vld [tilespmem:$0x250];
	[tilespmem:$0xE70] =	vst v29;
	v50 =	vsel vm14, $0x3F800000, v0  }
0x10f: {  	v37 =	vld [tilespmem:$0x310];
	[tilespmem:$0xF30] =	vst v50;
	v46 =	vsel vm7, $0x3F800000, v0;
	vm7 =	veq.f32 v58, $9.999999930e+36  }
0x110: {  	v24 =	vld [tilespmem:$0x2A0];
	[tilespmem:$0xD40] =	vst v46;
	v16 =	vsel vm7, $0x3F800000, v0;
	vm7 =	veq.f32 v28, $9.999999930e+36  }
0x111: {  	v46 =	vld [tilespmem:$0x360];
	[tilespmem:$0xE00] =	vst v16;
	v38 =	vsel vm7, $0x3F800000, v0;
	vm7 =	veq.f32 v49, $9.999999930e+36  }
0x112: {  	[tilespmem:$0xEC0] =	vst v38;
	v59 =	vsel vm7, $0x3F800000, v0;
	vm8 =	veq.f32 v2, $9.999999930e+36;
	v2 =	vld [tilespmem:$0x320]  }
0x113: {  	[tilespmem:$0xF80] =	vst v59;
	v55 =	vsel vm12, $0x3F800000, v0;
	vm12 =	veq.f32 v15, $9.999999930e+36  }
0x114: {  	v33 =	vld [tilespmem:$0x2F0];
	[tilespmem:$0xD90] =	vst v55;
	v25 =	vsel vm12, $0x3F800000, v0;
	vm12 =	veq.f32 v37, $9.999999930e+36  }
0x115: {  	v55 =	vld [tilespmem:$0x3B0];
	[tilespmem:$0xE50] =	vst v25;
	v47 =	vsel vm12, $0x3F800000, v0  }
0x116: {  	v42 =	vld [tilespmem:$0x340];
	[tilespmem:$0xF10] =	vst v47;
	v12 =	vsel vm5, $0x3F800000, v0;
	vm5 =	veq.f32 v24, $9.999999930e+36  }
0x117: {  	[tilespmem:$0xDE0] =	vst v12;
	v34 =	vsel vm5, $0x3F800000, v0;
	vm5 =	veq.f32 v46, $9.999999930e+36;
	vm13 =	veq.f32 v2, $9.999999930e+36;
	v2 =	vld [tilespmem:$0x370]  }
0x118: {  	[tilespmem:$0xEA0] =	vst v34;
	v56 =	vsel vm5, $0x3F800000, v0  }
0x119: {  	v51 =	vld [tilespmem:$0x390];
	[tilespmem:$0xF60] =	vst v56;
	v21 =	vsel vm10, $0x3F800000, v0;
	vm10 =	veq.f32 v33, $9.999999930e+36  }
0x11a: {  	[tilespmem:$0xE30] =	vst v21;
	v43 =	vsel vm10, $0x3F800000, v0;
	vm10 =	veq.f32 v55, $9.999999930e+36  }
0x11b: {  	[tilespmem:$0xEF0] =	vst v43;
	v7 =	vsel vm10, $0x3F800000, v0  }
0x11c: {  	[tilespmem:$0xFB0] =	vst v7;
	v30 =	vsel vm15, $0x3F800000, v0;
	vm15 =	veq.f32 v42, $9.999999930e+36;
	vm6 =	veq.f32 v2, $9.999999930e+36;
	v2 =	vld [tilespmem:$0x3C0]  }
0x11d: {  	v58 =	vld [tilespmem:$0x3D0];
	[tilespmem:$0xE80] =	vst v30;
	v52 =	vsel vm15, $0x3F800000, v0  }
0x11e: {  	v60 =	vld [tilespmem:$0x3E0];
	[tilespmem:$0xF40] =	vst v52;
	v39 =	vsel vm8, $0x3F800000, v0;
	vm8 =	veq.f32 v51, $9.999999930e+36  }
0x11f: {  	v62 =	vld [tilespmem:$0x3F0];
	[tilespmem:$0xED0] =	vst v39;
	v61 =	vsel vm8, $0x3F800000, v0  }
0x120: {  	[tilespmem:$0xF90] =	vst v61;
	v48 =	vsel vm13, $0x3F800000, v0  }
0x121: {  	[tilespmem:$0xF20] =	vst v48;
	v57 =	vsel vm6, $0x3F800000, v0;
	vm11 =	veq.f32 v2, $9.999999930e+36  }
0x122: {  	vm12 =	veq.f32 v58, $9.999999930e+36;
	[tilespmem:$0xF70] =	vst v57;
	v2 =	vsel vm11, $0x3F800000, v0  }
0x123: {  	vm13 =	veq.f32 v60, $9.999999930e+36;
	[tilespmem:$0xFC0] =	vst v2;
	v2 =	vsel vm12, $0x3F800000, v0  }
0x124: {  	vm14 =	veq.f32 v62, $9.999999930e+36;
	[tilespmem:$0xFD0] =	vst v2;
	v2 =	vsel vm13, $0x3F800000, v0  }
0x125: {  	[tilespmem:$0xFE0] =	vst v2;
	v2 =	vsel vm14, $0x3F800000, v0  }
0x126: {  	s4 =	simm.s32 $0xC00;
	[tilespmem:$0xFF0] =	vst v2  }
0x127: {  	[tilespmem:v1+s4+$0x0] =	vst.idx.msk $0x1, v3  }
0x128: {  	v2 =	vld.idx.msk [tilespmem:v1+s3+$0x0], $0xffff;
	_ =	sdelay $0x4  }
0x129: {  	vm15 =	veq.s32 v2, v1  }
0x12a: {  	v0 =	vsel vm15, $0x3F800000, v0  }
0x12b: {  	(xrf0) =	vmax.scan.msk.f32 $0xffff, v0;
	_ =	sdelay $0x5  }
0x12c: {  	v0, _, _ =	vpop (xrf0)  }
0x12d: {  	(v2sf) =	vpush v0, $0xF;
	_ =	sdelay $0xe  }
0x12e: {  	s31 =	spop (v2sf)  }
0x12f: {  	p0 =	sgt.f32 s31, $0.0e+00  }
.Ltmp2:
0x130: {  	_ = 	snop;
	(pc) =	sbr.rel @p0 .LBB2_7-.Ltmp2, $2  }
0x131: {  	_ =	sdelay $0x2  }
0x132: {  	s3 =	sadd.s32 $0x1400, s2;
	s2 =	sadd.s32 $0x1C00, s2  }
0x133: {  	s6 =	simm.s32 $0x0;
	v0 =	vimm.f32 $1.000000000e+00;
	s5 =	simm.s32 $0x1400;
	s7 =	simm.s32 $0x1000;
	v3 =	vimm.f32 $0.0e+00  }
.LBB2_6:
0x134: {  	[tilespmem:v2+s5+$0x0] =	vst.idx.msk $0x1, v0  }
0x135: {  	v2 =	vld.idx.msk [tilespmem:v2+s7+$0x0], $0xffff;
	_ =	sdelay $0x4  }
0x136: {  	vm0 =	veq.s32 v2, v1  }
0x137: {  	v4 =	vsel vm0, $0x3F800000, v3  }
0x138: {  	(xrf0) =	vmax.scan.msk.f32 $0xffff, v4;
	_ =	sdelay $0x5  }
0x139: {  	v4, _, _ =	vpop (xrf0)  }
0x13a: {  	(v2sf) =	vpush v4, $0xF;
	_ =	sdelay $0xe  }
0x13b: {  	p0 =	sgt.u32 s6, $0x1FE;
	s8 =	spop (v2sf)  }
0x13c: {  	p1 =	sgt.f32 @!p0 s8, $0.0e+00;
	_ =	sdelay $0x1  }
0x13d: {  	p0 =	por p0, p1  }
.Ltmp3:
0x13e: {  	_ = 	snop;
	(pc) =	sbr.rel @!p0 .LBB2_6-.Ltmp3, $2  }
0x13f: {  	_ =	sdelay $0x2  }
0x140: {  	s6 =	sadd.s32 $0x1, s6  }
.LBB2_7:
0x141: {  	s5 =	simm.s32 $0x80;
	s6 =	simm.s32 $0x400;
	s30 =	simm.s32 $0x2  }
0x142: {  	[hbm4b:s3+s5] =	stream.strided.scatter [tilespmem:s4], [sflag:$0x2], $0x400, s6, s5, $0x38;
	[tilespmem:$0x1880] =	vst v63  }
0x143: {  	_ =	swait.ge [sflag:s30], $0x400  }
0x144: {  	[sflag:s30] =	ssyncset.done $0x0  }
0x145: {  	s31 =	simm.s32 $0x1400;
	[sflag:s30] =	ssyncadd.s32 $0xFFFFFC00  }
0x146: {  	[hbm4b:s2+s5] =	stream.strided.scatter [tilespmem:s31], [sflag:$0x2], $0x400, s6, s5, $0x38;
	[tilespmem:$0x1880] =	vst v63  }
0x147: {  	_ =	swait.ge [sflag:s30], $0x400  }
0x148: {  	[sflag:s30] =	ssyncset.done $0x0  }
0x149: {  	[sflag:s30] =	ssyncadd.s32 $0xFFFFFC00  }
0x14a: {  	_ =	sfence.sel $0x180000  }
0x14b: {  	[bflag:$0x0] =	sbarrier.arrive $0xFFFF  }
0x14c: {  	p0 =	sne.s32 s1, $0x0;
	_ =	strace $0x90000047  }
0x14d: {  	s0 =	sadd.s32 @!p0 $0x100000, s0;
	[bflag:$0x2] =	sbarrier.arrive $0xFFFF  }
0x14e: {  	[sflag:s0] =	ssyncadd.tile.s32 @!p0 $0x1;
	_ =	shalt  }
.Lfunc_end2:
_tile_overlayer_lowered:
.L_overlay_start_2:
0x14f: {  	(tag) =	ssettag $0x2  }
0x150: {  	s0 =	rddreg [dreg:$0x0];
	s2 =	stileid.u32  }
0x151: {  	s1 =	rddreg [dreg:$0x1];
	p0 =	sne.s32 s2, $0x0  }
0x152: {  	s3 =	rddreg [dreg:$0x2];
	[bflag:$0x3] =	sbarrier.arrive $0xFFFF;
	s2 =	simm.s32 @!p0 $0x1C02  }
0x153: {  	[timem:s3], [sflag:s2] =	dma.local @!p0 [hbm:s0], s1  }
0x154: {  	s0 =	simm.s32 @!p0 $0x2  }
0x155: {  	_ =	swait.ge @!p0 [sflag:s0], s1  }
0x156: {  	s1 =	ssub.s32 @!p0 $0x0, s1;
	[sflag:s0] =	ssyncset.done @!p0 $0x0  }
0x157: {  	[sflag:s0] =	ssyncadd.s32 @!p0 s1  }
0x158: {  	[bflag:$0x3] =	sbarrier.arrive $0xFFFF  }
0x159: {  	_ =	shalt  }

</sc_bundles>
